<compile_context>
chip_gen: v7x
topology: tpu7x:2x2x1
jax: 0.10.2.dev20260603
libtpu: 0.0.44.dev20260713+nightly
codegen_flags: <defaults>
</compile_context>

<pallas_src>
import jax
import jax.numpy as jnp
from jax import lax
from jax.experimental import pallas as pl
from jax.experimental.pallas import tpu as pltpu
from jax.experimental.pallas import tpu_sc as plsc

N = 10000
E = 320000
D = 128
NT = 16
C = 128
NCHUNK = 80
EPT = NCHUNK * C
EP = 2 * NT * EPT
NP = 10240
RPT = NP // NT
NBUF = 2
NIB = 4
REC = 3 * C


def _sc_body(feat_h, gi_h, si_h, wb_h, out, acc,
             rows0, rows1, sem0, sem1, ssem0, ssem1,
             gb0, gb1, gb2, gb3, sb0, sb1, sb2, sb3,
             wv0, wv1, wv2, wv3, isem0, isem1, isem2, isem3):
    c = lax.axis_index("c")
    s = lax.axis_index("s")
    bufs = (rows0, rows1)
    sems = (sem0, sem1)
    ssems = (ssem0, ssem1)
    gbs = (gb0, gb1, gb2, gb3)
    sbs = (sb0, sb1, sb2, sb3)
    wvs = (wv0, wv1, wv2, wv3)
    isems = (isem0, isem1, isem2, isem3)

    def _fetch_idx_rec(m, k):
        pltpu.async_copy(gi_h.at[c, s, k], gbs[m], isems[m])
        pltpu.async_copy(si_h.at[c, s, k], sbs[m], isems[m])
        pltpu.async_copy(wb_h.at[c, s, k], wvs[m], isems[m])

    def _wait_idx_rec(m, k):
        pltpu.make_async_copy(gi_h.at[c, s, k], gbs[m], isems[m]).wait()
        pltpu.make_async_copy(si_h.at[c, s, k], sbs[m], isems[m]).wait()
        pltpu.make_async_copy(wb_h.at[c, s, k], wvs[m], isems[m]).wait()

    for j in range(NIB - 1):
        _fetch_idx_rec(j, j)

    zero16 = jnp.zeros((16,), jnp.float32)

    def _zrow(i, carry):
        for j in range(D // 16):
            rows0[i, pl.ds(j * 16, 16)] = zero16
        return carry

    lax.fori_loop(0, C, _zrow, 0)
    for t in range(RPT // C):
        pltpu.async_copy(rows0, acc.at[pl.ds(s * RPT + t * C, C)], ssem0)
    for t in range(RPT // C):
        pltpu.make_async_copy(
            rows0, acc.at[pl.ds(s * RPT + t * C, C)], ssem0).wait()
    plsc.subcore_barrier()

    def _gidx(m):
        return gbs[m].at[pl.ds(0, C)]

    def _sidx(m):
        return sbs[m].at[pl.ds(0, C)]

    def _scale(rows, wv):
        @plsc.parallel_loop(0, C, unroll=8,
                            carry=jnp.full((16,), 0, jnp.int32))
        def _row(r, widx):
            w = plsc.bitcast(plsc.load_gather(wv, [widx]), jnp.float32)
            for q in range(D // 16):
                rows[r, pl.ds(q * 16, 16)] = rows[r, pl.ds(q * 16, 16)] * w
            return widx + 1

    _wait_idx_rec(0, 0)
    pltpu.async_copy(feat_h.at[_gidx(0)], bufs[0], sems[0])

    def _quad(qi, carry):
        k0 = NIB * qi
        for u in range(NIB):
            k = k0 + u
            b = u % NBUF
            pb = (u - 1) % NBUF
            pm = (u - 1) % NIB
            nb = (u + 1) % NBUF
            nm = (u + 1) % NIB
            fm = (u + NIB - 1) % NIB

            @pl.when(k >= 1)
            def _drain_scatter():
                pltpu.make_async_copy(
                    bufs[pb], acc.at[_sidx(pm)], ssems[pb]).wait()

            @pl.when(k + NIB - 1 < NCHUNK)
            def _fetch_idx():
                _fetch_idx_rec(fm, k + NIB - 1)

            @pl.when(k + 1 < NCHUNK)
            def _prefetch():
                _wait_idx_rec(nm, k + 1)
                pltpu.async_copy(
                    feat_h.at[_gidx(nm)], bufs[nb], sems[nb])

            pltpu.make_async_copy(
                feat_h.at[_gidx(u)], bufs[b], sems[b]).wait()
            _scale(bufs[b], wvs[u])
            pltpu.async_copy(bufs[b], acc.at[_sidx(u)], ssems[b], add=True)
        return carry

    lax.fori_loop(0, NCHUNK // NIB, _quad, 0)
    pltpu.make_async_copy(
        bufs[(NCHUNK - 1) % NBUF], acc.at[_sidx((NCHUNK - 1) % NIB)],
        ssems[(NCHUNK - 1) % NBUF]).wait()
    plsc.subcore_barrier()

    pltpu.sync_copy(acc.at[pl.ds(s * RPT, RPT)],
                    out.at[c, pl.ds(s * RPT, RPT)])


_sc_call = pl.kernel(
    _sc_body,
    out_type=jax.ShapeDtypeStruct((2, NP, D), jnp.float32),
    mesh=plsc.VectorSubcoreMesh(core_axis_name="c", subcore_axis_name="s"),
    compiler_params=pltpu.CompilerParams(
        use_tc_tiling_on_sc=False, needs_layout_passes=False),
    scratch_types=(
        [pltpu.VMEM_SHARED((NP, D), jnp.float32)]
        + [pltpu.VMEM((C, D), jnp.float32)] * NBUF
        + [pltpu.SemaphoreType.DMA] * NBUF
        + [pltpu.SemaphoreType.DMA] * NBUF
        + [pltpu.VMEM((C,), jnp.int32)] * (3 * NIB)
        + [pltpu.SemaphoreType.DMA] * NIB
    ),
)


def _combine_body(p_ref, o_ref):
    o_ref[...] = p_ref[0] + p_ref[1]


_CB = 1000
_combine = pl.pallas_call(
    _combine_body,
    grid=(N // _CB,),
    in_specs=[pl.BlockSpec((2, _CB, D), lambda i: (0, i, 0))],
    out_specs=pl.BlockSpec((_CB, D), lambda i: (i, 0)),
    out_shape=jax.ShapeDtypeStruct((N, D), jnp.float32),
)


@jax.jit
def kernel(feat, edge_index, edge_weight):
    src = edge_index[0].astype(jnp.int32)
    dst = edge_index[1].astype(jnp.int32)
    pad = EP - E
    pad_idx = jnp.arange(pad, dtype=jnp.int32) % N
    src_p = jnp.concatenate([src, pad_idx])
    dst_p = jnp.concatenate([dst, pad_idx])
    w_bits = lax.bitcast_convert_type(
        jnp.concatenate([edge_weight, jnp.zeros((pad,), jnp.float32)]),
        jnp.int32)
    gi_h = dst_p.reshape(2, NT, NCHUNK, C)
    si_h = src_p.reshape(2, NT, NCHUNK, C)
    wb_h = w_bits.reshape(2, NT, NCHUNK, C)
    partials = _sc_call(feat, gi_h, si_h, wb_h)
    return _combine(partials)

# --- scband reference (transcript-rebuilt; emitter-appended) ---
"""Pipeline reference for scband-gcnconv-87514253623560 (READ-ONLY COPY).

The authoritative reference and input builder live on the scoring server;
editing this copy changes nothing except your own understanding.
"""

import jax, jax.numpy as jnp
import numpy as np

N = 10000
E = 320000
D = 128

def setup_inputs(seed: int = 0) -> dict:
    key = jax.random.key(seed)
    k1, k2, k3 = jax.random.split(key, 3)
    feat = jax.random.normal(k1, (N, D), dtype=jnp.float32)
    edge_index = jax.random.randint(k2, (2, E), 0, N)
    edge_weight = jax.random.uniform(k3, (E,), dtype=jnp.float32)
    return {"feat": feat, "edge_index": edge_index, "edge_weight": edge_weight}

def reference(feat, edge_index, edge_weight):
    # Original module builds a reversed graph: new_src = orig_dst, new_dst = orig_src.
    # Message = feat[new_src] * edge_weight, summed at new_dst.
    # With edge_index = [src; dst] of the ORIGINAL graph:
    #   rst[src_e] += feat[dst_e] * edge_weight[e]
    src = edge_index[0]
    dst = edge_index[1]
    msg = jnp.take(feat, dst, axis=0) * edge_weight[:, None]
    rst = jax.ops.segment_sum(msg, src, num_segments=feat.shape[0])
    return rst

if __name__ == "__main__":
    import jax
    _d = setup_inputs()
    print(jax.jit(kernel)(*tuple(_d.values())))

</pallas_src>

<mosaic_0001>
#map = affine_map<(d0, d1) -> (0, 0)>
#map1 = affine_map<(d0, d1) -> (0, 0, 0, 0)>
#map2 = affine_map<(d0, d1) -> (0, 0, 0)>
module attributes {stable_mosaic.version = 14 : i64} {
  func.func @_sc_body(%arg0: i32, %arg1: i32, %arg2: memref<10000x128xf32, #tpu.memory_space<hbm>>, %arg3: memref<2x16x80x128xi32, #tpu.memory_space<hbm>>, %arg4: memref<2x16x80x128xi32, #tpu.memory_space<hbm>>, %arg5: memref<2x16x80x128xi32, #tpu.memory_space<hbm>>, %arg6: memref<2x10240x128xf32, #tpu.memory_space<hbm>>, %arg7: memref<10240x128xf32, #tpu.memory_space<vmem_shared>>, %arg8: memref<128x128xf32, #tpu.memory_space<vmem>>, %arg9: memref<128x128xf32, #tpu.memory_space<vmem>>, %arg10: memref<!tpu.dma_semaphore, #tpu.memory_space<semaphore_mem>>, %arg11: memref<!tpu.dma_semaphore, #tpu.memory_space<semaphore_mem>>, %arg12: memref<!tpu.dma_semaphore, #tpu.memory_space<semaphore_mem>>, %arg13: memref<!tpu.dma_semaphore, #tpu.memory_space<semaphore_mem>>, %arg14: memref<128xi32, #tpu.memory_space<vmem>>, %arg15: memref<128xi32, #tpu.memory_space<vmem>>, %arg16: memref<128xi32, #tpu.memory_space<vmem>>, %arg17: memref<128xi32, #tpu.memory_space<vmem>>, %arg18: memref<128xi32, #tpu.memory_space<vmem>>, %arg19: memref<128xi32, #tpu.memory_space<vmem>>, %arg20: memref<128xi32, #tpu.memory_space<vmem>>, %arg21: memref<128xi32, #tpu.memory_space<vmem>>, %arg22: memref<128xi32, #tpu.memory_space<vmem>>, %arg23: memref<128xi32, #tpu.memory_space<vmem>>, %arg24: memref<128xi32, #tpu.memory_space<vmem>>, %arg25: memref<128xi32, #tpu.memory_space<vmem>>, %arg26: memref<!tpu.dma_semaphore, #tpu.memory_space<semaphore_mem>>, %arg27: memref<!tpu.dma_semaphore, #tpu.memory_space<semaphore_mem>>, %arg28: memref<!tpu.dma_semaphore, #tpu.memory_space<semaphore_mem>>, %arg29: memref<!tpu.dma_semaphore, #tpu.memory_space<semaphore_mem>>) attributes {dimension_semantics = [#tpu.dimension_semantics<core_parallel>, #tpu.dimension_semantics<subcore_parallel>], iteration_bounds = array<i64: 2, 16>, scalar_prefetch = 0 : i64, scratch_operands = 23 : i64, tpu.core_type = #tpu.core_type<sc_vector_subcore>, window_params = [{transform_indices = #map}, {transform_indices = #map1}, {transform_indices = #map1}, {transform_indices = #map1}, {transform_indices = #map2}]} {
    %dma_start3A = arith.constant 0 : i32
    %dma_start3A_0 = arith.constant 0 : i32
    %dma_start3A_1 = tpu.memref_slice %arg3[%arg0, %arg1, %dma_start3A, %dma_start3A_0] : memref<2x16x80x128xi32, #tpu.memory_space<hbm>> -> memref<1x1x1x128xi32, #tpu.memory_space<hbm>>
    %dma_start3A_2 = tpu.memref_squeeze %dma_start3A_1 : memref<1x1x1x128xi32, #tpu.memory_space<hbm>> -> memref<128xi32, #tpu.memory_space<hbm>>
    %dma_start3A_3 = arith.constant 0 : i32
    %dma_start3A_4 = tpu.memref_slice %arg3[%arg0, %arg1, %dma_start3A, %dma_start3A_3] : memref<2x16x80x128xi32, #tpu.memory_space<hbm>> -> memref<1x1x1x128xi32, #tpu.memory_space<hbm>>
    %dma_start3A_5 = tpu.memref_squeeze %dma_start3A_4 : memref<1x1x1x128xi32, #tpu.memory_space<hbm>> -> memref<128xi32, #tpu.memory_space<hbm>>
    tpu.enqueue_dma source(%dma_start3A_5 : memref<128xi32, #tpu.memory_space<hbm>>) target(%arg14 : memref<128xi32, #tpu.memory_space<vmem>>) target_semaphore(%arg26 : memref<!tpu.dma_semaphore, #tpu.memory_space<semaphore_mem>>)
    %dma_start3A_6 = arith.constant 0 : i32
    %dma_start3A_7 = arith.constant 0 : i32
    %dma_start3A_8 = tpu.memref_slice %arg4[%arg0, %arg1, %dma_start3A_6, %dma_start3A_7] : memref<2x16x80x128xi32, #tpu.memory_space<hbm>> -> memref<1x1x1x128xi32, #tpu.memory_space<hbm>>
    %dma_start3A_9 = tpu.memref_squeeze %dma_start3A_8 : memref<1x1x1x128xi32, #tpu.memory_space<hbm>> -> memref<128xi32, #tpu.memory_space<hbm>>
    %dma_start3A_10 = arith.constant 0 : i32
    %dma_start3A_11 = tpu.memref_slice %arg4[%arg0, %arg1, %dma_start3A_6, %dma_start3A_10] : memref<2x16x80x128xi32, #tpu.memory_space<hbm>> -> memref<1x1x1x128xi32, #tpu.memory_space<hbm>>
    %dma_start3A_12 = tpu.memref_squeeze %dma_start3A_11 : memref<1x1x1x128xi32, #tpu.memory_space<hbm>> -> memref<128xi32, #tpu.memory_space<hbm>>
    tpu.enqueue_dma source(%dma_start3A_12 : memref<128xi32, #tpu.memory_space<hbm>>) target(%arg18 : memref<128xi32, #tpu.memory_space<vmem>>) target_semaphore(%arg26 : memref<!tpu.dma_semaphore, #tpu.memory_space<semaphore_mem>>)
    %dma_start3A_13 = arith.constant 0 : i32
    %dma_start3A_14 = arith.constant 0 : i32
    %dma_start3A_15 = tpu.memref_slice %arg5[%arg0, %arg1, %dma_start3A_13, %dma_start3A_14] : memref<2x16x80x128xi32, #tpu.memory_space<hbm>> -> memref<1x1x1x128xi32, #tpu.memory_space<hbm>>
    %dma_start3A_16 = tpu.memref_squeeze %dma_start3A_15 : memref<1x1x1x128xi32, #tpu.memory_space<hbm>> -> memref<128xi32, #tpu.memory_space<hbm>>
    %dma_start3A_17 = arith.constant 0 : i32
    %dma_start3A_18 = tpu.memref_slice %arg5[%arg0, %arg1, %dma_start3A_13, %dma_start3A_17] : memref<2x16x80x128xi32, #tpu.memory_space<hbm>> -> memref<1x1x1x128xi32, #tpu.memory_space<hbm>>
    %dma_start3A_19 = tpu.memref_squeeze %dma_start3A_18 : memref<1x1x1x128xi32, #tpu.memory_space<hbm>> -> memref<128xi32, #tpu.memory_space<hbm>>
    tpu.enqueue_dma source(%dma_start3A_19 : memref<128xi32, #tpu.memory_space<hbm>>) target(%arg22 : memref<128xi32, #tpu.memory_space<vmem>>) target_semaphore(%arg26 : memref<!tpu.dma_semaphore, #tpu.memory_space<semaphore_mem>>)
    %dma_start3A_20 = arith.constant 1 : i32
    %dma_start3A_21 = arith.constant 0 : i32
    %dma_start3A_22 = tpu.memref_slice %arg3[%arg0, %arg1, %dma_start3A_20, %dma_start3A_21] : memref<2x16x80x128xi32, #tpu.memory_space<hbm>> -> memref<1x1x1x128xi32, #tpu.memory_space<hbm>>
    %dma_start3A_23 = tpu.memref_squeeze %dma_start3A_22 : memref<1x1x1x128xi32, #tpu.memory_space<hbm>> -> memref<128xi32, #tpu.memory_space<hbm>>
    %dma_start3A_24 = arith.constant 0 : i32
    %dma_start3A_25 = tpu.memref_slice %arg3[%arg0, %arg1, %dma_start3A_20, %dma_start3A_24] : memref<2x16x80x128xi32, #tpu.memory_space<hbm>> -> memref<1x1x1x128xi32, #tpu.memory_space<hbm>>
    %dma_start3A_26 = tpu.memref_squeeze %dma_start3A_25 : memref<1x1x1x128xi32, #tpu.memory_space<hbm>> -> memref<128xi32, #tpu.memory_space<hbm>>
    tpu.enqueue_dma source(%dma_start3A_26 : memref<128xi32, #tpu.memory_space<hbm>>) target(%arg15 : memref<128xi32, #tpu.memory_space<vmem>>) target_semaphore(%arg27 : memref<!tpu.dma_semaphore, #tpu.memory_space<semaphore_mem>>)
    %dma_start3A_27 = arith.constant 1 : i32
    %dma_start3A_28 = arith.constant 0 : i32
    %dma_start3A_29 = tpu.memref_slice %arg4[%arg0, %arg1, %dma_start3A_27, %dma_start3A_28] : memref<2x16x80x128xi32, #tpu.memory_space<hbm>> -> memref<1x1x1x128xi32, #tpu.memory_space<hbm>>
    %dma_start3A_30 = tpu.memref_squeeze %dma_start3A_29 : memref<1x1x1x128xi32, #tpu.memory_space<hbm>> -> memref<128xi32, #tpu.memory_space<hbm>>
    %dma_start3A_31 = arith.constant 0 : i32
    %dma_start3A_32 = tpu.memref_slice %arg4[%arg0, %arg1, %dma_start3A_27, %dma_start3A_31] : memref<2x16x80x128xi32, #tpu.memory_space<hbm>> -> memref<1x1x1x128xi32, #tpu.memory_space<hbm>>
    %dma_start3A_33 = tpu.memref_squeeze %dma_start3A_32 : memref<1x1x1x128xi32, #tpu.memory_space<hbm>> -> memref<128xi32, #tpu.memory_space<hbm>>
    tpu.enqueue_dma source(%dma_start3A_33 : memref<128xi32, #tpu.memory_space<hbm>>) target(%arg19 : memref<128xi32, #tpu.memory_space<vmem>>) target_semaphore(%arg27 : memref<!tpu.dma_semaphore, #tpu.memory_space<semaphore_mem>>)
    %dma_start3A_34 = arith.constant 1 : i32
    %dma_start3A_35 = arith.constant 0 : i32
    %dma_start3A_36 = tpu.memref_slice %arg5[%arg0, %arg1, %dma_start3A_34, %dma_start3A_35] : memref<2x16x80x128xi32, #tpu.memory_space<hbm>> -> memref<1x1x1x128xi32, #tpu.memory_space<hbm>>
    %dma_start3A_37 = tpu.memref_squeeze %dma_start3A_36 : memref<1x1x1x128xi32, #tpu.memory_space<hbm>> -> memref<128xi32, #tpu.memory_space<hbm>>
    %dma_start3A_38 = arith.constant 0 : i32
    %dma_start3A_39 = tpu.memref_slice %arg5[%arg0, %arg1, %dma_start3A_34, %dma_start3A_38] : memref<2x16x80x128xi32, #tpu.memory_space<hbm>> -> memref<1x1x1x128xi32, #tpu.memory_space<hbm>>
    %dma_start3A_40 = tpu.memref_squeeze %dma_start3A_39 : memref<1x1x1x128xi32, #tpu.memory_space<hbm>> -> memref<128xi32, #tpu.memory_space<hbm>>
    tpu.enqueue_dma source(%dma_start3A_40 : memref<128xi32, #tpu.memory_space<hbm>>) target(%arg23 : memref<128xi32, #tpu.memory_space<vmem>>) target_semaphore(%arg27 : memref<!tpu.dma_semaphore, #tpu.memory_space<semaphore_mem>>)
    %dma_start3A_41 = arith.constant 2 : i32
    %dma_start3A_42 = arith.constant 0 : i32
    %dma_start3A_43 = tpu.memref_slice %arg3[%arg0, %arg1, %dma_start3A_41, %dma_start3A_42] : memref<2x16x80x128xi32, #tpu.memory_space<hbm>> -> memref<1x1x1x128xi32, #tpu.memory_space<hbm>>
    %dma_start3A_44 = tpu.memref_squeeze %dma_start3A_43 : memref<1x1x1x128xi32, #tpu.memory_space<hbm>> -> memref<128xi32, #tpu.memory_space<hbm>>
    %dma_start3A_45 = arith.constant 0 : i32
    %dma_start3A_46 = tpu.memref_slice %arg3[%arg0, %arg1, %dma_start3A_41, %dma_start3A_45] : memref<2x16x80x128xi32, #tpu.memory_space<hbm>> -> memref<1x1x1x128xi32, #tpu.memory_space<hbm>>
    %dma_start3A_47 = tpu.memref_squeeze %dma_start3A_46 : memref<1x1x1x128xi32, #tpu.memory_space<hbm>> -> memref<128xi32, #tpu.memory_space<hbm>>
    tpu.enqueue_dma source(%dma_start3A_47 : memref<128xi32, #tpu.memory_space<hbm>>) target(%arg16 : memref<128xi32, #tpu.memory_space<vmem>>) target_semaphore(%arg28 : memref<!tpu.dma_semaphore, #tpu.memory_space<semaphore_mem>>)
    %dma_start3A_48 = arith.constant 2 : i32
    %dma_start3A_49 = arith.constant 0 : i32
    %dma_start3A_50 = tpu.memref_slice %arg4[%arg0, %arg1, %dma_start3A_48, %dma_start3A_49] : memref<2x16x80x128xi32, #tpu.memory_space<hbm>> -> memref<1x1x1x128xi32, #tpu.memory_space<hbm>>
    %dma_start3A_51 = tpu.memref_squeeze %dma_start3A_50 : memref<1x1x1x128xi32, #tpu.memory_space<hbm>> -> memref<128xi32, #tpu.memory_space<hbm>>
    %dma_start3A_52 = arith.constant 0 : i32
    %dma_start3A_53 = tpu.memref_slice %arg4[%arg0, %arg1, %dma_start3A_48, %dma_start3A_52] : memref<2x16x80x128xi32, #tpu.memory_space<hbm>> -> memref<1x1x1x128xi32, #tpu.memory_space<hbm>>
    %dma_start3A_54 = tpu.memref_squeeze %dma_start3A_53 : memref<1x1x1x128xi32, #tpu.memory_space<hbm>> -> memref<128xi32, #tpu.memory_space<hbm>>
    tpu.enqueue_dma source(%dma_start3A_54 : memref<128xi32, #tpu.memory_space<hbm>>) target(%arg20 : memref<128xi32, #tpu.memory_space<vmem>>) target_semaphore(%arg28 : memref<!tpu.dma_semaphore, #tpu.memory_space<semaphore_mem>>)
    %dma_start3A_55 = arith.constant 2 : i32
    %dma_start3A_56 = arith.constant 0 : i32
    %dma_start3A_57 = tpu.memref_slice %arg5[%arg0, %arg1, %dma_start3A_55, %dma_start3A_56] : memref<2x16x80x128xi32, #tpu.memory_space<hbm>> -> memref<1x1x1x128xi32, #tpu.memory_space<hbm>>
    %dma_start3A_58 = tpu.memref_squeeze %dma_start3A_57 : memref<1x1x1x128xi32, #tpu.memory_space<hbm>> -> memref<128xi32, #tpu.memory_space<hbm>>
    %dma_start3A_59 = arith.constant 0 : i32
    %dma_start3A_60 = tpu.memref_slice %arg5[%arg0, %arg1, %dma_start3A_55, %dma_start3A_59] : memref<2x16x80x128xi32, #tpu.memory_space<hbm>> -> memref<1x1x1x128xi32, #tpu.memory_space<hbm>>
    %dma_start3A_61 = tpu.memref_squeeze %dma_start3A_60 : memref<1x1x1x128xi32, #tpu.memory_space<hbm>> -> memref<128xi32, #tpu.memory_space<hbm>>
    tpu.enqueue_dma source(%dma_start3A_61 : memref<128xi32, #tpu.memory_space<hbm>>) target(%arg24 : memref<128xi32, #tpu.memory_space<vmem>>) target_semaphore(%arg28 : memref<!tpu.dma_semaphore, #tpu.memory_space<semaphore_mem>>)
    %broadcast_in_dim3A = arith.constant 0.000000e+00 : f32
    %broadcast_in_dim3A_62 = vector.broadcast %broadcast_in_dim3A : f32 to vector<16xf32>
    %scan3A = arith.constant 0 : i32
    %scan3A_63 = arith.constant 0 : i32
    %scan3A_64 = arith.constant 128 : i32
    %scan3A_65 = arith.addi %scan3A_63, %scan3A_64 : i32
    %scan3A_66 = arith.constant 1 : i32
    scf.for %scan3A_187 = %scan3A_63 to %scan3A_65 step %scan3A_66  : i32 {
      %swap3A = arith.index_cast %scan3A_187 : i32 to index
      %swap3A_188 = arith.constant 0 : index
      %swap3A_189 = tpu.vector_load %arg8[%swap3A, %swap3A_188] {strides = array<i32>} : memref<128x128xf32, #tpu.memory_space<vmem>>, vector<16xf32>,
      tpu.vector_store %arg8[%swap3A, %swap3A_188], %broadcast_in_dim3A_62 {strides = array<i32>} : memref<128x128xf32, #tpu.memory_space<vmem>>, vector<16xf32>,
      %swap3A_190 = arith.index_cast %scan3A_187 : i32 to index
      %swap3A_191 = arith.constant 16 : index
      %swap3A_192 = tpu.vector_load %arg8[%swap3A_190, %swap3A_191] {strides = array<i32>} : memref<128x128xf32, #tpu.memory_space<vmem>>, vector<16xf32>,
      tpu.vector_store %arg8[%swap3A_190, %swap3A_191], %broadcast_in_dim3A_62 {strides = array<i32>} : memref<128x128xf32, #tpu.memory_space<vmem>>, vector<16xf32>,
      %swap3A_193 = arith.index_cast %scan3A_187 : i32 to index
      %swap3A_194 = arith.constant 32 : index
      %swap3A_195 = tpu.vector_load %arg8[%swap3A_193, %swap3A_194] {strides = array<i32>} : memref<128x128xf32, #tpu.memory_space<vmem>>, vector<16xf32>,
      tpu.vector_store %arg8[%swap3A_193, %swap3A_194], %broadcast_in_dim3A_62 {strides = array<i32>} : memref<128x128xf32, #tpu.memory_space<vmem>>, vector<16xf32>,
      %swap3A_196 = arith.index_cast %scan3A_187 : i32 to index
      %swap3A_197 = arith.constant 48 : index
      %swap3A_198 = tpu.vector_load %arg8[%swap3A_196, %swap3A_197] {strides = array<i32>} : memref<128x128xf32, #tpu.memory_space<vmem>>, vector<16xf32>,
      tpu.vector_store %arg8[%swap3A_196, %swap3A_197], %broadcast_in_dim3A_62 {strides = array<i32>} : memref<128x128xf32, #tpu.memory_space<vmem>>, vector<16xf32>,
      %swap3A_199 = arith.index_cast %scan3A_187 : i32 to index
      %swap3A_200 = arith.constant 64 : index
      %swap3A_201 = tpu.vector_load %arg8[%swap3A_199, %swap3A_200] {strides = array<i32>} : memref<128x128xf32, #tpu.memory_space<vmem>>, vector<16xf32>,
      tpu.vector_store %arg8[%swap3A_199, %swap3A_200], %broadcast_in_dim3A_62 {strides = array<i32>} : memref<128x128xf32, #tpu.memory_space<vmem>>, vector<16xf32>,
      %swap3A_202 = arith.index_cast %scan3A_187 : i32 to index
      %swap3A_203 = arith.constant 80 : index
      %swap3A_204 = tpu.vector_load %arg8[%swap3A_202, %swap3A_203] {strides = array<i32>} : memref<128x128xf32, #tpu.memory_space<vmem>>, vector<16xf32>,
      tpu.vector_store %arg8[%swap3A_202, %swap3A_203], %broadcast_in_dim3A_62 {strides = array<i32>} : memref<128x128xf32, #tpu.memory_space<vmem>>, vector<16xf32>,
      %swap3A_205 = arith.index_cast %scan3A_187 : i32 to index
      %swap3A_206 = arith.constant 96 : index
      %swap3A_207 = tpu.vector_load %arg8[%swap3A_205, %swap3A_206] {strides = array<i32>} : memref<128x128xf32, #tpu.memory_space<vmem>>, vector<16xf32>,
      tpu.vector_store %arg8[%swap3A_205, %swap3A_206], %broadcast_in_dim3A_62 {strides = array<i32>} : memref<128x128xf32, #tpu.memory_space<vmem>>, vector<16xf32>,
      %swap3A_208 = arith.index_cast %scan3A_187 : i32 to index
      %swap3A_209 = arith.constant 112 : index
      %swap3A_210 = tpu.vector_load %arg8[%swap3A_208, %swap3A_209] {strides = array<i32>} : memref<128x128xf32, #tpu.memory_space<vmem>>, vector<16xf32>,
      tpu.vector_store %arg8[%swap3A_208, %swap3A_209], %broadcast_in_dim3A_62 {strides = array<i32>} : memref<128x128xf32, #tpu.memory_space<vmem>>, vector<16xf32>,
    }
    %scan3A_67 = arith.constant 128 : i32
    %mul3A = arith.constant 640 : i32
    %mul3A_68 = arith.muli %arg1, %mul3A : i32
    %add3A = arith.constant 0 : i32
    %add3A_69 = arith.addi %mul3A_68, %add3A : i32
    %dma_start3A_70 = arith.constant 0 : i32
    %dma_start3A_71 = tpu.memref_slice %arg7[%add3A_69, %dma_start3A_70] : memref<10240x128xf32, #tpu.memory_space<vmem_shared>> -> memref<128x128xf32, #tpu.memory_space<vmem_shared>>
    %dma_start3A_72 = arith.constant 0 : i32
    %dma_start3A_73 = tpu.memref_slice %arg7[%add3A_69, %dma_start3A_72] : memref<10240x128xf32, #tpu.memory_space<vmem_shared>> -> memref<128x128xf32, #tpu.memory_space<vmem_shared>>
    tpu.enqueue_dma source(%arg8 : memref<128x128xf32, #tpu.memory_space<vmem>>) target(%dma_start3A_73 : memref<128x128xf32, #tpu.memory_space<vmem_shared>>) target_semaphore(%arg12 : memref<!tpu.dma_semaphore, #tpu.memory_space<semaphore_mem>>)
    %mul3A_74 = arith.constant 640 : i32
    %mul3A_75 = arith.muli %arg1, %mul3A_74 : i32
    %add3A_76 = arith.constant 128 : i32
    %add3A_77 = arith.addi %mul3A_75, %add3A_76 : i32
    %dma_start3A_78 = arith.constant 0 : i32
    %dma_start3A_79 = tpu.memref_slice %arg7[%add3A_77, %dma_start3A_78] : memref<10240x128xf32, #tpu.memory_space<vmem_shared>> -> memref<128x128xf32, #tpu.memory_space<vmem_shared>>
    %dma_start3A_80 = arith.constant 0 : i32
    %dma_start3A_81 = tpu.memref_slice %arg7[%add3A_77, %dma_start3A_80] : memref<10240x128xf32, #tpu.memory_space<vmem_shared>> -> memref<128x128xf32, #tpu.memory_space<vmem_shared>>
    tpu.enqueue_dma source(%arg8 : memref<128x128xf32, #tpu.memory_space<vmem>>) target(%dma_start3A_81 : memref<128x128xf32, #tpu.memory_space<vmem_shared>>) target_semaphore(%arg12 : memref<!tpu.dma_semaphore, #tpu.memory_space<semaphore_mem>>)
    %mul3A_82 = arith.constant 640 : i32
    %mul3A_83 = arith.muli %arg1, %mul3A_82 : i32
    %add3A_84 = arith.constant 256 : i32
    %add3A_85 = arith.addi %mul3A_83, %add3A_84 : i32
    %dma_start3A_86 = arith.constant 0 : i32
    %dma_start3A_87 = tpu.memref_slice %arg7[%add3A_85, %dma_start3A_86] : memref<10240x128xf32, #tpu.memory_space<vmem_shared>> -> memref<128x128xf32, #tpu.memory_space<vmem_shared>>
    %dma_start3A_88 = arith.constant 0 : i32
    %dma_start3A_89 = tpu.memref_slice %arg7[%add3A_85, %dma_start3A_88] : memref<10240x128xf32, #tpu.memory_space<vmem_shared>> -> memref<128x128xf32, #tpu.memory_space<vmem_shared>>
    tpu.enqueue_dma source(%arg8 : memref<128x128xf32, #tpu.memory_space<vmem>>) target(%dma_start3A_89 : memref<128x128xf32, #tpu.memory_space<vmem_shared>>) target_semaphore(%arg12 : memref<!tpu.dma_semaphore, #tpu.memory_space<semaphore_mem>>)
    %mul3A_90 = arith.constant 640 : i32
    %mul3A_91 = arith.muli %arg1, %mul3A_90 : i32
    %add3A_92 = arith.constant 384 : i32
    %add3A_93 = arith.addi %mul3A_91, %add3A_92 : i32
    %dma_start3A_94 = arith.constant 0 : i32
    %dma_start3A_95 = tpu.memref_slice %arg7[%add3A_93, %dma_start3A_94] : memref<10240x128xf32, #tpu.memory_space<vmem_shared>> -> memref<128x128xf32, #tpu.memory_space<vmem_shared>>
    %dma_start3A_96 = arith.constant 0 : i32
    %dma_start3A_97 = tpu.memref_slice %arg7[%add3A_93, %dma_start3A_96] : memref<10240x128xf32, #tpu.memory_space<vmem_shared>> -> memref<128x128xf32, #tpu.memory_space<vmem_shared>>
    tpu.enqueue_dma source(%arg8 : memref<128x128xf32, #tpu.memory_space<vmem>>) target(%dma_start3A_97 : memref<128x128xf32, #tpu.memory_space<vmem_shared>>) target_semaphore(%arg12 : memref<!tpu.dma_semaphore, #tpu.memory_space<semaphore_mem>>)
    %mul3A_98 = arith.constant 640 : i32
    %mul3A_99 = arith.muli %arg1, %mul3A_98 : i32
    %add3A_100 = arith.constant 512 : i32
    %add3A_101 = arith.addi %mul3A_99, %add3A_100 : i32
    %dma_start3A_102 = arith.constant 0 : i32
    %dma_start3A_103 = tpu.memref_slice %arg7[%add3A_101, %dma_start3A_102] : memref<10240x128xf32, #tpu.memory_space<vmem_shared>> -> memref<128x128xf32, #tpu.memory_space<vmem_shared>>
    %dma_start3A_104 = arith.constant 0 : i32
    %dma_start3A_105 = tpu.memref_slice %arg7[%add3A_101, %dma_start3A_104] : memref<10240x128xf32, #tpu.memory_space<vmem_shared>> -> memref<128x128xf32, #tpu.memory_space<vmem_shared>>
    tpu.enqueue_dma source(%arg8 : memref<128x128xf32, #tpu.memory_space<vmem>>) target(%dma_start3A_105 : memref<128x128xf32, #tpu.memory_space<vmem_shared>>) target_semaphore(%arg12 : memref<!tpu.dma_semaphore, #tpu.memory_space<semaphore_mem>>)
    %mul3A_106 = arith.constant 640 : i32
    %mul3A_107 = arith.muli %arg1, %mul3A_106 : i32
    %add3A_108 = arith.constant 0 : i32
    %add3A_109 = arith.addi %mul3A_107, %add3A_108 : i32
    %dma_wait3A = arith.constant 0 : i32
    %dma_wait3A_110 = tpu.memref_slice %arg7[%add3A_109, %dma_wait3A] : memref<10240x128xf32, #tpu.memory_space<vmem_shared>> -> memref<128x128xf32, #tpu.memory_space<vmem_shared>>
    %dma_wait3A_111 = arith.constant 0 : i32
    %dma_wait3A_112 = tpu.memref_slice %arg7[%add3A_109, %dma_wait3A_111] : memref<10240x128xf32, #tpu.memory_space<vmem_shared>> -> memref<128x128xf32, #tpu.memory_space<vmem_shared>>
    tpu.wait_dma2 semaphore(%arg12 : memref<!tpu.dma_semaphore, #tpu.memory_space<semaphore_mem>>) src(%arg8 : memref<128x128xf32, #tpu.memory_space<vmem>>) dst(%dma_wait3A_112 : memref<128x128xf32, #tpu.memory_space<vmem_shared>>)
    %mul3A_113 = arith.constant 640 : i32
    %mul3A_114 = arith.muli %arg1, %mul3A_113 : i32
    %add3A_115 = arith.constant 128 : i32
    %add3A_116 = arith.addi %mul3A_114, %add3A_115 : i32
    %dma_wait3A_117 = arith.constant 0 : i32
    %dma_wait3A_118 = tpu.memref_slice %arg7[%add3A_116, %dma_wait3A_117] : memref<10240x128xf32, #tpu.memory_space<vmem_shared>> -> memref<128x128xf32, #tpu.memory_space<vmem_shared>>
    %dma_wait3A_119 = arith.constant 0 : i32
    %dma_wait3A_120 = tpu.memref_slice %arg7[%add3A_116, %dma_wait3A_119] : memref<10240x128xf32, #tpu.memory_space<vmem_shared>> -> memref<128x128xf32, #tpu.memory_space<vmem_shared>>
    tpu.wait_dma2 semaphore(%arg12 : memref<!tpu.dma_semaphore, #tpu.memory_space<semaphore_mem>>) src(%arg8 : memref<128x128xf32, #tpu.memory_space<vmem>>) dst(%dma_wait3A_120 : memref<128x128xf32, #tpu.memory_space<vmem_shared>>)
    %mul3A_121 = arith.constant 640 : i32
    %mul3A_122 = arith.muli %arg1, %mul3A_121 : i32
    %add3A_123 = arith.constant 256 : i32
    %add3A_124 = arith.addi %mul3A_122, %add3A_123 : i32
    %dma_wait3A_125 = arith.constant 0 : i32
    %dma_wait3A_126 = tpu.memref_slice %arg7[%add3A_124, %dma_wait3A_125] : memref<10240x128xf32, #tpu.memory_space<vmem_shared>> -> memref<128x128xf32, #tpu.memory_space<vmem_shared>>
    %dma_wait3A_127 = arith.constant 0 : i32
    %dma_wait3A_128 = tpu.memref_slice %arg7[%add3A_124, %dma_wait3A_127] : memref<10240x128xf32, #tpu.memory_space<vmem_shared>> -> memref<128x128xf32, #tpu.memory_space<vmem_shared>>
    tpu.wait_dma2 semaphore(%arg12 : memref<!tpu.dma_semaphore, #tpu.memory_space<semaphore_mem>>) src(%arg8 : memref<128x128xf32, #tpu.memory_space<vmem>>) dst(%dma_wait3A_128 : memref<128x128xf32, #tpu.memory_space<vmem_shared>>)
    %mul3A_129 = arith.constant 640 : i32
    %mul3A_130 = arith.muli %arg1, %mul3A_129 : i32
    %add3A_131 = arith.constant 384 : i32
    %add3A_132 = arith.addi %mul3A_130, %add3A_131 : i32
    %dma_wait3A_133 = arith.constant 0 : i32
    %dma_wait3A_134 = tpu.memref_slice %arg7[%add3A_132, %dma_wait3A_133] : memref<10240x128xf32, #tpu.memory_space<vmem_shared>> -> memref<128x128xf32, #tpu.memory_space<vmem_shared>>
    %dma_wait3A_135 = arith.constant 0 : i32
    %dma_wait3A_136 = tpu.memref_slice %arg7[%add3A_132, %dma_wait3A_135] : memref<10240x128xf32, #tpu.memory_space<vmem_shared>> -> memref<128x128xf32, #tpu.memory_space<vmem_shared>>
    tpu.wait_dma2 semaphore(%arg12 : memref<!tpu.dma_semaphore, #tpu.memory_space<semaphore_mem>>) src(%arg8 : memref<128x128xf32, #tpu.memory_space<vmem>>) dst(%dma_wait3A_136 : memref<128x128xf32, #tpu.memory_space<vmem_shared>>)
    %mul3A_137 = arith.constant 640 : i32
    %mul3A_138 = arith.muli %arg1, %mul3A_137 : i32
    %add3A_139 = arith.constant 512 : i32
    %add3A_140 = arith.addi %mul3A_138, %add3A_139 : i32
    %dma_wait3A_141 = arith.constant 0 : i32
    %dma_wait3A_142 = tpu.memref_slice %arg7[%add3A_140, %dma_wait3A_141] : memref<10240x128xf32, #tpu.memory_space<vmem_shared>> -> memref<128x128xf32, #tpu.memory_space<vmem_shared>>
    %dma_wait3A_143 = arith.constant 0 : i32
    %dma_wait3A_144 = tpu.memref_slice %arg7[%add3A_140, %dma_wait3A_143] : memref<10240x128xf32, #tpu.memory_space<vmem_shared>> -> memref<128x128xf32, #tpu.memory_space<vmem_shared>>
    tpu.wait_dma2 semaphore(%arg12 : memref<!tpu.dma_semaphore, #tpu.memory_space<semaphore_mem>>) src(%arg8 : memref<128x128xf32, #tpu.memory_space<vmem>>) dst(%dma_wait3A_144 : memref<128x128xf32, #tpu.memory_space<vmem_shared>>)
    %barrier3A = arith.constant 0 : index
    tpu.barrier barrier_id(%barrier3A)
    %dma_wait3A_145 = arith.constant 0 : i32
    %dma_wait3A_146 = arith.constant 0 : i32
    %dma_wait3A_147 = tpu.memref_slice %arg3[%arg0, %arg1, %dma_wait3A_145, %dma_wait3A_146] : memref<2x16x80x128xi32, #tpu.memory_space<hbm>> -> memref<1x1x1x128xi32, #tpu.memory_space<hbm>>
    %dma_wait3A_148 = tpu.memref_squeeze %dma_wait3A_147 : memref<1x1x1x128xi32, #tpu.memory_space<hbm>> -> memref<128xi32, #tpu.memory_space<hbm>>
    %dma_wait3A_149 = arith.constant 0 : i32
    %dma_wait3A_150 = tpu.memref_slice %arg3[%arg0, %arg1, %dma_wait3A_145, %dma_wait3A_149] : memref<2x16x80x128xi32, #tpu.memory_space<hbm>> -> memref<1x1x1x128xi32, #tpu.memory_space<hbm>>
    %dma_wait3A_151 = tpu.memref_squeeze %dma_wait3A_150 : memref<1x1x1x128xi32, #tpu.memory_space<hbm>> -> memref<128xi32, #tpu.memory_space<hbm>>
    tpu.wait_dma2 semaphore(%arg26 : memref<!tpu.dma_semaphore, #tpu.memory_space<semaphore_mem>>) src(%dma_wait3A_151 : memref<128xi32, #tpu.memory_space<hbm>>) dst(%arg14 : memref<128xi32, #tpu.memory_space<vmem>>)
    %dma_wait3A_152 = arith.constant 0 : i32
    %dma_wait3A_153 = arith.constant 0 : i32
    %dma_wait3A_154 = tpu.memref_slice %arg4[%arg0, %arg1, %dma_wait3A_152, %dma_wait3A_153] : memref<2x16x80x128xi32, #tpu.memory_space<hbm>> -> memref<1x1x1x128xi32, #tpu.memory_space<hbm>>
    %dma_wait3A_155 = tpu.memref_squeeze %dma_wait3A_154 : memref<1x1x1x128xi32, #tpu.memory_space<hbm>> -> memref<128xi32, #tpu.memory_space<hbm>>
    %dma_wait3A_156 = arith.constant 0 : i32
    %dma_wait3A_157 = tpu.memref_slice %arg4[%arg0, %arg1, %dma_wait3A_152, %dma_wait3A_156] : memref<2x16x80x128xi32, #tpu.memory_space<hbm>> -> memref<1x1x1x128xi32, #tpu.memory_space<hbm>>
    %dma_wait3A_158 = tpu.memref_squeeze %dma_wait3A_157 : memref<1x1x1x128xi32, #tpu.memory_space<hbm>> -> memref<128xi32, #tpu.memory_space<hbm>>
    tpu.wait_dma2 semaphore(%arg26 : memref<!tpu.dma_semaphore, #tpu.memory_space<semaphore_mem>>) src(%dma_wait3A_158 : memref<128xi32, #tpu.memory_space<hbm>>) dst(%arg18 : memref<128xi32, #tpu.memory_space<vmem>>)
    %dma_wait3A_159 = arith.constant 0 : i32
    %dma_wait3A_160 = arith.constant 0 : i32
    %dma_wait3A_161 = tpu.memref_slice %arg5[%arg0, %arg1, %dma_wait3A_159, %dma_wait3A_160] : memref<2x16x80x128xi32, #tpu.memory_space<hbm>> -> memref<1x1x1x128xi32, #tpu.memory_space<hbm>>
    %dma_wait3A_162 = tpu.memref_squeeze %dma_wait3A_161 : memref<1x1x1x128xi32, #tpu.memory_space<hbm>> -> memref<128xi32, #tpu.memory_space<hbm>>
    %dma_wait3A_163 = arith.constant 0 : i32
    %dma_wait3A_164 = tpu.memref_slice %arg5[%arg0, %arg1, %dma_wait3A_159, %dma_wait3A_163] : memref<2x16x80x128xi32, #tpu.memory_space<hbm>> -> memref<1x1x1x128xi32, #tpu.memory_space<hbm>>
    %dma_wait3A_165 = tpu.memref_squeeze %dma_wait3A_164 : memref<1x1x1x128xi32, #tpu.memory_space<hbm>> -> memref<128xi32, #tpu.memory_space<hbm>>
    tpu.wait_dma2 semaphore(%arg26 : memref<!tpu.dma_semaphore, #tpu.memory_space<semaphore_mem>>) src(%dma_wait3A_165 : memref<128xi32, #tpu.memory_space<hbm>>) dst(%arg22 : memref<128xi32, #tpu.memory_space<vmem>>)
    %dma_start3A_166 = arith.constant 0 : i32
    %dma_start3A_167 = tpu.memref_slice %arg14[%dma_start3A_166] : memref<128xi32, #tpu.memory_space<vmem>> -> memref<128xi32, #tpu.memory_space<vmem>>
    %dma_start3A_168 = arith.constant 0 : i32
    %dma_start3A_169 = arith.constant 0 : i32
    %dma_start3A_170 = tpu.memref_slice %arg2[%dma_start3A_168, %dma_start3A_169] : memref<10000x128xf32, #tpu.memory_space<hbm>> -> memref<10000x128xf32, #tpu.memory_space<hbm>>
    tpu.enqueue_indirect_dma source(%dma_start3A_170 : memref<10000x128xf32, #tpu.memory_space<hbm>>) target(%arg8 : memref<128x128xf32, #tpu.memory_space<vmem>>) offsets(%dma_start3A_167 : memref<128xi32, #tpu.memory_space<vmem>>) semaphore(%arg10 : memref<!tpu.dma_semaphore, #tpu.memory_space<semaphore_mem>>)
    %scan3A_171 = arith.constant 0 : i32
    %scan3A_172 = arith.constant 0 : i32
    %scan3A_173 = arith.constant 20 : i32
    %scan3A_174 = arith.addi %scan3A_172, %scan3A_173 : i32
    %scan3A_175 = arith.constant 1 : i32
    scf.for %scan3A_187 = %scan3A_172 to %scan3A_174 step %scan3A_175  : i32 {
      %mul3A_188 = arith.constant 4 : i32
      %mul3A_189 = arith.muli %mul3A_188, %scan3A_187 : i32
      %add3A_190 = arith.constant 0 : i32
      %add3A_191 = arith.addi %mul3A_189, %add3A_190 : i32
      %ge3A = arith.constant 1 : i32
      %ge3A_192 = arith.cmpi sge, %add3A_191, %ge3A : i32
      %convert_element_type3A = arith.extui %ge3A_192 : i1 to i32
      %cond3A = arith.constant 0 : i32
      %cond3A_193 = arith.cmpi ne, %convert_element_type3A, %cond3A : i32
      scf.if %cond3A_193 {
        %dma_wait3A_340 = arith.constant 0 : i32
        %dma_wait3A_341 = tpu.memref_slice %arg21[%dma_wait3A_340] : memref<128xi32, #tpu.memory_space<vmem>> -> memref<128xi32, #tpu.memory_space<vmem>>
        %dma_wait3A_342 = arith.constant 0 : i32
        %dma_wait3A_343 = arith.constant 0 : i32
        %dma_wait3A_344 = tpu.memref_slice %arg7[%dma_wait3A_342, %dma_wait3A_343] : memref<10240x128xf32, #tpu.memory_space<vmem_shared>> -> memref<10240x128xf32, #tpu.memory_space<vmem_shared>>
        tpu.wait_indirect_dma semaphore(%arg13 : memref<!tpu.dma_semaphore, #tpu.memory_space<semaphore_mem>>) src(%arg9 : memref<128x128xf32, #tpu.memory_space<vmem>>) dst(%dma_wait3A_344 : memref<10240x128xf32, #tpu.memory_space<vmem_shared>>)
      } else {
      }
      %add3A_194 = arith.constant 4 : i32
      %add3A_195 = arith.addi %add3A_191, %add3A_194 : i32
      %sub3A = arith.constant 1 : i32
      %sub3A_196 = arith.subi %add3A_195, %sub3A : i32
      %lt3A = arith.constant 80 : i32
      %lt3A_197 = arith.cmpi slt, %sub3A_196, %lt3A : i32
      %convert_element_type3A_198 = arith.extui %lt3A_197 : i1 to i32
      %cond3A_199 = arith.constant 0 : i32
      %cond3A_200 = arith.cmpi ne, %convert_element_type3A_198, %cond3A_199 : i32
      scf.if %cond3A_200 {
        %add3A_340 = arith.constant 4 : i32
        %add3A_341 = arith.addi %add3A_191, %add3A_340 : i32
        %sub3A_342 = arith.constant 1 : i32
        %sub3A_343 = arith.subi %add3A_341, %sub3A_342 : i32
        %dma_start3A_344 = arith.constant 0 : i32
        %dma_start3A_345 = tpu.memref_slice %arg3[%arg0, %arg1, %sub3A_343, %dma_start3A_344] : memref<2x16x80x128xi32, #tpu.memory_space<hbm>> -> memref<1x1x1x128xi32, #tpu.memory_space<hbm>>
        %dma_start3A_346 = tpu.memref_squeeze %dma_start3A_345 : memref<1x1x1x128xi32, #tpu.memory_space<hbm>> -> memref<128xi32, #tpu.memory_space<hbm>>
        %dma_start3A_347 = arith.constant 0 : i32
        %dma_start3A_348 = tpu.memref_slice %arg3[%arg0, %arg1, %sub3A_343, %dma_start3A_347] : memref<2x16x80x128xi32, #tpu.memory_space<hbm>> -> memref<1x1x1x128xi32, #tpu.memory_space<hbm>>
        %dma_start3A_349 = tpu.memref_squeeze %dma_start3A_348 : memref<1x1x1x128xi32, #tpu.memory_space<hbm>> -> memref<128xi32, #tpu.memory_space<hbm>>
        tpu.enqueue_dma source(%dma_start3A_349 : memref<128xi32, #tpu.memory_space<hbm>>) target(%arg17 : memref<128xi32, #tpu.memory_space<vmem>>) target_semaphore(%arg29 : memref<!tpu.dma_semaphore, #tpu.memory_space<semaphore_mem>>)
        %dma_start3A_350 = arith.constant 0 : i32
        %dma_start3A_351 = tpu.memref_slice %arg4[%arg0, %arg1, %sub3A_343, %dma_start3A_350] : memref<2x16x80x128xi32, #tpu.memory_space<hbm>> -> memref<1x1x1x128xi32, #tpu.memory_space<hbm>>
        %dma_start3A_352 = tpu.memref_squeeze %dma_start3A_351 : memref<1x1x1x128xi32, #tpu.memory_space<hbm>> -> memref<128xi32, #tpu.memory_space<hbm>>
        %dma_start3A_353 = arith.constant 0 : i32
        %dma_start3A_354 = tpu.memref_slice %arg4[%arg0, %arg1, %sub3A_343, %dma_start3A_353] : memref<2x16x80x128xi32, #tpu.memory_space<hbm>> -> memref<1x1x1x128xi32, #tpu.memory_space<hbm>>
        %dma_start3A_355 = tpu.memref_squeeze %dma_start3A_354 : memref<1x1x1x128xi32, #tpu.memory_space<hbm>> -> memref<128xi32, #tpu.memory_space<hbm>>
        tpu.enqueue_dma source(%dma_start3A_355 : memref<128xi32, #tpu.memory_space<hbm>>) target(%arg21 : memref<128xi32, #tpu.memory_space<vmem>>) target_semaphore(%arg29 : memref<!tpu.dma_semaphore, #tpu.memory_space<semaphore_mem>>)
        %dma_start3A_356 = arith.constant 0 : i32
        %dma_start3A_357 = tpu.memref_slice %arg5[%arg0, %arg1, %sub3A_343, %dma_start3A_356] : memref<2x16x80x128xi32, #tpu.memory_space<hbm>> -> memref<1x1x1x128xi32, #tpu.memory_space<hbm>>
        %dma_start3A_358 = tpu.memref_squeeze %dma_start3A_357 : memref<1x1x1x128xi32, #tpu.memory_space<hbm>> -> memref<128xi32, #tpu.memory_space<hbm>>
        %dma_start3A_359 = arith.constant 0 : i32
        %dma_start3A_360 = tpu.memref_slice %arg5[%arg0, %arg1, %sub3A_343, %dma_start3A_359] : memref<2x16x80x128xi32, #tpu.memory_space<hbm>> -> memref<1x1x1x128xi32, #tpu.memory_space<hbm>>
        %dma_start3A_361 = tpu.memref_squeeze %dma_start3A_360 : memref<1x1x1x128xi32, #tpu.memory_space<hbm>> -> memref<128xi32, #tpu.memory_space<hbm>>
        tpu.enqueue_dma source(%dma_start3A_361 : memref<128xi32, #tpu.memory_space<hbm>>) target(%arg25 : memref<128xi32, #tpu.memory_space<vmem>>) target_semaphore(%arg29 : memref<!tpu.dma_semaphore, #tpu.memory_space<semaphore_mem>>)
      } else {
      }
      %add3A_201 = arith.constant 1 : i32
      %add3A_202 = arith.addi %add3A_191, %add3A_201 : i32
      %lt3A_203 = arith.constant 80 : i32
      %lt3A_204 = arith.cmpi slt, %add3A_202, %lt3A_203 : i32
      %convert_element_type3A_205 = arith.extui %lt3A_204 : i1 to i32
      %cond3A_206 = arith.constant 0 : i32
      %cond3A_207 = arith.cmpi ne, %convert_element_type3A_205, %cond3A_206 : i32
      scf.if %cond3A_207 {
        %add3A_340 = arith.constant 1 : i32
        %add3A_341 = arith.addi %add3A_191, %add3A_340 : i32
        %dma_wait3A_342 = arith.constant 0 : i32
        %dma_wait3A_343 = tpu.memref_slice %arg3[%arg0, %arg1, %add3A_341, %dma_wait3A_342] : memref<2x16x80x128xi32, #tpu.memory_space<hbm>> -> memref<1x1x1x128xi32, #tpu.memory_space<hbm>>
        %dma_wait3A_344 = tpu.memref_squeeze %dma_wait3A_343 : memref<1x1x1x128xi32, #tpu.memory_space<hbm>> -> memref<128xi32, #tpu.memory_space<hbm>>
        %dma_wait3A_345 = arith.constant 0 : i32
        %dma_wait3A_346 = tpu.memref_slice %arg3[%arg0, %arg1, %add3A_341, %dma_wait3A_345] : memref<2x16x80x128xi32, #tpu.memory_space<hbm>> -> memref<1x1x1x128xi32, #tpu.memory_space<hbm>>
        %dma_wait3A_347 = tpu.memref_squeeze %dma_wait3A_346 : memref<1x1x1x128xi32, #tpu.memory_space<hbm>> -> memref<128xi32, #tpu.memory_space<hbm>>
        tpu.wait_dma2 semaphore(%arg27 : memref<!tpu.dma_semaphore, #tpu.memory_space<semaphore_mem>>) src(%dma_wait3A_347 : memref<128xi32, #tpu.memory_space<hbm>>) dst(%arg15 : memref<128xi32, #tpu.memory_space<vmem>>)
        %dma_wait3A_348 = arith.constant 0 : i32
        %dma_wait3A_349 = tpu.memref_slice %arg4[%arg0, %arg1, %add3A_341, %dma_wait3A_348] : memref<2x16x80x128xi32, #tpu.memory_space<hbm>> -> memref<1x1x1x128xi32, #tpu.memory_space<hbm>>
        %dma_wait3A_350 = tpu.memref_squeeze %dma_wait3A_349 : memref<1x1x1x128xi32, #tpu.memory_space<hbm>> -> memref<128xi32, #tpu.memory_space<hbm>>
        %dma_wait3A_351 = arith.constant 0 : i32
        %dma_wait3A_352 = tpu.memref_slice %arg4[%arg0, %arg1, %add3A_341, %dma_wait3A_351] : memref<2x16x80x128xi32, #tpu.memory_space<hbm>> -> memref<1x1x1x128xi32, #tpu.memory_space<hbm>>
        %dma_wait3A_353 = tpu.memref_squeeze %dma_wait3A_352 : memref<1x1x1x128xi32, #tpu.memory_space<hbm>> -> memref<128xi32, #tpu.memory_space<hbm>>
        tpu.wait_dma2 semaphore(%arg27 : memref<!tpu.dma_semaphore, #tpu.memory_space<semaphore_mem>>) src(%dma_wait3A_353 : memref<128xi32, #tpu.memory_space<hbm>>) dst(%arg19 : memref<128xi32, #tpu.memory_space<vmem>>)
        %dma_wait3A_354 = arith.constant 0 : i32
        %dma_wait3A_355 = tpu.memref_slice %arg5[%arg0, %arg1, %add3A_341, %dma_wait3A_354] : memref<2x16x80x128xi32, #tpu.memory_space<hbm>> -> memref<1x1x1x128xi32, #tpu.memory_space<hbm>>
        %dma_wait3A_356 = tpu.memref_squeeze %dma_wait3A_355 : memref<1x1x1x128xi32, #tpu.memory_space<hbm>> -> memref<128xi32, #tpu.memory_space<hbm>>
        %dma_wait3A_357 = arith.constant 0 : i32
        %dma_wait3A_358 = tpu.memref_slice %arg5[%arg0, %arg1, %add3A_341, %dma_wait3A_357] : memref<2x16x80x128xi32, #tpu.memory_space<hbm>> -> memref<1x1x1x128xi32, #tpu.memory_space<hbm>>
        %dma_wait3A_359 = tpu.memref_squeeze %dma_wait3A_358 : memref<1x1x1x128xi32, #tpu.memory_space<hbm>> -> memref<128xi32, #tpu.memory_space<hbm>>
        tpu.wait_dma2 semaphore(%arg27 : memref<!tpu.dma_semaphore, #tpu.memory_space<semaphore_mem>>) src(%dma_wait3A_359 : memref<128xi32, #tpu.memory_space<hbm>>) dst(%arg23 : memref<128xi32, #tpu.memory_space<vmem>>)
        %dma_start3A_360 = arith.constant 0 : i32
        %dma_start3A_361 = tpu.memref_slice %arg15[%dma_start3A_360] : memref<128xi32, #tpu.memory_space<vmem>> -> memref<128xi32, #tpu.memory_space<vmem>>
        %dma_start3A_362 = arith.constant 0 : i32
        %dma_start3A_363 = arith.constant 0 : i32
        %dma_start3A_364 = tpu.memref_slice %arg2[%dma_start3A_362, %dma_start3A_363] : memref<10000x128xf32, #tpu.memory_space<hbm>> -> memref<10000x128xf32, #tpu.memory_space<hbm>>
        tpu.enqueue_indirect_dma source(%dma_start3A_364 : memref<10000x128xf32, #tpu.memory_space<hbm>>) target(%arg9 : memref<128x128xf32, #tpu.memory_space<vmem>>) offsets(%dma_start3A_361 : memref<128xi32, #tpu.memory_space<vmem>>) semaphore(%arg11 : memref<!tpu.dma_semaphore, #tpu.memory_space<semaphore_mem>>)
      } else {
      }
      %dma_wait3A_208 = arith.constant 0 : i32
      %dma_wait3A_209 = tpu.memref_slice %arg14[%dma_wait3A_208] : memref<128xi32, #tpu.memory_space<vmem>> -> memref<128xi32, #tpu.memory_space<vmem>>
      %dma_wait3A_210 = arith.constant 0 : i32
      %dma_wait3A_211 = arith.constant 0 : i32
      %dma_wait3A_212 = tpu.memref_slice %arg2[%dma_wait3A_210, %dma_wait3A_211] : memref<10000x128xf32, #tpu.memory_space<hbm>> -> memref<10000x128xf32, #tpu.memory_space<hbm>>
      tpu.wait_indirect_dma semaphore(%arg10 : memref<!tpu.dma_semaphore, #tpu.memory_space<semaphore_mem>>) src(%dma_wait3A_212 : memref<10000x128xf32, #tpu.memory_space<hbm>>) dst(%arg8 : memref<128x128xf32, #tpu.memory_space<vmem>>)
      %broadcast_in_dim3A_213 = arith.constant 0 : i32
      %broadcast_in_dim3A_214 = vector.broadcast %broadcast_in_dim3A_213 : i32 to vector<16xi32>
      %parallel_loop3A = arith.constant 0 : i32
      %parallel_loop3A_215 = arith.constant 128 : i32
      %parallel_loop3A_216 = arith.constant 1 : i32
      %parallel_loop3A_217 = scf.for %parallel_loop3A_340 = %parallel_loop3A to %parallel_loop3A_215 step %parallel_loop3A_216 iter_args(%parallel_loop3A_341 = %broadcast_in_dim3A_214) -> (vector<16xi32>)  : i32 {
        %parallel_loop3A_342 = tpu.vector_load_idx %arg22[%parallel_loop3A_341] : memref<128xi32, #tpu.memory_space<vmem>>[vector<16xi32>], vector<16xi32>,
        %parallel_loop3A_343 = vector.bitcast %parallel_loop3A_342 : vector<16xi32> to vector<16xf32>
        %parallel_loop3A_344 = arith.index_cast %parallel_loop3A_340 : i32 to index
        %parallel_loop3A_345 = arith.constant 0 : index
        %parallel_loop3A_346 = tpu.vector_load %arg8[%parallel_loop3A_344, %parallel_loop3A_345] {strides = array<i32>} : memref<128x128xf32, #tpu.memory_space<vmem>>, vector<16xf32>,
        %parallel_loop3A_347 = arith.mulf %parallel_loop3A_346, %parallel_loop3A_343 : vector<16xf32>
        %parallel_loop3A_348 = arith.index_cast %parallel_loop3A_340 : i32 to index
        %parallel_loop3A_349 = arith.constant 0 : index
        %parallel_loop3A_350 = tpu.vector_load %arg8[%parallel_loop3A_348, %parallel_loop3A_349] {strides = array<i32>} : memref<128x128xf32, #tpu.memory_space<vmem>>, vector<16xf32>,
        tpu.vector_store %arg8[%parallel_loop3A_348, %parallel_loop3A_349], %parallel_loop3A_347 {strides = array<i32>} : memref<128x128xf32, #tpu.memory_space<vmem>>, vector<16xf32>,
        %parallel_loop3A_351 = arith.index_cast %parallel_loop3A_340 : i32 to index
        %parallel_loop3A_352 = arith.constant 16 : index
        %parallel_loop3A_353 = tpu.vector_load %arg8[%parallel_loop3A_351, %parallel_loop3A_352] {strides = array<i32>} : memref<128x128xf32, #tpu.memory_space<vmem>>, vector<16xf32>,
        %parallel_loop3A_354 = arith.mulf %parallel_loop3A_353, %parallel_loop3A_343 : vector<16xf32>
        %parallel_loop3A_355 = arith.index_cast %parallel_loop3A_340 : i32 to index
        %parallel_loop3A_356 = arith.constant 16 : index
        %parallel_loop3A_357 = tpu.vector_load %arg8[%parallel_loop3A_355, %parallel_loop3A_356] {strides = array<i32>} : memref<128x128xf32, #tpu.memory_space<vmem>>, vector<16xf32>,
        tpu.vector_store %arg8[%parallel_loop3A_355, %parallel_loop3A_356], %parallel_loop3A_354 {strides = array<i32>} : memref<128x128xf32, #tpu.memory_space<vmem>>, vector<16xf32>,
        %parallel_loop3A_358 = arith.index_cast %parallel_loop3A_340 : i32 to index
        %parallel_loop3A_359 = arith.constant 32 : index
        %parallel_loop3A_360 = tpu.vector_load %arg8[%parallel_loop3A_358, %parallel_loop3A_359] {strides = array<i32>} : memref<128x128xf32, #tpu.memory_space<vmem>>, vector<16xf32>,
        %parallel_loop3A_361 = arith.mulf %parallel_loop3A_360, %parallel_loop3A_343 : vector<16xf32>
        %parallel_loop3A_362 = arith.index_cast %parallel_loop3A_340 : i32 to index
        %parallel_loop3A_363 = arith.constant 32 : index
        %parallel_loop3A_364 = tpu.vector_load %arg8[%parallel_loop3A_362, %parallel_loop3A_363] {strides = array<i32>} : memref<128x128xf32, #tpu.memory_space<vmem>>, vector<16xf32>,
        tpu.vector_store %arg8[%parallel_loop3A_362, %parallel_loop3A_363], %parallel_loop3A_361 {strides = array<i32>} : memref<128x128xf32, #tpu.memory_space<vmem>>, vector<16xf32>,
        %parallel_loop3A_365 = arith.index_cast %parallel_loop3A_340 : i32 to index
        %parallel_loop3A_366 = arith.constant 48 : index
        %parallel_loop3A_367 = tpu.vector_load %arg8[%parallel_loop3A_365, %parallel_loop3A_366] {strides = array<i32>} : memref<128x128xf32, #tpu.memory_space<vmem>>, vector<16xf32>,
        %parallel_loop3A_368 = arith.mulf %parallel_loop3A_367, %parallel_loop3A_343 : vector<16xf32>
        %parallel_loop3A_369 = arith.index_cast %parallel_loop3A_340 : i32 to index
        %parallel_loop3A_370 = arith.constant 48 : index
        %parallel_loop3A_371 = tpu.vector_load %arg8[%parallel_loop3A_369, %parallel_loop3A_370] {strides = array<i32>} : memref<128x128xf32, #tpu.memory_space<vmem>>, vector<16xf32>,
        tpu.vector_store %arg8[%parallel_loop3A_369, %parallel_loop3A_370], %parallel_loop3A_368 {strides = array<i32>} : memref<128x128xf32, #tpu.memory_space<vmem>>, vector<16xf32>,
        %parallel_loop3A_372 = arith.index_cast %parallel_loop3A_340 : i32 to index
        %parallel_loop3A_373 = arith.constant 64 : index
        %parallel_loop3A_374 = tpu.vector_load %arg8[%parallel_loop3A_372, %parallel_loop3A_373] {strides = array<i32>} : memref<128x128xf32, #tpu.memory_space<vmem>>, vector<16xf32>,
        %parallel_loop3A_375 = arith.mulf %parallel_loop3A_374, %parallel_loop3A_343 : vector<16xf32>
        %parallel_loop3A_376 = arith.index_cast %parallel_loop3A_340 : i32 to index
        %parallel_loop3A_377 = arith.constant 64 : index
        %parallel_loop3A_378 = tpu.vector_load %arg8[%parallel_loop3A_376, %parallel_loop3A_377] {strides = array<i32>} : memref<128x128xf32, #tpu.memory_space<vmem>>, vector<16xf32>,
        tpu.vector_store %arg8[%parallel_loop3A_376, %parallel_loop3A_377], %parallel_loop3A_375 {strides = array<i32>} : memref<128x128xf32, #tpu.memory_space<vmem>>, vector<16xf32>,
        %parallel_loop3A_379 = arith.index_cast %parallel_loop3A_340 : i32 to index
        %parallel_loop3A_380 = arith.constant 80 : index
        %parallel_loop3A_381 = tpu.vector_load %arg8[%parallel_loop3A_379, %parallel_loop3A_380] {strides = array<i32>} : memref<128x128xf32, #tpu.memory_space<vmem>>, vector<16xf32>,
        %parallel_loop3A_382 = arith.mulf %parallel_loop3A_381, %parallel_loop3A_343 : vector<16xf32>
        %parallel_loop3A_383 = arith.index_cast %parallel_loop3A_340 : i32 to index
        %parallel_loop3A_384 = arith.constant 80 : index
        %parallel_loop3A_385 = tpu.vector_load %arg8[%parallel_loop3A_383, %parallel_loop3A_384] {strides = array<i32>} : memref<128x128xf32, #tpu.memory_space<vmem>>, vector<16xf32>,
        tpu.vector_store %arg8[%parallel_loop3A_383, %parallel_loop3A_384], %parallel_loop3A_382 {strides = array<i32>} : memref<128x128xf32, #tpu.memory_space<vmem>>, vector<16xf32>,
        %parallel_loop3A_386 = arith.index_cast %parallel_loop3A_340 : i32 to index
        %parallel_loop3A_387 = arith.constant 96 : index
        %parallel_loop3A_388 = tpu.vector_load %arg8[%parallel_loop3A_386, %parallel_loop3A_387] {strides = array<i32>} : memref<128x128xf32, #tpu.memory_space<vmem>>, vector<16xf32>,
        %parallel_loop3A_389 = arith.mulf %parallel_loop3A_388, %parallel_loop3A_343 : vector<16xf32>
        %parallel_loop3A_390 = arith.index_cast %parallel_loop3A_340 : i32 to index
        %parallel_loop3A_391 = arith.constant 96 : index
        %parallel_loop3A_392 = tpu.vector_load %arg8[%parallel_loop3A_390, %parallel_loop3A_391] {strides = array<i32>} : memref<128x128xf32, #tpu.memory_space<vmem>>, vector<16xf32>,
        tpu.vector_store %arg8[%parallel_loop3A_390, %parallel_loop3A_391], %parallel_loop3A_389 {strides = array<i32>} : memref<128x128xf32, #tpu.memory_space<vmem>>, vector<16xf32>,
        %parallel_loop3A_393 = arith.index_cast %parallel_loop3A_340 : i32 to index
        %parallel_loop3A_394 = arith.constant 112 : index
        %parallel_loop3A_395 = tpu.vector_load %arg8[%parallel_loop3A_393, %parallel_loop3A_394] {strides = array<i32>} : memref<128x128xf32, #tpu.memory_space<vmem>>, vector<16xf32>,
        %parallel_loop3A_396 = arith.mulf %parallel_loop3A_395, %parallel_loop3A_343 : vector<16xf32>
        %parallel_loop3A_397 = arith.index_cast %parallel_loop3A_340 : i32 to index
        %parallel_loop3A_398 = arith.constant 112 : index
        %parallel_loop3A_399 = tpu.vector_load %arg8[%parallel_loop3A_397, %parallel_loop3A_398] {strides = array<i32>} : memref<128x128xf32, #tpu.memory_space<vmem>>, vector<16xf32>,
        tpu.vector_store %arg8[%parallel_loop3A_397, %parallel_loop3A_398], %parallel_loop3A_396 {strides = array<i32>} : memref<128x128xf32, #tpu.memory_space<vmem>>, vector<16xf32>,
        %parallel_loop3A_400 = arith.constant 1 : i32
        %parallel_loop3A_401 = vector.broadcast %parallel_loop3A_400 : i32 to vector<16xi32>
        %parallel_loop3A_402 = arith.addi %parallel_loop3A_341, %parallel_loop3A_401 : vector<16xi32>
        scf.yield %parallel_loop3A_402 : vector<16xi32>
      } {sc.loop_unroll_factor = 8 : i64, sc.parallel_access}
      %dma_start3A_218 = arith.constant 0 : i32
      %dma_start3A_219 = tpu.memref_slice %arg18[%dma_start3A_218] : memref<128xi32, #tpu.memory_space<vmem>> -> memref<128xi32, #tpu.memory_space<vmem>>
      %dma_start3A_220 = arith.constant 0 : i32
      %dma_start3A_221 = arith.constant 0 : i32
      %dma_start3A_222 = tpu.memref_slice %arg7[%dma_start3A_220, %dma_start3A_221] : memref<10240x128xf32, #tpu.memory_space<vmem_shared>> -> memref<10240x128xf32, #tpu.memory_space<vmem_shared>>
      tpu.enqueue_indirect_dma source(%arg8 : memref<128x128xf32, #tpu.memory_space<vmem>>) target(%dma_start3A_222 : memref<10240x128xf32, #tpu.memory_space<vmem_shared>>) offsets(%dma_start3A_219 : memref<128xi32, #tpu.memory_space<vmem>>) semaphore(%arg12 : memref<!tpu.dma_semaphore, #tpu.memory_space<semaphore_mem>>) {add = true}
      %add3A_223 = arith.constant 1 : i32
      %add3A_224 = arith.addi %mul3A_189, %add3A_223 : i32
      %ge3A_225 = arith.constant 1 : i32
      %ge3A_226 = arith.cmpi sge, %add3A_224, %ge3A_225 : i32
      %convert_element_type3A_227 = arith.extui %ge3A_226 : i1 to i32
      %cond3A_228 = arith.constant 0 : i32
      %cond3A_229 = arith.cmpi ne, %convert_element_type3A_227, %cond3A_228 : i32
      scf.if %cond3A_229 {
        %dma_wait3A_340 = arith.constant 0 : i32
        %dma_wait3A_341 = tpu.memref_slice %arg18[%dma_wait3A_340] : memref<128xi32, #tpu.memory_space<vmem>> -> memref<128xi32, #tpu.memory_space<vmem>>
        %dma_wait3A_342 = arith.constant 0 : i32
        %dma_wait3A_343 = arith.constant 0 : i32
        %dma_wait3A_344 = tpu.memref_slice %arg7[%dma_wait3A_342, %dma_wait3A_343] : memref<10240x128xf32, #tpu.memory_space<vmem_shared>> -> memref<10240x128xf32, #tpu.memory_space<vmem_shared>>
        tpu.wait_indirect_dma semaphore(%arg12 : memref<!tpu.dma_semaphore, #tpu.memory_space<semaphore_mem>>) src(%arg8 : memref<128x128xf32, #tpu.memory_space<vmem>>) dst(%dma_wait3A_344 : memref<10240x128xf32, #tpu.memory_space<vmem_shared>>)
      } else {
      }
      %add3A_230 = arith.constant 4 : i32
      %add3A_231 = arith.addi %add3A_224, %add3A_230 : i32
      %sub3A_232 = arith.constant 1 : i32
      %sub3A_233 = arith.subi %add3A_231, %sub3A_232 : i32
      %lt3A_234 = arith.constant 80 : i32
      %lt3A_235 = arith.cmpi slt, %sub3A_233, %lt3A_234 : i32
      %convert_element_type3A_236 = arith.extui %lt3A_235 : i1 to i32
      %cond3A_237 = arith.constant 0 : i32
      %cond3A_238 = arith.cmpi ne, %convert_element_type3A_236, %cond3A_237 : i32
      scf.if %cond3A_238 {
        %add3A_340 = arith.constant 4 : i32
        %add3A_341 = arith.addi %add3A_224, %add3A_340 : i32
        %sub3A_342 = arith.constant 1 : i32
        %sub3A_343 = arith.subi %add3A_341, %sub3A_342 : i32
        %dma_start3A_344 = arith.constant 0 : i32
        %dma_start3A_345 = tpu.memref_slice %arg3[%arg0, %arg1, %sub3A_343, %dma_start3A_344] : memref<2x16x80x128xi32, #tpu.memory_space<hbm>> -> memref<1x1x1x128xi32, #tpu.memory_space<hbm>>
        %dma_start3A_346 = tpu.memref_squeeze %dma_start3A_345 : memref<1x1x1x128xi32, #tpu.memory_space<hbm>> -> memref<128xi32, #tpu.memory_space<hbm>>
        %dma_start3A_347 = arith.constant 0 : i32
        %dma_start3A_348 = tpu.memref_slice %arg3[%arg0, %arg1, %sub3A_343, %dma_start3A_347] : memref<2x16x80x128xi32, #tpu.memory_space<hbm>> -> memref<1x1x1x128xi32, #tpu.memory_space<hbm>>
        %dma_start3A_349 = tpu.memref_squeeze %dma_start3A_348 : memref<1x1x1x128xi32, #tpu.memory_space<hbm>> -> memref<128xi32, #tpu.memory_space<hbm>>
        tpu.enqueue_dma source(%dma_start3A_349 : memref<128xi32, #tpu.memory_space<hbm>>) target(%arg14 : memref<128xi32, #tpu.memory_space<vmem>>) target_semaphore(%arg26 : memref<!tpu.dma_semaphore, #tpu.memory_space<semaphore_mem>>)
        %dma_start3A_350 = arith.constant 0 : i32
        %dma_start3A_351 = tpu.memref_slice %arg4[%arg0, %arg1, %sub3A_343, %dma_start3A_350] : memref<2x16x80x128xi32, #tpu.memory_space<hbm>> -> memref<1x1x1x128xi32, #tpu.memory_space<hbm>>
        %dma_start3A_352 = tpu.memref_squeeze %dma_start3A_351 : memref<1x1x1x128xi32, #tpu.memory_space<hbm>> -> memref<128xi32, #tpu.memory_space<hbm>>
        %dma_start3A_353 = arith.constant 0 : i32
        %dma_start3A_354 = tpu.memref_slice %arg4[%arg0, %arg1, %sub3A_343, %dma_start3A_353] : memref<2x16x80x128xi32, #tpu.memory_space<hbm>> -> memref<1x1x1x128xi32, #tpu.memory_space<hbm>>
        %dma_start3A_355 = tpu.memref_squeeze %dma_start3A_354 : memref<1x1x1x128xi32, #tpu.memory_space<hbm>> -> memref<128xi32, #tpu.memory_space<hbm>>
        tpu.enqueue_dma source(%dma_start3A_355 : memref<128xi32, #tpu.memory_space<hbm>>) target(%arg18 : memref<128xi32, #tpu.memory_space<vmem>>) target_semaphore(%arg26 : memref<!tpu.dma_semaphore, #tpu.memory_space<semaphore_mem>>)
        %dma_start3A_356 = arith.constant 0 : i32
        %dma_start3A_357 = tpu.memref_slice %arg5[%arg0, %arg1, %sub3A_343, %dma_start3A_356] : memref<2x16x80x128xi32, #tpu.memory_space<hbm>> -> memref<1x1x1x128xi32, #tpu.memory_space<hbm>>
        %dma_start3A_358 = tpu.memref_squeeze %dma_start3A_357 : memref<1x1x1x128xi32, #tpu.memory_space<hbm>> -> memref<128xi32, #tpu.memory_space<hbm>>
        %dma_start3A_359 = arith.constant 0 : i32
        %dma_start3A_360 = tpu.memref_slice %arg5[%arg0, %arg1, %sub3A_343, %dma_start3A_359] : memref<2x16x80x128xi32, #tpu.memory_space<hbm>> -> memref<1x1x1x128xi32, #tpu.memory_space<hbm>>
        %dma_start3A_361 = tpu.memref_squeeze %dma_start3A_360 : memref<1x1x1x128xi32, #tpu.memory_space<hbm>> -> memref<128xi32, #tpu.memory_space<hbm>>
        tpu.enqueue_dma source(%dma_start3A_361 : memref<128xi32, #tpu.memory_space<hbm>>) target(%arg22 : memref<128xi32, #tpu.memory_space<vmem>>) target_semaphore(%arg26 : memref<!tpu.dma_semaphore, #tpu.memory_space<semaphore_mem>>)
      } else {
      }
      %add3A_239 = arith.constant 1 : i32
      %add3A_240 = arith.addi %add3A_224, %add3A_239 : i32
      %lt3A_241 = arith.constant 80 : i32
      %lt3A_242 = arith.cmpi slt, %add3A_240, %lt3A_241 : i32
      %convert_element_type3A_243 = arith.extui %lt3A_242 : i1 to i32
      %cond3A_244 = arith.constant 0 : i32
      %cond3A_245 = arith.cmpi ne, %convert_element_type3A_243, %cond3A_244 : i32
      scf.if %cond3A_245 {
        %add3A_340 = arith.constant 1 : i32
        %add3A_341 = arith.addi %add3A_224, %add3A_340 : i32
        %dma_wait3A_342 = arith.constant 0 : i32
        %dma_wait3A_343 = tpu.memref_slice %arg3[%arg0, %arg1, %add3A_341, %dma_wait3A_342] : memref<2x16x80x128xi32, #tpu.memory_space<hbm>> -> memref<1x1x1x128xi32, #tpu.memory_space<hbm>>
        %dma_wait3A_344 = tpu.memref_squeeze %dma_wait3A_343 : memref<1x1x1x128xi32, #tpu.memory_space<hbm>> -> memref<128xi32, #tpu.memory_space<hbm>>
        %dma_wait3A_345 = arith.constant 0 : i32
        %dma_wait3A_346 = tpu.memref_slice %arg3[%arg0, %arg1, %add3A_341, %dma_wait3A_345] : memref<2x16x80x128xi32, #tpu.memory_space<hbm>> -> memref<1x1x1x128xi32, #tpu.memory_space<hbm>>
        %dma_wait3A_347 = tpu.memref_squeeze %dma_wait3A_346 : memref<1x1x1x128xi32, #tpu.memory_space<hbm>> -> memref<128xi32, #tpu.memory_space<hbm>>
        tpu.wait_dma2 semaphore(%arg28 : memref<!tpu.dma_semaphore, #tpu.memory_space<semaphore_mem>>) src(%dma_wait3A_347 : memref<128xi32, #tpu.memory_space<hbm>>) dst(%arg16 : memref<128xi32, #tpu.memory_space<vmem>>)
        %dma_wait3A_348 = arith.constant 0 : i32
        %dma_wait3A_349 = tpu.memref_slice %arg4[%arg0, %arg1, %add3A_341, %dma_wait3A_348] : memref<2x16x80x128xi32, #tpu.memory_space<hbm>> -> memref<1x1x1x128xi32, #tpu.memory_space<hbm>>
        %dma_wait3A_350 = tpu.memref_squeeze %dma_wait3A_349 : memref<1x1x1x128xi32, #tpu.memory_space<hbm>> -> memref<128xi32, #tpu.memory_space<hbm>>
        %dma_wait3A_351 = arith.constant 0 : i32
        %dma_wait3A_352 = tpu.memref_slice %arg4[%arg0, %arg1, %add3A_341, %dma_wait3A_351] : memref<2x16x80x128xi32, #tpu.memory_space<hbm>> -> memref<1x1x1x128xi32, #tpu.memory_space<hbm>>
        %dma_wait3A_353 = tpu.memref_squeeze %dma_wait3A_352 : memref<1x1x1x128xi32, #tpu.memory_space<hbm>> -> memref<128xi32, #tpu.memory_space<hbm>>
        tpu.wait_dma2 semaphore(%arg28 : memref<!tpu.dma_semaphore, #tpu.memory_space<semaphore_mem>>) src(%dma_wait3A_353 : memref<128xi32, #tpu.memory_space<hbm>>) dst(%arg20 : memref<128xi32, #tpu.memory_space<vmem>>)
        %dma_wait3A_354 = arith.constant 0 : i32
        %dma_wait3A_355 = tpu.memref_slice %arg5[%arg0, %arg1, %add3A_341, %dma_wait3A_354] : memref<2x16x80x128xi32, #tpu.memory_space<hbm>> -> memref<1x1x1x128xi32, #tpu.memory_space<hbm>>
        %dma_wait3A_356 = tpu.memref_squeeze %dma_wait3A_355 : memref<1x1x1x128xi32, #tpu.memory_space<hbm>> -> memref<128xi32, #tpu.memory_space<hbm>>
        %dma_wait3A_357 = arith.constant 0 : i32
        %dma_wait3A_358 = tpu.memref_slice %arg5[%arg0, %arg1, %add3A_341, %dma_wait3A_357] : memref<2x16x80x128xi32, #tpu.memory_space<hbm>> -> memref<1x1x1x128xi32, #tpu.memory_space<hbm>>
        %dma_wait3A_359 = tpu.memref_squeeze %dma_wait3A_358 : memref<1x1x1x128xi32, #tpu.memory_space<hbm>> -> memref<128xi32, #tpu.memory_space<hbm>>
        tpu.wait_dma2 semaphore(%arg28 : memref<!tpu.dma_semaphore, #tpu.memory_space<semaphore_mem>>) src(%dma_wait3A_359 : memref<128xi32, #tpu.memory_space<hbm>>) dst(%arg24 : memref<128xi32, #tpu.memory_space<vmem>>)
        %dma_start3A_360 = arith.constant 0 : i32
        %dma_start3A_361 = tpu.memref_slice %arg16[%dma_start3A_360] : memref<128xi32, #tpu.memory_space<vmem>> -> memref<128xi32, #tpu.memory_space<vmem>>
        %dma_start3A_362 = arith.constant 0 : i32
        %dma_start3A_363 = arith.constant 0 : i32
        %dma_start3A_364 = tpu.memref_slice %arg2[%dma_start3A_362, %dma_start3A_363] : memref<10000x128xf32, #tpu.memory_space<hbm>> -> memref<10000x128xf32, #tpu.memory_space<hbm>>
        tpu.enqueue_indirect_dma source(%dma_start3A_364 : memref<10000x128xf32, #tpu.memory_space<hbm>>) target(%arg8 : memref<128x128xf32, #tpu.memory_space<vmem>>) offsets(%dma_start3A_361 : memref<128xi32, #tpu.memory_space<vmem>>) semaphore(%arg10 : memref<!tpu.dma_semaphore, #tpu.memory_space<semaphore_mem>>)
      } else {
      }
      %dma_wait3A_246 = arith.constant 0 : i32
      %dma_wait3A_247 = tpu.memref_slice %arg15[%dma_wait3A_246] : memref<128xi32, #tpu.memory_space<vmem>> -> memref<128xi32, #tpu.memory_space<vmem>>
      %dma_wait3A_248 = arith.constant 0 : i32
      %dma_wait3A_249 = arith.constant 0 : i32
      %dma_wait3A_250 = tpu.memref_slice %arg2[%dma_wait3A_248, %dma_wait3A_249] : memref<10000x128xf32, #tpu.memory_space<hbm>> -> memref<10000x128xf32, #tpu.memory_space<hbm>>
      tpu.wait_indirect_dma semaphore(%arg11 : memref<!tpu.dma_semaphore, #tpu.memory_space<semaphore_mem>>) src(%dma_wait3A_250 : memref<10000x128xf32, #tpu.memory_space<hbm>>) dst(%arg9 : memref<128x128xf32, #tpu.memory_space<vmem>>)
      %broadcast_in_dim3A_251 = arith.constant 0 : i32
      %broadcast_in_dim3A_252 = vector.broadcast %broadcast_in_dim3A_251 : i32 to vector<16xi32>
      %parallel_loop3A_253 = arith.constant 0 : i32
      %parallel_loop3A_254 = arith.constant 128 : i32
      %parallel_loop3A_255 = arith.constant 1 : i32
      %parallel_loop3A_256 = scf.for %parallel_loop3A_340 = %parallel_loop3A_253 to %parallel_loop3A_254 step %parallel_loop3A_255 iter_args(%parallel_loop3A_341 = %broadcast_in_dim3A_252) -> (vector<16xi32>)  : i32 {
        %parallel_loop3A_342 = tpu.vector_load_idx %arg23[%parallel_loop3A_341] : memref<128xi32, #tpu.memory_space<vmem>>[vector<16xi32>], vector<16xi32>,
        %parallel_loop3A_343 = vector.bitcast %parallel_loop3A_342 : vector<16xi32> to vector<16xf32>
        %parallel_loop3A_344 = arith.index_cast %parallel_loop3A_340 : i32 to index
        %parallel_loop3A_345 = arith.constant 0 : index
        %parallel_loop3A_346 = tpu.vector_load %arg9[%parallel_loop3A_344, %parallel_loop3A_345] {strides = array<i32>} : memref<128x128xf32, #tpu.memory_space<vmem>>, vector<16xf32>,
        %parallel_loop3A_347 = arith.mulf %parallel_loop3A_346, %parallel_loop3A_343 : vector<16xf32>
        %parallel_loop3A_348 = arith.index_cast %parallel_loop3A_340 : i32 to index
        %parallel_loop3A_349 = arith.constant 0 : index
        %parallel_loop3A_350 = tpu.vector_load %arg9[%parallel_loop3A_348, %parallel_loop3A_349] {strides = array<i32>} : memref<128x128xf32, #tpu.memory_space<vmem>>, vector<16xf32>,
        tpu.vector_store %arg9[%parallel_loop3A_348, %parallel_loop3A_349], %parallel_loop3A_347 {strides = array<i32>} : memref<128x128xf32, #tpu.memory_space<vmem>>, vector<16xf32>,
        %parallel_loop3A_351 = arith.index_cast %parallel_loop3A_340 : i32 to index
        %parallel_loop3A_352 = arith.constant 16 : index
        %parallel_loop3A_353 = tpu.vector_load %arg9[%parallel_loop3A_351, %parallel_loop3A_352] {strides = array<i32>} : memref<128x128xf32, #tpu.memory_space<vmem>>, vector<16xf32>,
        %parallel_loop3A_354 = arith.mulf %parallel_loop3A_353, %parallel_loop3A_343 : vector<16xf32>
        %parallel_loop3A_355 = arith.index_cast %parallel_loop3A_340 : i32 to index
        %parallel_loop3A_356 = arith.constant 16 : index
        %parallel_loop3A_357 = tpu.vector_load %arg9[%parallel_loop3A_355, %parallel_loop3A_356] {strides = array<i32>} : memref<128x128xf32, #tpu.memory_space<vmem>>, vector<16xf32>,
        tpu.vector_store %arg9[%parallel_loop3A_355, %parallel_loop3A_356], %parallel_loop3A_354 {strides = array<i32>} : memref<128x128xf32, #tpu.memory_space<vmem>>, vector<16xf32>,
        %parallel_loop3A_358 = arith.index_cast %parallel_loop3A_340 : i32 to index
        %parallel_loop3A_359 = arith.constant 32 : index
        %parallel_loop3A_360 = tpu.vector_load %arg9[%parallel_loop3A_358, %parallel_loop3A_359] {strides = array<i32>} : memref<128x128xf32, #tpu.memory_space<vmem>>, vector<16xf32>,
        %parallel_loop3A_361 = arith.mulf %parallel_loop3A_360, %parallel_loop3A_343 : vector<16xf32>
        %parallel_loop3A_362 = arith.index_cast %parallel_loop3A_340 : i32 to index
        %parallel_loop3A_363 = arith.constant 32 : index
        %parallel_loop3A_364 = tpu.vector_load %arg9[%parallel_loop3A_362, %parallel_loop3A_363] {strides = array<i32>} : memref<128x128xf32, #tpu.memory_space<vmem>>, vector<16xf32>,
        tpu.vector_store %arg9[%parallel_loop3A_362, %parallel_loop3A_363], %parallel_loop3A_361 {strides = array<i32>} : memref<128x128xf32, #tpu.memory_space<vmem>>, vector<16xf32>,
        %parallel_loop3A_365 = arith.index_cast %parallel_loop3A_340 : i32 to index
        %parallel_loop3A_366 = arith.constant 48 : index
        %parallel_loop3A_367 = tpu.vector_load %arg9[%parallel_loop3A_365, %parallel_loop3A_366] {strides = array<i32>} : memref<128x128xf32, #tpu.memory_space<vmem>>, vector<16xf32>,
        %parallel_loop3A_368 = arith.mulf %parallel_loop3A_367, %parallel_loop3A_343 : vector<16xf32>
        %parallel_loop3A_369 = arith.index_cast %parallel_loop3A_340 : i32 to index
        %parallel_loop3A_370 = arith.constant 48 : index
        %parallel_loop3A_371 = tpu.vector_load %arg9[%parallel_loop3A_369, %parallel_loop3A_370] {strides = array<i32>} : memref<128x128xf32, #tpu.memory_space<vmem>>, vector<16xf32>,
        tpu.vector_store %arg9[%parallel_loop3A_369, %parallel_loop3A_370], %parallel_loop3A_368 {strides = array<i32>} : memref<128x128xf32, #tpu.memory_space<vmem>>, vector<16xf32>,
        %parallel_loop3A_372 = arith.index_cast %parallel_loop3A_340 : i32 to index
        %parallel_loop3A_373 = arith.constant 64 : index
        %parallel_loop3A_374 = tpu.vector_load %arg9[%parallel_loop3A_372, %parallel_loop3A_373] {strides = array<i32>} : memref<128x128xf32, #tpu.memory_space<vmem>>, vector<16xf32>,
        %parallel_loop3A_375 = arith.mulf %parallel_loop3A_374, %parallel_loop3A_343 : vector<16xf32>
        %parallel_loop3A_376 = arith.index_cast %parallel_loop3A_340 : i32 to index
        %parallel_loop3A_377 = arith.constant 64 : index
        %parallel_loop3A_378 = tpu.vector_load %arg9[%parallel_loop3A_376, %parallel_loop3A_377] {strides = array<i32>} : memref<128x128xf32, #tpu.memory_space<vmem>>, vector<16xf32>,
        tpu.vector_store %arg9[%parallel_loop3A_376, %parallel_loop3A_377], %parallel_loop3A_375 {strides = array<i32>} : memref<128x128xf32, #tpu.memory_space<vmem>>, vector<16xf32>,
        %parallel_loop3A_379 = arith.index_cast %parallel_loop3A_340 : i32 to index
        %parallel_loop3A_380 = arith.constant 80 : index
        %parallel_loop3A_381 = tpu.vector_load %arg9[%parallel_loop3A_379, %parallel_loop3A_380] {strides = array<i32>} : memref<128x128xf32, #tpu.memory_space<vmem>>, vector<16xf32>,
        %parallel_loop3A_382 = arith.mulf %parallel_loop3A_381, %parallel_loop3A_343 : vector<16xf32>
        %parallel_loop3A_383 = arith.index_cast %parallel_loop3A_340 : i32 to index
        %parallel_loop3A_384 = arith.constant 80 : index
        %parallel_loop3A_385 = tpu.vector_load %arg9[%parallel_loop3A_383, %parallel_loop3A_384] {strides = array<i32>} : memref<128x128xf32, #tpu.memory_space<vmem>>, vector<16xf32>,
        tpu.vector_store %arg9[%parallel_loop3A_383, %parallel_loop3A_384], %parallel_loop3A_382 {strides = array<i32>} : memref<128x128xf32, #tpu.memory_space<vmem>>, vector<16xf32>,
        %parallel_loop3A_386 = arith.index_cast %parallel_loop3A_340 : i32 to index
        %parallel_loop3A_387 = arith.constant 96 : index
        %parallel_loop3A_388 = tpu.vector_load %arg9[%parallel_loop3A_386, %parallel_loop3A_387] {strides = array<i32>} : memref<128x128xf32, #tpu.memory_space<vmem>>, vector<16xf32>,
        %parallel_loop3A_389 = arith.mulf %parallel_loop3A_388, %parallel_loop3A_343 : vector<16xf32>
        %parallel_loop3A_390 = arith.index_cast %parallel_loop3A_340 : i32 to index
        %parallel_loop3A_391 = arith.constant 96 : index
        %parallel_loop3A_392 = tpu.vector_load %arg9[%parallel_loop3A_390, %parallel_loop3A_391] {strides = array<i32>} : memref<128x128xf32, #tpu.memory_space<vmem>>, vector<16xf32>,
        tpu.vector_store %arg9[%parallel_loop3A_390, %parallel_loop3A_391], %parallel_loop3A_389 {strides = array<i32>} : memref<128x128xf32, #tpu.memory_space<vmem>>, vector<16xf32>,
        %parallel_loop3A_393 = arith.index_cast %parallel_loop3A_340 : i32 to index
        %parallel_loop3A_394 = arith.constant 112 : index
        %parallel_loop3A_395 = tpu.vector_load %arg9[%parallel_loop3A_393, %parallel_loop3A_394] {strides = array<i32>} : memref<128x128xf32, #tpu.memory_space<vmem>>, vector<16xf32>,
        %parallel_loop3A_396 = arith.mulf %parallel_loop3A_395, %parallel_loop3A_343 : vector<16xf32>
        %parallel_loop3A_397 = arith.index_cast %parallel_loop3A_340 : i32 to index
        %parallel_loop3A_398 = arith.constant 112 : index
        %parallel_loop3A_399 = tpu.vector_load %arg9[%parallel_loop3A_397, %parallel_loop3A_398] {strides = array<i32>} : memref<128x128xf32, #tpu.memory_space<vmem>>, vector<16xf32>,
        tpu.vector_store %arg9[%parallel_loop3A_397, %parallel_loop3A_398], %parallel_loop3A_396 {strides = array<i32>} : memref<128x128xf32, #tpu.memory_space<vmem>>, vector<16xf32>,
        %parallel_loop3A_400 = arith.constant 1 : i32
        %parallel_loop3A_401 = vector.broadcast %parallel_loop3A_400 : i32 to vector<16xi32>
        %parallel_loop3A_402 = arith.addi %parallel_loop3A_341, %parallel_loop3A_401 : vector<16xi32>
        scf.yield %parallel_loop3A_402 : vector<16xi32>
      } {sc.loop_unroll_factor = 8 : i64, sc.parallel_access}
      %dma_start3A_257 = arith.constant 0 : i32
      %dma_start3A_258 = tpu.memref_slice %arg19[%dma_start3A_257] : memref<128xi32, #tpu.memory_space<vmem>> -> memref<128xi32, #tpu.memory_space<vmem>>
      %dma_start3A_259 = arith.constant 0 : i32
      %dma_start3A_260 = arith.constant 0 : i32
      %dma_start3A_261 = tpu.memref_slice %arg7[%dma_start3A_259, %dma_start3A_260] : memref<10240x128xf32, #tpu.memory_space<vmem_shared>> -> memref<10240x128xf32, #tpu.memory_space<vmem_shared>>
      tpu.enqueue_indirect_dma source(%arg9 : memref<128x128xf32, #tpu.memory_space<vmem>>) target(%dma_start3A_261 : memref<10240x128xf32, #tpu.memory_space<vmem_shared>>) offsets(%dma_start3A_258 : memref<128xi32, #tpu.memory_space<vmem>>) semaphore(%arg13 : memref<!tpu.dma_semaphore, #tpu.memory_space<semaphore_mem>>) {add = true}
      %add3A_262 = arith.constant 2 : i32
      %add3A_263 = arith.addi %mul3A_189, %add3A_262 : i32
      %ge3A_264 = arith.constant 1 : i32
      %ge3A_265 = arith.cmpi sge, %add3A_263, %ge3A_264 : i32
      %convert_element_type3A_266 = arith.extui %ge3A_265 : i1 to i32
      %cond3A_267 = arith.constant 0 : i32
      %cond3A_268 = arith.cmpi ne, %convert_element_type3A_266, %cond3A_267 : i32
      scf.if %cond3A_268 {
        %dma_wait3A_340 = arith.constant 0 : i32
        %dma_wait3A_341 = tpu.memref_slice %arg19[%dma_wait3A_340] : memref<128xi32, #tpu.memory_space<vmem>> -> memref<128xi32, #tpu.memory_space<vmem>>
        %dma_wait3A_342 = arith.constant 0 : i32
        %dma_wait3A_343 = arith.constant 0 : i32
        %dma_wait3A_344 = tpu.memref_slice %arg7[%dma_wait3A_342, %dma_wait3A_343] : memref<10240x128xf32, #tpu.memory_space<vmem_shared>> -> memref<10240x128xf32, #tpu.memory_space<vmem_shared>>
        tpu.wait_indirect_dma semaphore(%arg13 : memref<!tpu.dma_semaphore, #tpu.memory_space<semaphore_mem>>) src(%arg9 : memref<128x128xf32, #tpu.memory_space<vmem>>) dst(%dma_wait3A_344 : memref<10240x128xf32, #tpu.memory_space<vmem_shared>>)
      } else {
      }
      %add3A_269 = arith.constant 4 : i32
      %add3A_270 = arith.addi %add3A_263, %add3A_269 : i32
      %sub3A_271 = arith.constant 1 : i32
      %sub3A_272 = arith.subi %add3A_270, %sub3A_271 : i32
      %lt3A_273 = arith.constant 80 : i32
      %lt3A_274 = arith.cmpi slt, %sub3A_272, %lt3A_273 : i32
      %convert_element_type3A_275 = arith.extui %lt3A_274 : i1 to i32
      %cond3A_276 = arith.constant 0 : i32
      %cond3A_277 = arith.cmpi ne, %convert_element_type3A_275, %cond3A_276 : i32
      scf.if %cond3A_277 {
        %add3A_340 = arith.constant 4 : i32
        %add3A_341 = arith.addi %add3A_263, %add3A_340 : i32
        %sub3A_342 = arith.constant 1 : i32
        %sub3A_343 = arith.subi %add3A_341, %sub3A_342 : i32
        %dma_start3A_344 = arith.constant 0 : i32
        %dma_start3A_345 = tpu.memref_slice %arg3[%arg0, %arg1, %sub3A_343, %dma_start3A_344] : memref<2x16x80x128xi32, #tpu.memory_space<hbm>> -> memref<1x1x1x128xi32, #tpu.memory_space<hbm>>
        %dma_start3A_346 = tpu.memref_squeeze %dma_start3A_345 : memref<1x1x1x128xi32, #tpu.memory_space<hbm>> -> memref<128xi32, #tpu.memory_space<hbm>>
        %dma_start3A_347 = arith.constant 0 : i32
        %dma_start3A_348 = tpu.memref_slice %arg3[%arg0, %arg1, %sub3A_343, %dma_start3A_347] : memref<2x16x80x128xi32, #tpu.memory_space<hbm>> -> memref<1x1x1x128xi32, #tpu.memory_space<hbm>>
        %dma_start3A_349 = tpu.memref_squeeze %dma_start3A_348 : memref<1x1x1x128xi32, #tpu.memory_space<hbm>> -> memref<128xi32, #tpu.memory_space<hbm>>
        tpu.enqueue_dma source(%dma_start3A_349 : memref<128xi32, #tpu.memory_space<hbm>>) target(%arg15 : memref<128xi32, #tpu.memory_space<vmem>>) target_semaphore(%arg27 : memref<!tpu.dma_semaphore, #tpu.memory_space<semaphore_mem>>)
        %dma_start3A_350 = arith.constant 0 : i32
        %dma_start3A_351 = tpu.memref_slice %arg4[%arg0, %arg1, %sub3A_343, %dma_start3A_350] : memref<2x16x80x128xi32, #tpu.memory_space<hbm>> -> memref<1x1x1x128xi32, #tpu.memory_space<hbm>>
        %dma_start3A_352 = tpu.memref_squeeze %dma_start3A_351 : memref<1x1x1x128xi32, #tpu.memory_space<hbm>> -> memref<128xi32, #tpu.memory_space<hbm>>
        %dma_start3A_353 = arith.constant 0 : i32
        %dma_start3A_354 = tpu.memref_slice %arg4[%arg0, %arg1, %sub3A_343, %dma_start3A_353] : memref<2x16x80x128xi32, #tpu.memory_space<hbm>> -> memref<1x1x1x128xi32, #tpu.memory_space<hbm>>
        %dma_start3A_355 = tpu.memref_squeeze %dma_start3A_354 : memref<1x1x1x128xi32, #tpu.memory_space<hbm>> -> memref<128xi32, #tpu.memory_space<hbm>>
        tpu.enqueue_dma source(%dma_start3A_355 : memref<128xi32, #tpu.memory_space<hbm>>) target(%arg19 : memref<128xi32, #tpu.memory_space<vmem>>) target_semaphore(%arg27 : memref<!tpu.dma_semaphore, #tpu.memory_space<semaphore_mem>>)
        %dma_start3A_356 = arith.constant 0 : i32
        %dma_start3A_357 = tpu.memref_slice %arg5[%arg0, %arg1, %sub3A_343, %dma_start3A_356] : memref<2x16x80x128xi32, #tpu.memory_space<hbm>> -> memref<1x1x1x128xi32, #tpu.memory_space<hbm>>
        %dma_start3A_358 = tpu.memref_squeeze %dma_start3A_357 : memref<1x1x1x128xi32, #tpu.memory_space<hbm>> -> memref<128xi32, #tpu.memory_space<hbm>>
        %dma_start3A_359 = arith.constant 0 : i32
        %dma_start3A_360 = tpu.memref_slice %arg5[%arg0, %arg1, %sub3A_343, %dma_start3A_359] : memref<2x16x80x128xi32, #tpu.memory_space<hbm>> -> memref<1x1x1x128xi32, #tpu.memory_space<hbm>>
        %dma_start3A_361 = tpu.memref_squeeze %dma_start3A_360 : memref<1x1x1x128xi32, #tpu.memory_space<hbm>> -> memref<128xi32, #tpu.memory_space<hbm>>
        tpu.enqueue_dma source(%dma_start3A_361 : memref<128xi32, #tpu.memory_space<hbm>>) target(%arg23 : memref<128xi32, #tpu.memory_space<vmem>>) target_semaphore(%arg27 : memref<!tpu.dma_semaphore, #tpu.memory_space<semaphore_mem>>)
      } else {
      }
      %add3A_278 = arith.constant 1 : i32
      %add3A_279 = arith.addi %add3A_263, %add3A_278 : i32
      %lt3A_280 = arith.constant 80 : i32
      %lt3A_281 = arith.cmpi slt, %add3A_279, %lt3A_280 : i32
      %convert_element_type3A_282 = arith.extui %lt3A_281 : i1 to i32
      %cond3A_283 = arith.constant 0 : i32
      %cond3A_284 = arith.cmpi ne, %convert_element_type3A_282, %cond3A_283 : i32
      scf.if %cond3A_284 {
        %add3A_340 = arith.constant 1 : i32
        %add3A_341 = arith.addi %add3A_263, %add3A_340 : i32
        %dma_wait3A_342 = arith.constant 0 : i32
        %dma_wait3A_343 = tpu.memref_slice %arg3[%arg0, %arg1, %add3A_341, %dma_wait3A_342] : memref<2x16x80x128xi32, #tpu.memory_space<hbm>> -> memref<1x1x1x128xi32, #tpu.memory_space<hbm>>
        %dma_wait3A_344 = tpu.memref_squeeze %dma_wait3A_343 : memref<1x1x1x128xi32, #tpu.memory_space<hbm>> -> memref<128xi32, #tpu.memory_space<hbm>>
        %dma_wait3A_345 = arith.constant 0 : i32
        %dma_wait3A_346 = tpu.memref_slice %arg3[%arg0, %arg1, %add3A_341, %dma_wait3A_345] : memref<2x16x80x128xi32, #tpu.memory_space<hbm>> -> memref<1x1x1x128xi32, #tpu.memory_space<hbm>>
        %dma_wait3A_347 = tpu.memref_squeeze %dma_wait3A_346 : memref<1x1x1x128xi32, #tpu.memory_space<hbm>> -> memref<128xi32, #tpu.memory_space<hbm>>
        tpu.wait_dma2 semaphore(%arg29 : memref<!tpu.dma_semaphore, #tpu.memory_space<semaphore_mem>>) src(%dma_wait3A_347 : memref<128xi32, #tpu.memory_space<hbm>>) dst(%arg17 : memref<128xi32, #tpu.memory_space<vmem>>)
        %dma_wait3A_348 = arith.constant 0 : i32
        %dma_wait3A_349 = tpu.memref_slice %arg4[%arg0, %arg1, %add3A_341, %dma_wait3A_348] : memref<2x16x80x128xi32, #tpu.memory_space<hbm>> -> memref<1x1x1x128xi32, #tpu.memory_space<hbm>>
        %dma_wait3A_350 = tpu.memref_squeeze %dma_wait3A_349 : memref<1x1x1x128xi32, #tpu.memory_space<hbm>> -> memref<128xi32, #tpu.memory_space<hbm>>
        %dma_wait3A_351 = arith.constant 0 : i32
        %dma_wait3A_352 = tpu.memref_slice %arg4[%arg0, %arg1, %add3A_341, %dma_wait3A_351] : memref<2x16x80x128xi32, #tpu.memory_space<hbm>> -> memref<1x1x1x128xi32, #tpu.memory_space<hbm>>
        %dma_wait3A_353 = tpu.memref_squeeze %dma_wait3A_352 : memref<1x1x1x128xi32, #tpu.memory_space<hbm>> -> memref<128xi32, #tpu.memory_space<hbm>>
        tpu.wait_dma2 semaphore(%arg29 : memref<!tpu.dma_semaphore, #tpu.memory_space<semaphore_mem>>) src(%dma_wait3A_353 : memref<128xi32, #tpu.memory_space<hbm>>) dst(%arg21 : memref<128xi32, #tpu.memory_space<vmem>>)
        %dma_wait3A_354 = arith.constant 0 : i32
        %dma_wait3A_355 = tpu.memref_slice %arg5[%arg0, %arg1, %add3A_341, %dma_wait3A_354] : memref<2x16x80x128xi32, #tpu.memory_space<hbm>> -> memref<1x1x1x128xi32, #tpu.memory_space<hbm>>
        %dma_wait3A_356 = tpu.memref_squeeze %dma_wait3A_355 : memref<1x1x1x128xi32, #tpu.memory_space<hbm>> -> memref<128xi32, #tpu.memory_space<hbm>>
        %dma_wait3A_357 = arith.constant 0 : i32
        %dma_wait3A_358 = tpu.memref_slice %arg5[%arg0, %arg1, %add3A_341, %dma_wait3A_357] : memref<2x16x80x128xi32, #tpu.memory_space<hbm>> -> memref<1x1x1x128xi32, #tpu.memory_space<hbm>>
        %dma_wait3A_359 = tpu.memref_squeeze %dma_wait3A_358 : memref<1x1x1x128xi32, #tpu.memory_space<hbm>> -> memref<128xi32, #tpu.memory_space<hbm>>
        tpu.wait_dma2 semaphore(%arg29 : memref<!tpu.dma_semaphore, #tpu.memory_space<semaphore_mem>>) src(%dma_wait3A_359 : memref<128xi32, #tpu.memory_space<hbm>>) dst(%arg25 : memref<128xi32, #tpu.memory_space<vmem>>)
        %dma_start3A_360 = arith.constant 0 : i32
        %dma_start3A_361 = tpu.memref_slice %arg17[%dma_start3A_360] : memref<128xi32, #tpu.memory_space<vmem>> -> memref<128xi32, #tpu.memory_space<vmem>>
        %dma_start3A_362 = arith.constant 0 : i32
        %dma_start3A_363 = arith.constant 0 : i32
        %dma_start3A_364 = tpu.memref_slice %arg2[%dma_start3A_362, %dma_start3A_363] : memref<10000x128xf32, #tpu.memory_space<hbm>> -> memref<10000x128xf32, #tpu.memory_space<hbm>>
        tpu.enqueue_indirect_dma source(%dma_start3A_364 : memref<10000x128xf32, #tpu.memory_space<hbm>>) target(%arg9 : memref<128x128xf32, #tpu.memory_space<vmem>>) offsets(%dma_start3A_361 : memref<128xi32, #tpu.memory_space<vmem>>) semaphore(%arg11 : memref<!tpu.dma_semaphore, #tpu.memory_space<semaphore_mem>>)
      } else {
      }
      %dma_wait3A_285 = arith.constant 0 : i32
      %dma_wait3A_286 = tpu.memref_slice %arg16[%dma_wait3A_285] : memref<128xi32, #tpu.memory_space<vmem>> -> memref<128xi32, #tpu.memory_space<vmem>>
      %dma_wait3A_287 = arith.constant 0 : i32
      %dma_wait3A_288 = arith.constant 0 : i32
      %dma_wait3A_289 = tpu.memref_slice %arg2[%dma_wait3A_287, %dma_wait3A_288] : memref<10000x128xf32, #tpu.memory_space<hbm>> -> memref<10000x128xf32, #tpu.memory_space<hbm>>
      tpu.wait_indirect_dma semaphore(%arg10 : memref<!tpu.dma_semaphore, #tpu.memory_space<semaphore_mem>>) src(%dma_wait3A_289 : memref<10000x128xf32, #tpu.memory_space<hbm>>) dst(%arg8 : memref<128x128xf32, #tpu.memory_space<vmem>>)
      %broadcast_in_dim3A_290 = arith.constant 0 : i32
      %broadcast_in_dim3A_291 = vector.broadcast %broadcast_in_dim3A_290 : i32 to vector<16xi32>
      %parallel_loop3A_292 = arith.constant 0 : i32
      %parallel_loop3A_293 = arith.constant 128 : i32
      %parallel_loop3A_294 = arith.constant 1 : i32
      %parallel_loop3A_295 = scf.for %parallel_loop3A_340 = %parallel_loop3A_292 to %parallel_loop3A_293 step %parallel_loop3A_294 iter_args(%parallel_loop3A_341 = %broadcast_in_dim3A_291) -> (vector<16xi32>)  : i32 {
        %parallel_loop3A_342 = tpu.vector_load_idx %arg24[%parallel_loop3A_341] : memref<128xi32, #tpu.memory_space<vmem>>[vector<16xi32>], vector<16xi32>,
        %parallel_loop3A_343 = vector.bitcast %parallel_loop3A_342 : vector<16xi32> to vector<16xf32>
        %parallel_loop3A_344 = arith.index_cast %parallel_loop3A_340 : i32 to index
        %parallel_loop3A_345 = arith.constant 0 : index
        %parallel_loop3A_346 = tpu.vector_load %arg8[%parallel_loop3A_344, %parallel_loop3A_345] {strides = array<i32>} : memref<128x128xf32, #tpu.memory_space<vmem>>, vector<16xf32>,
        %parallel_loop3A_347 = arith.mulf %parallel_loop3A_346, %parallel_loop3A_343 : vector<16xf32>
        %parallel_loop3A_348 = arith.index_cast %parallel_loop3A_340 : i32 to index
        %parallel_loop3A_349 = arith.constant 0 : index
        %parallel_loop3A_350 = tpu.vector_load %arg8[%parallel_loop3A_348, %parallel_loop3A_349] {strides = array<i32>} : memref<128x128xf32, #tpu.memory_space<vmem>>, vector<16xf32>,
        tpu.vector_store %arg8[%parallel_loop3A_348, %parallel_loop3A_349], %parallel_loop3A_347 {strides = array<i32>} : memref<128x128xf32, #tpu.memory_space<vmem>>, vector<16xf32>,
        %parallel_loop3A_351 = arith.index_cast %parallel_loop3A_340 : i32 to index
        %parallel_loop3A_352 = arith.constant 16 : index
        %parallel_loop3A_353 = tpu.vector_load %arg8[%parallel_loop3A_351, %parallel_loop3A_352] {strides = array<i32>} : memref<128x128xf32, #tpu.memory_space<vmem>>, vector<16xf32>,
        %parallel_loop3A_354 = arith.mulf %parallel_loop3A_353, %parallel_loop3A_343 : vector<16xf32>
        %parallel_loop3A_355 = arith.index_cast %parallel_loop3A_340 : i32 to index
        %parallel_loop3A_356 = arith.constant 16 : index
        %parallel_loop3A_357 = tpu.vector_load %arg8[%parallel_loop3A_355, %parallel_loop3A_356] {strides = array<i32>} : memref<128x128xf32, #tpu.memory_space<vmem>>, vector<16xf32>,
        tpu.vector_store %arg8[%parallel_loop3A_355, %parallel_loop3A_356], %parallel_loop3A_354 {strides = array<i32>} : memref<128x128xf32, #tpu.memory_space<vmem>>, vector<16xf32>,
        %parallel_loop3A_358 = arith.index_cast %parallel_loop3A_340 : i32 to index
        %parallel_loop3A_359 = arith.constant 32 : index
        %parallel_loop3A_360 = tpu.vector_load %arg8[%parallel_loop3A_358, %parallel_loop3A_359] {strides = array<i32>} : memref<128x128xf32, #tpu.memory_space<vmem>>, vector<16xf32>,
        %parallel_loop3A_361 = arith.mulf %parallel_loop3A_360, %parallel_loop3A_343 : vector<16xf32>
        %parallel_loop3A_362 = arith.index_cast %parallel_loop3A_340 : i32 to index
        %parallel_loop3A_363 = arith.constant 32 : index
        %parallel_loop3A_364 = tpu.vector_load %arg8[%parallel_loop3A_362, %parallel_loop3A_363] {strides = array<i32>} : memref<128x128xf32, #tpu.memory_space<vmem>>, vector<16xf32>,
        tpu.vector_store %arg8[%parallel_loop3A_362, %parallel_loop3A_363], %parallel_loop3A_361 {strides = array<i32>} : memref<128x128xf32, #tpu.memory_space<vmem>>, vector<16xf32>,
        %parallel_loop3A_365 = arith.index_cast %parallel_loop3A_340 : i32 to index
        %parallel_loop3A_366 = arith.constant 48 : index
        %parallel_loop3A_367 = tpu.vector_load %arg8[%parallel_loop3A_365, %parallel_loop3A_366] {strides = array<i32>} : memref<128x128xf32, #tpu.memory_space<vmem>>, vector<16xf32>,
        %parallel_loop3A_368 = arith.mulf %parallel_loop3A_367, %parallel_loop3A_343 : vector<16xf32>
        %parallel_loop3A_369 = arith.index_cast %parallel_loop3A_340 : i32 to index
        %parallel_loop3A_370 = arith.constant 48 : index
        %parallel_loop3A_371 = tpu.vector_load %arg8[%parallel_loop3A_369, %parallel_loop3A_370] {strides = array<i32>} : memref<128x128xf32, #tpu.memory_space<vmem>>, vector<16xf32>,
        tpu.vector_store %arg8[%parallel_loop3A_369, %parallel_loop3A_370], %parallel_loop3A_368 {strides = array<i32>} : memref<128x128xf32, #tpu.memory_space<vmem>>, vector<16xf32>,
        %parallel_loop3A_372 = arith.index_cast %parallel_loop3A_340 : i32 to index
        %parallel_loop3A_373 = arith.constant 64 : index
        %parallel_loop3A_374 = tpu.vector_load %arg8[%parallel_loop3A_372, %parallel_loop3A_373] {strides = array<i32>} : memref<128x128xf32, #tpu.memory_space<vmem>>, vector<16xf32>,
        %parallel_loop3A_375 = arith.mulf %parallel_loop3A_374, %parallel_loop3A_343 : vector<16xf32>
        %parallel_loop3A_376 = arith.index_cast %parallel_loop3A_340 : i32 to index
        %parallel_loop3A_377 = arith.constant 64 : index
        %parallel_loop3A_378 = tpu.vector_load %arg8[%parallel_loop3A_376, %parallel_loop3A_377] {strides = array<i32>} : memref<128x128xf32, #tpu.memory_space<vmem>>, vector<16xf32>,
        tpu.vector_store %arg8[%parallel_loop3A_376, %parallel_loop3A_377], %parallel_loop3A_375 {strides = array<i32>} : memref<128x128xf32, #tpu.memory_space<vmem>>, vector<16xf32>,
        %parallel_loop3A_379 = arith.index_cast %parallel_loop3A_340 : i32 to index
        %parallel_loop3A_380 = arith.constant 80 : index
        %parallel_loop3A_381 = tpu.vector_load %arg8[%parallel_loop3A_379, %parallel_loop3A_380] {strides = array<i32>} : memref<128x128xf32, #tpu.memory_space<vmem>>, vector<16xf32>,
        %parallel_loop3A_382 = arith.mulf %parallel_loop3A_381, %parallel_loop3A_343 : vector<16xf32>
        %parallel_loop3A_383 = arith.index_cast %parallel_loop3A_340 : i32 to index
        %parallel_loop3A_384 = arith.constant 80 : index
        %parallel_loop3A_385 = tpu.vector_load %arg8[%parallel_loop3A_383, %parallel_loop3A_384] {strides = array<i32>} : memref<128x128xf32, #tpu.memory_space<vmem>>, vector<16xf32>,
        tpu.vector_store %arg8[%parallel_loop3A_383, %parallel_loop3A_384], %parallel_loop3A_382 {strides = array<i32>} : memref<128x128xf32, #tpu.memory_space<vmem>>, vector<16xf32>,
        %parallel_loop3A_386 = arith.index_cast %parallel_loop3A_340 : i32 to index
        %parallel_loop3A_387 = arith.constant 96 : index
        %parallel_loop3A_388 = tpu.vector_load %arg8[%parallel_loop3A_386, %parallel_loop3A_387] {strides = array<i32>} : memref<128x128xf32, #tpu.memory_space<vmem>>, vector<16xf32>,
        %parallel_loop3A_389 = arith.mulf %parallel_loop3A_388, %parallel_loop3A_343 : vector<16xf32>
        %parallel_loop3A_390 = arith.index_cast %parallel_loop3A_340 : i32 to index
        %parallel_loop3A_391 = arith.constant 96 : index
        %parallel_loop3A_392 = tpu.vector_load %arg8[%parallel_loop3A_390, %parallel_loop3A_391] {strides = array<i32>} : memref<128x128xf32, #tpu.memory_space<vmem>>, vector<16xf32>,
        tpu.vector_store %arg8[%parallel_loop3A_390, %parallel_loop3A_391], %parallel_loop3A_389 {strides = array<i32>} : memref<128x128xf32, #tpu.memory_space<vmem>>, vector<16xf32>,
        %parallel_loop3A_393 = arith.index_cast %parallel_loop3A_340 : i32 to index
        %parallel_loop3A_394 = arith.constant 112 : index
        %parallel_loop3A_395 = tpu.vector_load %arg8[%parallel_loop3A_393, %parallel_loop3A_394] {strides = array<i32>} : memref<128x128xf32, #tpu.memory_space<vmem>>, vector<16xf32>,
        %parallel_loop3A_396 = arith.mulf %parallel_loop3A_395, %parallel_loop3A_343 : vector<16xf32>
        %parallel_loop3A_397 = arith.index_cast %parallel_loop3A_340 : i32 to index
        %parallel_loop3A_398 = arith.constant 112 : index
        %parallel_loop3A_399 = tpu.vector_load %arg8[%parallel_loop3A_397, %parallel_loop3A_398] {strides = array<i32>} : memref<128x128xf32, #tpu.memory_space<vmem>>, vector<16xf32>,
        tpu.vector_store %arg8[%parallel_loop3A_397, %parallel_loop3A_398], %parallel_loop3A_396 {strides = array<i32>} : memref<128x128xf32, #tpu.memory_space<vmem>>, vector<16xf32>,
        %parallel_loop3A_400 = arith.constant 1 : i32
        %parallel_loop3A_401 = vector.broadcast %parallel_loop3A_400 : i32 to vector<16xi32>
        %parallel_loop3A_402 = arith.addi %parallel_loop3A_341, %parallel_loop3A_401 : vector<16xi32>
        scf.yield %parallel_loop3A_402 : vector<16xi32>
      } {sc.loop_unroll_factor = 8 : i64, sc.parallel_access}
      %dma_start3A_296 = arith.constant 0 : i32
      %dma_start3A_297 = tpu.memref_slice %arg20[%dma_start3A_296] : memref<128xi32, #tpu.memory_space<vmem>> -> memref<128xi32, #tpu.memory_space<vmem>>
      %dma_start3A_298 = arith.constant 0 : i32
      %dma_start3A_299 = arith.constant 0 : i32
      %dma_start3A_300 = tpu.memref_slice %arg7[%dma_start3A_298, %dma_start3A_299] : memref<10240x128xf32, #tpu.memory_space<vmem_shared>> -> memref<10240x128xf32, #tpu.memory_space<vmem_shared>>
      tpu.enqueue_indirect_dma source(%arg8 : memref<128x128xf32, #tpu.memory_space<vmem>>) target(%dma_start3A_300 : memref<10240x128xf32, #tpu.memory_space<vmem_shared>>) offsets(%dma_start3A_297 : memref<128xi32, #tpu.memory_space<vmem>>) semaphore(%arg12 : memref<!tpu.dma_semaphore, #tpu.memory_space<semaphore_mem>>) {add = true}
      %add3A_301 = arith.constant 3 : i32
      %add3A_302 = arith.addi %mul3A_189, %add3A_301 : i32
      %ge3A_303 = arith.constant 1 : i32
      %ge3A_304 = arith.cmpi sge, %add3A_302, %ge3A_303 : i32
      %convert_element_type3A_305 = arith.extui %ge3A_304 : i1 to i32
      %cond3A_306 = arith.constant 0 : i32
      %cond3A_307 = arith.cmpi ne, %convert_element_type3A_305, %cond3A_306 : i32
      scf.if %cond3A_307 {
        %dma_wait3A_340 = arith.constant 0 : i32
        %dma_wait3A_341 = tpu.memref_slice %arg20[%dma_wait3A_340] : memref<128xi32, #tpu.memory_space<vmem>> -> memref<128xi32, #tpu.memory_space<vmem>>
        %dma_wait3A_342 = arith.constant 0 : i32
        %dma_wait3A_343 = arith.constant 0 : i32
        %dma_wait3A_344 = tpu.memref_slice %arg7[%dma_wait3A_342, %dma_wait3A_343] : memref<10240x128xf32, #tpu.memory_space<vmem_shared>> -> memref<10240x128xf32, #tpu.memory_space<vmem_shared>>
        tpu.wait_indirect_dma semaphore(%arg12 : memref<!tpu.dma_semaphore, #tpu.memory_space<semaphore_mem>>) src(%arg8 : memref<128x128xf32, #tpu.memory_space<vmem>>) dst(%dma_wait3A_344 : memref<10240x128xf32, #tpu.memory_space<vmem_shared>>)
      } else {
      }
      %add3A_308 = arith.constant 4 : i32
      %add3A_309 = arith.addi %add3A_302, %add3A_308 : i32
      %sub3A_310 = arith.constant 1 : i32
      %sub3A_311 = arith.subi %add3A_309, %sub3A_310 : i32
      %lt3A_312 = arith.constant 80 : i32
      %lt3A_313 = arith.cmpi slt, %sub3A_311, %lt3A_312 : i32
      %convert_element_type3A_314 = arith.extui %lt3A_313 : i1 to i32
      %cond3A_315 = arith.constant 0 : i32
      %cond3A_316 = arith.cmpi ne, %convert_element_type3A_314, %cond3A_315 : i32
      scf.if %cond3A_316 {
        %add3A_340 = arith.constant 4 : i32
        %add3A_341 = arith.addi %add3A_302, %add3A_340 : i32
        %sub3A_342 = arith.constant 1 : i32
        %sub3A_343 = arith.subi %add3A_341, %sub3A_342 : i32
        %dma_start3A_344 = arith.constant 0 : i32
        %dma_start3A_345 = tpu.memref_slice %arg3[%arg0, %arg1, %sub3A_343, %dma_start3A_344] : memref<2x16x80x128xi32, #tpu.memory_space<hbm>> -> memref<1x1x1x128xi32, #tpu.memory_space<hbm>>
        %dma_start3A_346 = tpu.memref_squeeze %dma_start3A_345 : memref<1x1x1x128xi32, #tpu.memory_space<hbm>> -> memref<128xi32, #tpu.memory_space<hbm>>
        %dma_start3A_347 = arith.constant 0 : i32
        %dma_start3A_348 = tpu.memref_slice %arg3[%arg0, %arg1, %sub3A_343, %dma_start3A_347] : memref<2x16x80x128xi32, #tpu.memory_space<hbm>> -> memref<1x1x1x128xi32, #tpu.memory_space<hbm>>
        %dma_start3A_349 = tpu.memref_squeeze %dma_start3A_348 : memref<1x1x1x128xi32, #tpu.memory_space<hbm>> -> memref<128xi32, #tpu.memory_space<hbm>>
        tpu.enqueue_dma source(%dma_start3A_349 : memref<128xi32, #tpu.memory_space<hbm>>) target(%arg16 : memref<128xi32, #tpu.memory_space<vmem>>) target_semaphore(%arg28 : memref<!tpu.dma_semaphore, #tpu.memory_space<semaphore_mem>>)
        %dma_start3A_350 = arith.constant 0 : i32
        %dma_start3A_351 = tpu.memref_slice %arg4[%arg0, %arg1, %sub3A_343, %dma_start3A_350] : memref<2x16x80x128xi32, #tpu.memory_space<hbm>> -> memref<1x1x1x128xi32, #tpu.memory_space<hbm>>
        %dma_start3A_352 = tpu.memref_squeeze %dma_start3A_351 : memref<1x1x1x128xi32, #tpu.memory_space<hbm>> -> memref<128xi32, #tpu.memory_space<hbm>>
        %dma_start3A_353 = arith.constant 0 : i32
        %dma_start3A_354 = tpu.memref_slice %arg4[%arg0, %arg1, %sub3A_343, %dma_start3A_353] : memref<2x16x80x128xi32, #tpu.memory_space<hbm>> -> memref<1x1x1x128xi32, #tpu.memory_space<hbm>>
        %dma_start3A_355 = tpu.memref_squeeze %dma_start3A_354 : memref<1x1x1x128xi32, #tpu.memory_space<hbm>> -> memref<128xi32, #tpu.memory_space<hbm>>
        tpu.enqueue_dma source(%dma_start3A_355 : memref<128xi32, #tpu.memory_space<hbm>>) target(%arg20 : memref<128xi32, #tpu.memory_space<vmem>>) target_semaphore(%arg28 : memref<!tpu.dma_semaphore, #tpu.memory_space<semaphore_mem>>)
        %dma_start3A_356 = arith.constant 0 : i32
        %dma_start3A_357 = tpu.memref_slice %arg5[%arg0, %arg1, %sub3A_343, %dma_start3A_356] : memref<2x16x80x128xi32, #tpu.memory_space<hbm>> -> memref<1x1x1x128xi32, #tpu.memory_space<hbm>>
        %dma_start3A_358 = tpu.memref_squeeze %dma_start3A_357 : memref<1x1x1x128xi32, #tpu.memory_space<hbm>> -> memref<128xi32, #tpu.memory_space<hbm>>
        %dma_start3A_359 = arith.constant 0 : i32
        %dma_start3A_360 = tpu.memref_slice %arg5[%arg0, %arg1, %sub3A_343, %dma_start3A_359] : memref<2x16x80x128xi32, #tpu.memory_space<hbm>> -> memref<1x1x1x128xi32, #tpu.memory_space<hbm>>
        %dma_start3A_361 = tpu.memref_squeeze %dma_start3A_360 : memref<1x1x1x128xi32, #tpu.memory_space<hbm>> -> memref<128xi32, #tpu.memory_space<hbm>>
        tpu.enqueue_dma source(%dma_start3A_361 : memref<128xi32, #tpu.memory_space<hbm>>) target(%arg24 : memref<128xi32, #tpu.memory_space<vmem>>) target_semaphore(%arg28 : memref<!tpu.dma_semaphore, #tpu.memory_space<semaphore_mem>>)
      } else {
      }
      %add3A_317 = arith.constant 1 : i32
      %add3A_318 = arith.addi %add3A_302, %add3A_317 : i32
      %lt3A_319 = arith.constant 80 : i32
      %lt3A_320 = arith.cmpi slt, %add3A_318, %lt3A_319 : i32
      %convert_element_type3A_321 = arith.extui %lt3A_320 : i1 to i32
      %cond3A_322 = arith.constant 0 : i32
      %cond3A_323 = arith.cmpi ne, %convert_element_type3A_321, %cond3A_322 : i32
      scf.if %cond3A_323 {
        %add3A_340 = arith.constant 1 : i32
        %add3A_341 = arith.addi %add3A_302, %add3A_340 : i32
        %dma_wait3A_342 = arith.constant 0 : i32
        %dma_wait3A_343 = tpu.memref_slice %arg3[%arg0, %arg1, %add3A_341, %dma_wait3A_342] : memref<2x16x80x128xi32, #tpu.memory_space<hbm>> -> memref<1x1x1x128xi32, #tpu.memory_space<hbm>>
        %dma_wait3A_344 = tpu.memref_squeeze %dma_wait3A_343 : memref<1x1x1x128xi32, #tpu.memory_space<hbm>> -> memref<128xi32, #tpu.memory_space<hbm>>
        %dma_wait3A_345 = arith.constant 0 : i32
        %dma_wait3A_346 = tpu.memref_slice %arg3[%arg0, %arg1, %add3A_341, %dma_wait3A_345] : memref<2x16x80x128xi32, #tpu.memory_space<hbm>> -> memref<1x1x1x128xi32, #tpu.memory_space<hbm>>
        %dma_wait3A_347 = tpu.memref_squeeze %dma_wait3A_346 : memref<1x1x1x128xi32, #tpu.memory_space<hbm>> -> memref<128xi32, #tpu.memory_space<hbm>>
        tpu.wait_dma2 semaphore(%arg26 : memref<!tpu.dma_semaphore, #tpu.memory_space<semaphore_mem>>) src(%dma_wait3A_347 : memref<128xi32, #tpu.memory_space<hbm>>) dst(%arg14 : memref<128xi32, #tpu.memory_space<vmem>>)
        %dma_wait3A_348 = arith.constant 0 : i32
        %dma_wait3A_349 = tpu.memref_slice %arg4[%arg0, %arg1, %add3A_341, %dma_wait3A_348] : memref<2x16x80x128xi32, #tpu.memory_space<hbm>> -> memref<1x1x1x128xi32, #tpu.memory_space<hbm>>
        %dma_wait3A_350 = tpu.memref_squeeze %dma_wait3A_349 : memref<1x1x1x128xi32, #tpu.memory_space<hbm>> -> memref<128xi32, #tpu.memory_space<hbm>>
        %dma_wait3A_351 = arith.constant 0 : i32
        %dma_wait3A_352 = tpu.memref_slice %arg4[%arg0, %arg1, %add3A_341, %dma_wait3A_351] : memref<2x16x80x128xi32, #tpu.memory_space<hbm>> -> memref<1x1x1x128xi32, #tpu.memory_space<hbm>>
        %dma_wait3A_353 = tpu.memref_squeeze %dma_wait3A_352 : memref<1x1x1x128xi32, #tpu.memory_space<hbm>> -> memref<128xi32, #tpu.memory_space<hbm>>
        tpu.wait_dma2 semaphore(%arg26 : memref<!tpu.dma_semaphore, #tpu.memory_space<semaphore_mem>>) src(%dma_wait3A_353 : memref<128xi32, #tpu.memory_space<hbm>>) dst(%arg18 : memref<128xi32, #tpu.memory_space<vmem>>)
        %dma_wait3A_354 = arith.constant 0 : i32
        %dma_wait3A_355 = tpu.memref_slice %arg5[%arg0, %arg1, %add3A_341, %dma_wait3A_354] : memref<2x16x80x128xi32, #tpu.memory_space<hbm>> -> memref<1x1x1x128xi32, #tpu.memory_space<hbm>>
        %dma_wait3A_356 = tpu.memref_squeeze %dma_wait3A_355 : memref<1x1x1x128xi32, #tpu.memory_space<hbm>> -> memref<128xi32, #tpu.memory_space<hbm>>
        %dma_wait3A_357 = arith.constant 0 : i32
        %dma_wait3A_358 = tpu.memref_slice %arg5[%arg0, %arg1, %add3A_341, %dma_wait3A_357] : memref<2x16x80x128xi32, #tpu.memory_space<hbm>> -> memref<1x1x1x128xi32, #tpu.memory_space<hbm>>
        %dma_wait3A_359 = tpu.memref_squeeze %dma_wait3A_358 : memref<1x1x1x128xi32, #tpu.memory_space<hbm>> -> memref<128xi32, #tpu.memory_space<hbm>>
        tpu.wait_dma2 semaphore(%arg26 : memref<!tpu.dma_semaphore, #tpu.memory_space<semaphore_mem>>) src(%dma_wait3A_359 : memref<128xi32, #tpu.memory_space<hbm>>) dst(%arg22 : memref<128xi32, #tpu.memory_space<vmem>>)
        %dma_start3A_360 = arith.constant 0 : i32
        %dma_start3A_361 = tpu.memref_slice %arg14[%dma_start3A_360] : memref<128xi32, #tpu.memory_space<vmem>> -> memref<128xi32, #tpu.memory_space<vmem>>
        %dma_start3A_362 = arith.constant 0 : i32
        %dma_start3A_363 = arith.constant 0 : i32
        %dma_start3A_364 = tpu.memref_slice %arg2[%dma_start3A_362, %dma_start3A_363] : memref<10000x128xf32, #tpu.memory_space<hbm>> -> memref<10000x128xf32, #tpu.memory_space<hbm>>
        tpu.enqueue_indirect_dma source(%dma_start3A_364 : memref<10000x128xf32, #tpu.memory_space<hbm>>) target(%arg8 : memref<128x128xf32, #tpu.memory_space<vmem>>) offsets(%dma_start3A_361 : memref<128xi32, #tpu.memory_space<vmem>>) semaphore(%arg10 : memref<!tpu.dma_semaphore, #tpu.memory_space<semaphore_mem>>)
      } else {
      }
      %dma_wait3A_324 = arith.constant 0 : i32
      %dma_wait3A_325 = tpu.memref_slice %arg17[%dma_wait3A_324] : memref<128xi32, #tpu.memory_space<vmem>> -> memref<128xi32, #tpu.memory_space<vmem>>
      %dma_wait3A_326 = arith.constant 0 : i32
      %dma_wait3A_327 = arith.constant 0 : i32
      %dma_wait3A_328 = tpu.memref_slice %arg2[%dma_wait3A_326, %dma_wait3A_327] : memref<10000x128xf32, #tpu.memory_space<hbm>> -> memref<10000x128xf32, #tpu.memory_space<hbm>>
      tpu.wait_indirect_dma semaphore(%arg11 : memref<!tpu.dma_semaphore, #tpu.memory_space<semaphore_mem>>) src(%dma_wait3A_328 : memref<10000x128xf32, #tpu.memory_space<hbm>>) dst(%arg9 : memref<128x128xf32, #tpu.memory_space<vmem>>)
      %broadcast_in_dim3A_329 = arith.constant 0 : i32
      %broadcast_in_dim3A_330 = vector.broadcast %broadcast_in_dim3A_329 : i32 to vector<16xi32>
      %parallel_loop3A_331 = arith.constant 0 : i32
      %parallel_loop3A_332 = arith.constant 128 : i32
      %parallel_loop3A_333 = arith.constant 1 : i32
      %parallel_loop3A_334 = scf.for %parallel_loop3A_340 = %parallel_loop3A_331 to %parallel_loop3A_332 step %parallel_loop3A_333 iter_args(%parallel_loop3A_341 = %broadcast_in_dim3A_330) -> (vector<16xi32>)  : i32 {
        %parallel_loop3A_342 = tpu.vector_load_idx %arg25[%parallel_loop3A_341] : memref<128xi32, #tpu.memory_space<vmem>>[vector<16xi32>], vector<16xi32>,
        %parallel_loop3A_343 = vector.bitcast %parallel_loop3A_342 : vector<16xi32> to vector<16xf32>
        %parallel_loop3A_344 = arith.index_cast %parallel_loop3A_340 : i32 to index
        %parallel_loop3A_345 = arith.constant 0 : index
        %parallel_loop3A_346 = tpu.vector_load %arg9[%parallel_loop3A_344, %parallel_loop3A_345] {strides = array<i32>} : memref<128x128xf32, #tpu.memory_space<vmem>>, vector<16xf32>,
        %parallel_loop3A_347 = arith.mulf %parallel_loop3A_346, %parallel_loop3A_343 : vector<16xf32>
        %parallel_loop3A_348 = arith.index_cast %parallel_loop3A_340 : i32 to index
        %parallel_loop3A_349 = arith.constant 0 : index
        %parallel_loop3A_350 = tpu.vector_load %arg9[%parallel_loop3A_348, %parallel_loop3A_349] {strides = array<i32>} : memref<128x128xf32, #tpu.memory_space<vmem>>, vector<16xf32>,
        tpu.vector_store %arg9[%parallel_loop3A_348, %parallel_loop3A_349], %parallel_loop3A_347 {strides = array<i32>} : memref<128x128xf32, #tpu.memory_space<vmem>>, vector<16xf32>,
        %parallel_loop3A_351 = arith.index_cast %parallel_loop3A_340 : i32 to index
        %parallel_loop3A_352 = arith.constant 16 : index
        %parallel_loop3A_353 = tpu.vector_load %arg9[%parallel_loop3A_351, %parallel_loop3A_352] {strides = array<i32>} : memref<128x128xf32, #tpu.memory_space<vmem>>, vector<16xf32>,
        %parallel_loop3A_354 = arith.mulf %parallel_loop3A_353, %parallel_loop3A_343 : vector<16xf32>
        %parallel_loop3A_355 = arith.index_cast %parallel_loop3A_340 : i32 to index
        %parallel_loop3A_356 = arith.constant 16 : index
        %parallel_loop3A_357 = tpu.vector_load %arg9[%parallel_loop3A_355, %parallel_loop3A_356] {strides = array<i32>} : memref<128x128xf32, #tpu.memory_space<vmem>>, vector<16xf32>,
        tpu.vector_store %arg9[%parallel_loop3A_355, %parallel_loop3A_356], %parallel_loop3A_354 {strides = array<i32>} : memref<128x128xf32, #tpu.memory_space<vmem>>, vector<16xf32>,
        %parallel_loop3A_358 = arith.index_cast %parallel_loop3A_340 : i32 to index
        %parallel_loop3A_359 = arith.constant 32 : index
        %parallel_loop3A_360 = tpu.vector_load %arg9[%parallel_loop3A_358, %parallel_loop3A_359] {strides = array<i32>} : memref<128x128xf32, #tpu.memory_space<vmem>>, vector<16xf32>,
        %parallel_loop3A_361 = arith.mulf %parallel_loop3A_360, %parallel_loop3A_343 : vector<16xf32>
        %parallel_loop3A_362 = arith.index_cast %parallel_loop3A_340 : i32 to index
        %parallel_loop3A_363 = arith.constant 32 : index
        %parallel_loop3A_364 = tpu.vector_load %arg9[%parallel_loop3A_362, %parallel_loop3A_363] {strides = array<i32>} : memref<128x128xf32, #tpu.memory_space<vmem>>, vector<16xf32>,
        tpu.vector_store %arg9[%parallel_loop3A_362, %parallel_loop3A_363], %parallel_loop3A_361 {strides = array<i32>} : memref<128x128xf32, #tpu.memory_space<vmem>>, vector<16xf32>,
        %parallel_loop3A_365 = arith.index_cast %parallel_loop3A_340 : i32 to index
        %parallel_loop3A_366 = arith.constant 48 : index
        %parallel_loop3A_367 = tpu.vector_load %arg9[%parallel_loop3A_365, %parallel_loop3A_366] {strides = array<i32>} : memref<128x128xf32, #tpu.memory_space<vmem>>, vector<16xf32>,
        %parallel_loop3A_368 = arith.mulf %parallel_loop3A_367, %parallel_loop3A_343 : vector<16xf32>
        %parallel_loop3A_369 = arith.index_cast %parallel_loop3A_340 : i32 to index
        %parallel_loop3A_370 = arith.constant 48 : index
        %parallel_loop3A_371 = tpu.vector_load %arg9[%parallel_loop3A_369, %parallel_loop3A_370] {strides = array<i32>} : memref<128x128xf32, #tpu.memory_space<vmem>>, vector<16xf32>,
        tpu.vector_store %arg9[%parallel_loop3A_369, %parallel_loop3A_370], %parallel_loop3A_368 {strides = array<i32>} : memref<128x128xf32, #tpu.memory_space<vmem>>, vector<16xf32>,
        %parallel_loop3A_372 = arith.index_cast %parallel_loop3A_340 : i32 to index
        %parallel_loop3A_373 = arith.constant 64 : index
        %parallel_loop3A_374 = tpu.vector_load %arg9[%parallel_loop3A_372, %parallel_loop3A_373] {strides = array<i32>} : memref<128x128xf32, #tpu.memory_space<vmem>>, vector<16xf32>,
        %parallel_loop3A_375 = arith.mulf %parallel_loop3A_374, %parallel_loop3A_343 : vector<16xf32>
        %parallel_loop3A_376 = arith.index_cast %parallel_loop3A_340 : i32 to index
        %parallel_loop3A_377 = arith.constant 64 : index
        %parallel_loop3A_378 = tpu.vector_load %arg9[%parallel_loop3A_376, %parallel_loop3A_377] {strides = array<i32>} : memref<128x128xf32, #tpu.memory_space<vmem>>, vector<16xf32>,
        tpu.vector_store %arg9[%parallel_loop3A_376, %parallel_loop3A_377], %parallel_loop3A_375 {strides = array<i32>} : memref<128x128xf32, #tpu.memory_space<vmem>>, vector<16xf32>,
        %parallel_loop3A_379 = arith.index_cast %parallel_loop3A_340 : i32 to index
        %parallel_loop3A_380 = arith.constant 80 : index
        %parallel_loop3A_381 = tpu.vector_load %arg9[%parallel_loop3A_379, %parallel_loop3A_380] {strides = array<i32>} : memref<128x128xf32, #tpu.memory_space<vmem>>, vector<16xf32>,
        %parallel_loop3A_382 = arith.mulf %parallel_loop3A_381, %parallel_loop3A_343 : vector<16xf32>
        %parallel_loop3A_383 = arith.index_cast %parallel_loop3A_340 : i32 to index
        %parallel_loop3A_384 = arith.constant 80 : index
        %parallel_loop3A_385 = tpu.vector_load %arg9[%parallel_loop3A_383, %parallel_loop3A_384] {strides = array<i32>} : memref<128x128xf32, #tpu.memory_space<vmem>>, vector<16xf32>,
        tpu.vector_store %arg9[%parallel_loop3A_383, %parallel_loop3A_384], %parallel_loop3A_382 {strides = array<i32>} : memref<128x128xf32, #tpu.memory_space<vmem>>, vector<16xf32>,
        %parallel_loop3A_386 = arith.index_cast %parallel_loop3A_340 : i32 to index
        %parallel_loop3A_387 = arith.constant 96 : index
        %parallel_loop3A_388 = tpu.vector_load %arg9[%parallel_loop3A_386, %parallel_loop3A_387] {strides = array<i32>} : memref<128x128xf32, #tpu.memory_space<vmem>>, vector<16xf32>,
        %parallel_loop3A_389 = arith.mulf %parallel_loop3A_388, %parallel_loop3A_343 : vector<16xf32>
        %parallel_loop3A_390 = arith.index_cast %parallel_loop3A_340 : i32 to index
        %parallel_loop3A_391 = arith.constant 96 : index
        %parallel_loop3A_392 = tpu.vector_load %arg9[%parallel_loop3A_390, %parallel_loop3A_391] {strides = array<i32>} : memref<128x128xf32, #tpu.memory_space<vmem>>, vector<16xf32>,
        tpu.vector_store %arg9[%parallel_loop3A_390, %parallel_loop3A_391], %parallel_loop3A_389 {strides = array<i32>} : memref<128x128xf32, #tpu.memory_space<vmem>>, vector<16xf32>,
        %parallel_loop3A_393 = arith.index_cast %parallel_loop3A_340 : i32 to index
        %parallel_loop3A_394 = arith.constant 112 : index
        %parallel_loop3A_395 = tpu.vector_load %arg9[%parallel_loop3A_393, %parallel_loop3A_394] {strides = array<i32>} : memref<128x128xf32, #tpu.memory_space<vmem>>, vector<16xf32>,
        %parallel_loop3A_396 = arith.mulf %parallel_loop3A_395, %parallel_loop3A_343 : vector<16xf32>
        %parallel_loop3A_397 = arith.index_cast %parallel_loop3A_340 : i32 to index
        %parallel_loop3A_398 = arith.constant 112 : index
        %parallel_loop3A_399 = tpu.vector_load %arg9[%parallel_loop3A_397, %parallel_loop3A_398] {strides = array<i32>} : memref<128x128xf32, #tpu.memory_space<vmem>>, vector<16xf32>,
        tpu.vector_store %arg9[%parallel_loop3A_397, %parallel_loop3A_398], %parallel_loop3A_396 {strides = array<i32>} : memref<128x128xf32, #tpu.memory_space<vmem>>, vector<16xf32>,
        %parallel_loop3A_400 = arith.constant 1 : i32
        %parallel_loop3A_401 = vector.broadcast %parallel_loop3A_400 : i32 to vector<16xi32>
        %parallel_loop3A_402 = arith.addi %parallel_loop3A_341, %parallel_loop3A_401 : vector<16xi32>
        scf.yield %parallel_loop3A_402 : vector<16xi32>
      } {sc.loop_unroll_factor = 8 : i64, sc.parallel_access}
      %dma_start3A_335 = arith.constant 0 : i32
      %dma_start3A_336 = tpu.memref_slice %arg21[%dma_start3A_335] : memref<128xi32, #tpu.memory_space<vmem>> -> memref<128xi32, #tpu.memory_space<vmem>>
      %dma_start3A_337 = arith.constant 0 : i32
      %dma_start3A_338 = arith.constant 0 : i32
      %dma_start3A_339 = tpu.memref_slice %arg7[%dma_start3A_337, %dma_start3A_338] : memref<10240x128xf32, #tpu.memory_space<vmem_shared>> -> memref<10240x128xf32, #tpu.memory_space<vmem_shared>>
      tpu.enqueue_indirect_dma source(%arg9 : memref<128x128xf32, #tpu.memory_space<vmem>>) target(%dma_start3A_339 : memref<10240x128xf32, #tpu.memory_space<vmem_shared>>) offsets(%dma_start3A_336 : memref<128xi32, #tpu.memory_space<vmem>>) semaphore(%arg13 : memref<!tpu.dma_semaphore, #tpu.memory_space<semaphore_mem>>) {add = true}
    }
    %scan3A_176 = arith.constant 20 : i32
    %dma_wait3A_177 = arith.constant 0 : i32
    %dma_wait3A_178 = tpu.memref_slice %arg21[%dma_wait3A_177] : memref<128xi32, #tpu.memory_space<vmem>> -> memref<128xi32, #tpu.memory_space<vmem>>
    %dma_wait3A_179 = arith.constant 0 : i32
    %dma_wait3A_180 = arith.constant 0 : i32
    %dma_wait3A_181 = tpu.memref_slice %arg7[%dma_wait3A_179, %dma_wait3A_180] : memref<10240x128xf32, #tpu.memory_space<vmem_shared>> -> memref<10240x128xf32, #tpu.memory_space<vmem_shared>>
    tpu.wait_indirect_dma semaphore(%arg13 : memref<!tpu.dma_semaphore, #tpu.memory_space<semaphore_mem>>) src(%arg9 : memref<128x128xf32, #tpu.memory_space<vmem>>) dst(%dma_wait3A_181 : memref<10240x128xf32, #tpu.memory_space<vmem_shared>>)
    %barrier3A_182 = arith.constant 0 : index
    tpu.barrier barrier_id(%barrier3A_182)
    %mul3A_183 = arith.constant 640 : i32
    %mul3A_184 = arith.muli %arg1, %mul3A_183 : i32
    %mul3A_185 = arith.constant 640 : i32
    %mul3A_186 = arith.muli %arg1, %mul3A_185 : i32
    "tpu.region"() ({
      %run_scoped3A = tpu.sem_alloc : memref<!tpu.dma_semaphore, #tpu.memory_space<semaphore_mem>>
      %dma_start3A_187 = arith.constant 0 : i32
      %dma_start3A_188 = tpu.memref_slice %arg6[%arg0, %mul3A_186, %dma_start3A_187] : memref<2x10240x128xf32, #tpu.memory_space<hbm>> -> memref<1x640x128xf32, #tpu.memory_space<hbm>>
      %dma_start3A_189 = tpu.memref_squeeze %dma_start3A_188 : memref<1x640x128xf32, #tpu.memory_space<hbm>> -> memref<640x128xf32, #tpu.memory_space<hbm>>
      %dma_start3A_190 = arith.constant 0 : i32
      %dma_start3A_191 = tpu.memref_slice %arg7[%mul3A_184, %dma_start3A_190] : memref<10240x128xf32, #tpu.memory_space<vmem_shared>> -> memref<640x128xf32, #tpu.memory_space<vmem_shared>>
      tpu.enqueue_dma source(%dma_start3A_191 : memref<640x128xf32, #tpu.memory_space<vmem_shared>>) target(%dma_start3A_189 : memref<640x128xf32, #tpu.memory_space<hbm>>) target_semaphore(%run_scoped3A : memref<!tpu.dma_semaphore, #tpu.memory_space<semaphore_mem>>)
      %dma_wait3A_192 = arith.constant 0 : i32
      %dma_wait3A_193 = tpu.memref_slice %arg6[%arg0, %mul3A_186, %dma_wait3A_192] : memref<2x10240x128xf32, #tpu.memory_space<hbm>> -> memref<1x640x128xf32, #tpu.memory_space<hbm>>
      %dma_wait3A_194 = tpu.memref_squeeze %dma_wait3A_193 : memref<1x640x128xf32, #tpu.memory_space<hbm>> -> memref<640x128xf32, #tpu.memory_space<hbm>>
      %dma_wait3A_195 = arith.constant 0 : i32
      %dma_wait3A_196 = tpu.memref_slice %arg7[%mul3A_184, %dma_wait3A_195] : memref<10240x128xf32, #tpu.memory_space<vmem_shared>> -> memref<640x128xf32, #tpu.memory_space<vmem_shared>>
      tpu.wait_dma2 semaphore(%run_scoped3A : memref<!tpu.dma_semaphore, #tpu.memory_space<semaphore_mem>>) src(%dma_wait3A_196 : memref<640x128xf32, #tpu.memory_space<vmem_shared>>) dst(%dma_wait3A_194 : memref<640x128xf32, #tpu.memory_space<hbm>>)
      tpu.yield
    }) : () -> ()
    return
  }
}

module attributes {stable_mosaic.version = 14 : i64} {
  func.func @_combine_body(%arg0: i32, %arg1: memref<2x1000x128xf32, #tpu.memory_space<vmem>>, %arg2: memref<1000x128xf32, #tpu.memory_space<vmem>>) attributes {dimension_semantics = [#tpu.dimension_semantics<arbitrary>], iteration_bounds = array<i64: 10>, scalar_prefetch = 0 : i64, scratch_operands = 0 : i64, tpu.core_type = #tpu.core_type<tc>, window_params = [{transform_indices = @transform_0, window_bounds = array<i64: 2, 1000, 128>}, {transform_indices = @transform_1, window_bounds = array<i64: 1000, 128>}]} {
    %get3A = arith.constant 0 : index
    %get3A_0 = arith.constant 0 : index
    %get3A_1 = arith.constant 0 : index
    %get3A_2 = vector.load %arg1[%get3A, %get3A_0, %get3A_1] : memref<2x1000x128xf32, #tpu.memory_space<vmem>>, vector<1x1000x128xf32>
    %get3A_3 = vector.shape_cast %get3A_2 : vector<1x1000x128xf32> to vector<1000x128xf32>
    %get3A_4 = arith.constant 1 : index
    %get3A_5 = arith.constant 0 : index
    %get3A_6 = arith.constant 0 : index
    %get3A_7 = vector.load %arg1[%get3A_4, %get3A_5, %get3A_6] : memref<2x1000x128xf32, #tpu.memory_space<vmem>>, vector<1x1000x128xf32>
    %get3A_8 = vector.shape_cast %get3A_7 : vector<1x1000x128xf32> to vector<1000x128xf32>
    %add3A = arith.addf %get3A_3, %get3A_8 : vector<1000x128xf32>
    %swap3A = arith.constant 0 : index
    %swap3A_9 = arith.constant 0 : index
    %swap3A_10 = vector.load %arg2[%swap3A, %swap3A_9] : memref<1000x128xf32, #tpu.memory_space<vmem>>, vector<1000x128xf32>
    tpu.vector_store %arg2[%swap3A, %swap3A_9], %add3A {strides = array<i32>} : memref<1000x128xf32, #tpu.memory_space<vmem>>, vector<1000x128xf32>,
    return
  }
  func.func @transform_0(%arg0: i32) -> (i32, i32, i32) {
    %c0_i32 = arith.constant 0 : i32
    %c0_i32_0 = arith.constant 0 : i32
    %c0_i32_1 = arith.constant 0 : i32
    return %c0_i32, %arg0, %c0_i32_0 : i32, i32, i32
  }
  func.func @transform_1(%arg0: i32) -> (i32, i32) {
    %c0_i32 = arith.constant 0 : i32
    %c0_i32_0 = arith.constant 0 : i32
    return %arg0, %c0_i32 : i32, i32
  }
}

</mosaic_0001>

<sc_bundles>
// kernel: kernel.4.cloned.1.call-start
scs
__scs_entry_jumppad:
0x0: {  	(pc) =	sbr.rel $0x88, $3  }
0x1: {  	(tag) =	ssettag $0x0;
	lr =	simm.s32 $0x1  }
0x2: {  	[smem:$0x3F9E] =	sst lr;
	_ =	strace $0xD0000000  }
0x3: {  	_ = 	snop  }
0x4: {  	_ = 	snop  }
0x5: {  	_ = 	snop  }
0x6: {  	_ = 	snop  }
0x7: {  	_ = 	snop  }
__scs_overlays_trampoline_lowered:
0x8: {  	[smem:$0x3FAD] =	sst s0  }
0x9: {  	[smem:$0x3FAE] =	sst s1  }
0xa: {  	[smem:$0x3FAF] =	sst s2  }
0xb: {  	[smem:$0x3FB0] =	sst s3  }
0xc: {  	[smem:$0x3FB1] =	sst s4  }
0xd: {  	[smem:$0x3FB2] =	sst s5  }
0xe: {  	[smem:$0x3FB3] =	sst s6  }
0xf: {  	[smem:$0x3FB4] =	sst s7  }
0x10: {  	[smem:$0x3FB5] =	sst s8  }
0x11: {  	[smem:$0x3FB6] =	sst s9;
	s0 =	simm.s32 @!p0 $0x0  }
0x12: {  	s1 =	sld [smem:$0x3F9C];
	s0 =	simm.s32 @p0 $0x1  }
0x13: {  	[smem:$0x3FB7] =	sst s0;
	s0 =	simm.s32 @!p1 $0x0  }
0x14: {  	s2 =	sld [smem:$0x3F9B];
	s0 =	simm.s32 @p1 $0x1  }
0x15: {  	[smem:$0x3FB8] =	sst s0;
	s0 =	simm.s32 @!p2 $0x0  }
0x16: {  	s3 =	sld [smem:$0x3FDB];
	s0 =	simm.s32 @p2 $0x1  }
0x17: {  	s4 =	simm.s32 $0x1BF5;
	[smem:$0x3FBA] =	sst s0  }
0x18: {  	s0 =	sld [smem:$0x3F9D];
	_ =	swait.ge [sflag:s4], $0x0  }
0x19: {  	s7 =	sld [smem:$0x3F9E]  }
0x1a: {  	s8 =	sadd.s32 $0xFFFFE003, lr  }
0x1b: {  	s9 =	sadd.s32 $0xFFFFFEF7, lr;
	s5 =	simm.s32 $0xFFFFFFFF;
	p2 =	slt.u32 s8, $0xFFFFF086  }
0x1c: {  	p1 =	slt.u32 s9, $0xF7A;
	s5 =	simm.s32 @!p2 $0x0  }
0x1d: {  	s5 =	simm.s32 @p1 $0x1;
	p0 =	seq.s32 s7, s2  }
0x1e: {  	s7 =	smul.u32 @!p0 $0xF7A, s2;
	p2 =	seq.s32 @!p0 s5, $0x0  }
0x1f: {  	s9 =	smul.u32 $0xF7A, s1;
	s8 =	simm.s32 @!p0 $0x1BF5;
	p2 =	por !p2, p0  }
0x20: {  	[sflag:s8] =	ssyncset.s32 @!p0 $0xFFFFF086;
	s6 =	sadd.s32 @!p0 s3, s7;
	s7 =	simm.s32 @!p0 $0x108  }
0x21: {  	s3 =	sadd.s32 s3, s9;
	s6 =	sadd.s32 @!p0 $0x88, s6;
	s7 =	simm.s32 @p2 $0x1082  }
0x22: {  	[simem:s7], [sflag:s8] =	dma.local @!p0 [hbm:s6], $0xF7A  }
0x23: {  	s9 =	sor.u32 $0xD0000000, s2;
	s6 =	simm.s32 $0x108;
	_ =	swait.ge @!p0 [sflag:s8], $0x0  }
0x24: {  	s3 =	sadd.s32 $0x88, s3;
	s6 =	simm.s32 @!p1 $0x1082;
	[sflag:s4] =	ssyncset.s32 $0xFFFFF086  }
0x25: {  	[simem:s6], [sflag:s4] =	dma.local [hbm:s3], $0xF7A  }
0x26: {  	[smem:$0x3F9E] =	sst s1;
	(tag) =	ssettag s2;
	_ =	strace s9  }
0x27: {  	s1 =	sld [smem:$0x3FAE]  }
0x28: {  	s2 =	sld [smem:$0x3FAF]  }
0x29: {  	s4 =	sld [smem:$0x3FB1]  }
0x2a: {  	p0 =	seq.s32 s5, $0x0;
	s5 =	sld [smem:$0x3FB2]  }
0x2b: {  	s6 =	sld [smem:$0x3FB3]  }
0x2c: {  	s7 =	sld [smem:$0x3FB4]  }
0x2d: {  	s3 =	simm.s32 $0x108;
	s8 =	sld [smem:$0x3FB5]  }
0x2e: {  	s3 =	simm.s32 @!p0 $0x1082;
	s9 =	sld [smem:$0x3FB6]  }
0x2f: {  	lr =	sadd.s32 s0, s3;
	s0 =	sld [smem:$0x3FAD]  }
0x30: {  	s3 =	sld [smem:$0x3FB0]  }
0x31: {  	[smem:$0x3FB9] =	sst s10  }
0x32: {  	s10 =	sld [smem:$0x3FB7];
	_ =	sdelay $0x3  }
0x33: {  	p0 =	seq.s32 s10, $0x1;
	s10 =	sld [smem:$0x3FB9];
	_ =	sdelay $0x3  }
0x34: {  	[smem:$0x3FB9] =	sst s10  }
0x35: {  	s10 =	sld [smem:$0x3FB8];
	_ =	sdelay $0x3  }
0x36: {  	p1 =	seq.s32 s10, $0x1;
	s10 =	sld [smem:$0x3FB9];
	_ =	sdelay $0x3  }
0x37: {  	[smem:$0x3FB9] =	sst s10  }
0x38: {  	s10 =	sld [smem:$0x3FBA]  }
0x39: {  	_ = 	snop;
	(pc) =	sbr.ind lr, $3  }
0x3a: {  	_ = 	snop  }
0x3b: {  	_ = 	snop  }
0x3c: {  	p2 =	seq.s32 s10, $0x1;
	s10 =	sld [smem:$0x3FB9]  }
0x3d: {  	_ =	shalt  }
0x3e: {  	_ =	shalt  }
0x3f: {  	_ =	shalt  }
0x40: {  	_ =	shalt  }
0x41: {  	_ =	shalt  }
0x42: {  	_ =	shalt  }
0x43: {  	_ =	shalt  }
0x44: {  	_ =	shalt  }
0x45: {  	_ =	shalt  }
0x46: {  	_ =	shalt  }
0x47: {  	_ =	shalt  }
0x48: {  	_ =	shalt  }
0x49: {  	_ =	shalt  }
0x4a: {  	_ =	shalt  }
0x4b: {  	_ =	shalt  }
0x4c: {  	_ =	shalt  }
0x4d: {  	_ =	shalt  }
0x4e: {  	_ =	shalt  }
0x4f: {  	_ =	shalt  }
0x50: {  	_ =	shalt  }
0x51: {  	_ =	shalt  }
0x52: {  	_ =	shalt  }
0x53: {  	_ =	shalt  }
0x54: {  	_ =	shalt  }
0x55: {  	_ =	shalt  }
0x56: {  	_ =	shalt  }
0x57: {  	_ =	shalt  }
0x58: {  	_ =	shalt  }
0x59: {  	_ =	shalt  }
0x5a: {  	_ =	shalt  }
0x5b: {  	_ =	shalt  }
0x5c: {  	_ =	shalt  }
0x5d: {  	_ =	shalt  }
0x5e: {  	_ =	shalt  }
0x5f: {  	_ =	shalt  }
0x60: {  	_ =	shalt  }
0x61: {  	_ =	shalt  }
0x62: {  	_ =	shalt  }
0x63: {  	_ =	shalt  }
0x64: {  	_ =	shalt  }
0x65: {  	_ =	shalt  }
0x66: {  	_ =	shalt  }
0x67: {  	_ =	shalt  }
0x68: {  	_ =	shalt  }
0x69: {  	_ =	shalt  }
0x6a: {  	_ =	shalt  }
0x6b: {  	_ =	shalt  }
0x6c: {  	_ =	shalt  }
0x6d: {  	_ =	shalt  }
0x6e: {  	_ =	shalt  }
0x6f: {  	_ =	shalt  }
0x70: {  	_ =	shalt  }
0x71: {  	_ =	shalt  }
0x72: {  	_ =	shalt  }
0x73: {  	_ =	shalt  }
0x74: {  	_ =	shalt  }
0x75: {  	_ =	shalt  }
0x76: {  	_ =	shalt  }
0x77: {  	_ =	shalt  }
0x78: {  	_ =	shalt  }
0x79: {  	_ =	shalt  }
0x7a: {  	_ =	shalt  }
0x7b: {  	_ =	shalt  }
0x7c: {  	_ =	shalt  }
0x7d: {  	_ =	shalt  }
0x7e: {  	_ =	shalt  }
0x7f: {  	_ =	shalt  }
0x80: {  	_ =	shalt  }
0x81: {  	_ =	shalt  }
0x82: {  	_ =	shalt  }
0x83: {  	_ =	shalt  }
0x84: {  	_ =	shalt  }
0x85: {  	_ =	shalt  }
0x86: {  	_ =	shalt  }
0x87: {  	_ =	shalt  }
.Lfunc_end0:
.L_simem_size_0:
called_computation_lowered:
.L_overlay_start_0:
0x88: {  	s2 =	sld [smem:$0x3FD9]  }
0x89: {  	s3 =	sld [smem:$0x3FFE];
	_ =	sdelay $0x1  }
0x8a: {  	s1 =	srdreg.scid  }
0x8b: {  	s0 =	sand.u32 $0x1, s1  }
0x8c: {  	s17 =	sshll.u32 s0, $0xA;
	s2 =	sadd.s32 s3, s2  }
0x8d: {  	s2 =	sadd.s32 s2, s17  }
0x8e: {  	[smem:$0x3FC5] =	sst s2  }
0x8f: {  	_ = 	snop  }
0x90: {  	s2 =	sld [smem:$0x3FC9]  }
0x91: {  	s18 =	sld [smem:$0x3FD0];
	(tm) =	ssettm $0x1  }
0x92: {  	s4 =	sld [smem:$0x3FFB];
	_ =	sdelay $0x3  }
0x93: {  	_ =	strace s4  }
0x94: {  	s4 =	sld [smem:$0x3FFC];
	_ =	sdelay $0x3  }
0x95: {  	_ =	strace s4  }
0x96: {  	s4 =	sld [smem:$0x3FFD];
	_ =	sdelay $0x3  }
0x97: {  	_ =	strace s4  }
0x98: {  	_ =	strace $0x8FFFFFFF  }
0x99: {  	s19 =	sld [smem:$0x3FDB];
	_ =	sdelay $0x1  }
0x9a: {  	s5 =	simm.s32 $_scs_section_size  }
0x9b: {  	s6 =	simm.s32 $_size__tile_overlayer_lowered;
	s7 =	simm.s32 $_tile_overlayer_lowered  }
0x9c: {  	s22 =	simm.s32 $0x1BFF;
	s21 =	sshll.u32 s7, $0x1;
	s4 =	sadd.s32 s5, s19  }
0x9d: {  	s8 =	simm.s32 $0x0;
	s20 =	sshll.u32 s6, $0x1;
	s6 =	sadd.s32 s21, s4  }
0x9e: {  	[timem:s8], [sflag:s22] =	dma.local [hbm:s6], s20  }
0x9f: {  	_ =	swait.ge [sflag:s22], s20  }
0xa0: {  	s5 =	ssub.s32 $0x0, s20;
	[sflag:s22] =	ssyncset.done $0x0  }
0xa1: {  	[sflag:s22] =	ssyncadd.s32 s5;
	_ =	sdelay $0x1  }
0xa2: {  	s23 =	simm.s32 $0x1B8B  }
0xa3: {  	_ =	swait.ge [sflag:s23], $0x1  }
0xa4: {  	[sflag:s23] =	ssyncset.done $0x0  }
0xa5: {  	s25 =	simm.s32 $0x1B8E;
	s24 =	sld [smem:$0x3FFE];
	[sflag:s23] =	ssyncadd.s32 $0xFFFFFFFF  }
0xa6: {  	s26 =	simm.s32 $execute0_lowered;
	[smem:$0x3FD2] =	sst s25  }
0xa7: {  	s6 =	sshll.u32 s26, $0x1;
	_ =	strace $0x80000046;
	[dreg:$0x1] =	wrdreg $0xFFFFFFFF  }
0xa8: {  	s28 =	simm.s32 $_size_execute0_lowered;
	s4 =	sadd.s32 s4, s6;
	[dreg:$0x0] =	wrdreg $0x0  }
0xa9: {  	s6 =	sshll.u32 s28, $0x1;
	[dreg:$0x2] =	wrdreg s4  }
0xaa: {  	[dreg:$0x3] =	wrdreg s6  }
0xab: {  	[dreg:$0x4] =	wrdreg $0xC0  }
0xac: {  	_ =	task [dreg:s8], $0x5FFFF  }
0xad: {  	[dreg:$0x1] =	wrdreg $0xFFFFFFFF  }
0xae: {  	[dreg:$0x0] =	wrdreg $0x60  }
0xaf: {  	[dreg:$0x2] =	wrdreg s2  }
0xb0: {  	[dreg:$0x3] =	wrdreg s24  }
0xb1: {  	[dreg:$0x4] =	wrdreg s18  }
0xb2: {  	[dreg:$0x5] =	wrdreg $0x0  }
0xb3: {  	[dreg:$0x6] =	wrdreg $0x9  }
0xb4: {  	_ =	task.clear_ibuf [dreg:s8], $0x7FFFF;
	_ =	strace $0x90000046  }
0xb5: {  	s29 =	simm.s32 $0x9;
	_ =	strace $0x80000048  }
0xb6: {  	_ =	swait.ge [sflag:s29], $0x1  }
0xb7: {  	[sflag:s29] =	ssyncadd.s32 $0xFFFFFFFF  }
0xb8: {  	_ =	strace $0x90000048  }
0xb9: {  	_ =	sfence  }
0xba: {  	s30 =	sld [smem:$0x0];
	_ =	sdelay $0x2  }
0xbb: {  	s31 =	sshll.u32 s1, $0xD;
	s1 =	sshrl.u32 s1, $0x2  }
0xbc: {  	s3 =	sand.u32 $0x4000, s31;
	s1 =	sadd.s32 s1, s30  }
0xbd: {  	s0 =	sor.u32 s3, s0;
	s1 =	sshll.u32 s1, $0x11  }
0xbe: {  	s0 =	sor.u32 s1, s0  }
0xbf: {  	s0 =	sadd.s32 $0x8F2B, s0  }
0xc0: {  	[sflag:s0] =	ssyncadd.remote.s32 $0x1  }
0xc1: {  	_ =	sfence.sel $0xFFFF  }
0xc2: {  	[dreg:$0x0] =	wrdreg $0xFFFFFFFF;
	(pc) =	sbr.abs _section_cstart, $3  }
0xc3: {  	[dreg:$0x1] =	wrdreg $0xFFFFFFFF  }
0xc4: {  	_ =	task.clear_ibuf [dreg:s8], $0x2FFFF;
	_ =	strace $0x9FFFFFFF  }
0xc5: {  	(tm) =	ssettm $0x7FFFFFFF  }
tec
execute0_lowered:
.L_overlay_start_1:
0x0: {  	(tag) =	ssettag $0x1  }
0x1: {  	s1 =	rddreg [dreg:$0x0]  }
0x2: {  	s0 =	rddreg [dreg:$0x1]  }
0x3: {  	s3 =	rddreg [dreg:$0x2];
	s2 =	srdreg.scid  }
0x4: {  	s12 =	stileid.u32;
	s4 =	rddreg [dreg:$0x3]  }
0x5: {  	s5 =	simm.s32 $0x0;
	s31 =	simm.s32 $0x1C400;
	s8 =	smul.u32 $0x14000, s12  }
0x6: {  	s29 =	simm.s32 $0x1C480;
	s28 =	simm.s32 $0x2;
	s11 =	smul.u32 $0x2800, s12  }
0x7: {  	s2 =	sand.u32 $0x1, s2;
	[smem:$0x7FF] =	sst s5;
	s12 =	smul.u32 $0x50000, s12  }
0x8: {  	s6 =	sadd.s32 $0xA200, s0;
	s7 =	sadd.s32 $0x200, s0;
	s9 =	smul.u32 $0x140000, s2  }
0x9: {  	s10 =	smul.u32 $0x28000, s2;
	_ =	strace $0x80000047;
	s2 =	ssub.s32 $0x2, s2  }
0xa: {  	s14 =	sshrl.u32 s2, $0x1;
	s21 =	sshrl.u32 s12, $0x2;
	s12 =	simm.s32 $0x3  }
0xb: {  	s9 =	sadd.s32 s8, s9;
	s10 =	sadd.s32 s11, s10;
	s8 =	sadd.s32 s8, s4  }
0xc: {  	s2 =	ssub.s32 s2, s14;
	s26 =	sor.u32 $0x180, s10;
	[dreg:$0xe] =	wrdreg s8  }
0xd: {  	s11 =	sshrl.u32 s10, $0x3;
	s30 =	smax.u32 s2, $0x1;
	[dreg:$0x13] =	wrdreg s26  }
0xe: {  	s14 =	simm.s32 $0x80;
	s15 =	sadd.s32 s6, s11;
	[dreg:$0x15] =	wrdreg s30  }
0xf: {  	s9 =	sshrl.u32 s9, $0x3;
	s16 =	sadd.s32 s3, s11;
	[dreg:$0x5] =	wrdreg s15  }
0x10: {  	s17 =	sadd.s32 s7, s11;
	s18 =	sor.u32 $0x10, s11;
	[dreg:$0x6] =	wrdreg s16  }
0x11: {  	s0 =	sadd.s32 s9, s0;
	[dreg:$0x7] =	wrdreg s17;
	s13 =	sadd.s32 s6, s18  }
0x12: {  	s11 =	sor.u32 $0x20, s11;
	s19 =	sadd.s32 s3, s18;
	[dreg:$0x8] =	wrdreg s13  }
0x13: {  	s26 =	simm.s32 $0x7;
	s9 =	sadd.s32 s7, s18;
	[dreg:$0x9] =	wrdreg s19  }
0x14: {  	s20 =	sadd.s32 s6, s11;
	s22 =	sadd.s32 s3, s11;
	[dreg:$0xa] =	wrdreg s9  }
0x15: {  	s11 =	sadd.s32 s7, s11;
	s0 =	sadd.s32 $0x14200, s0;
	[dreg:$0xb] =	wrdreg s20  }
0x16: {  	s15 =	simm.s32 $0x1C180;
	s16 =	simm.s32 $0x1C380;
	[dreg:$0xc] =	wrdreg s22  }
0x17: {  	s18 =	simm.s32 $0x1C580;
	s17 =	simm.s32 $0x4;
	[dreg:$0xd] =	wrdreg s11  }
0x18: {  	s9 =	sadd.s32 s21, s4;
	[dreg:$0x14] =	wrdreg s0;
	s11 =	simm.s32 $0x14000  }
0x19: {  	s19 =	simm.s32 $0x6;
	s20 =	simm.s32 $0x18000;
	s23 =	sadd.s32 $0x4000, s9  }
0x1a: {  	s21 =	simm.s32 $0x1;
	s24 =	sadd.s32 $0x8000, s9;
	[dreg:$0xf] =	wrdreg s23  }
0x1b: {  	s13 =	simm.s32 $0x8;
	s25 =	sadd.s32 $0xC000, s9;
	[dreg:$0x10] =	wrdreg s24  }
0x1c: {  	s22 =	simm.s32 $0x0;
	s9 =	sadd.s32 $0x10000, s9;
	[dreg:$0x11] =	wrdreg s25  }
0x1d: {  	[dreg:$0x12] =	wrdreg s9;
	s23 =	sor.u32 $0x200, s10;
	s24 =	sor.u32 $0x280, s10  }
0x1e: {  	v0 =	vimm.f32 $0.0e+00;
	s25 =	sor.u32 $0x300, s10;
	s9 =	simm.s32 $0x1C000;
	s10 =	simm.s32 $0x1C500  }
.LBB2_1:
0x1f: {  	[dreg:$0x16] =	wrdreg s22  }
0x20: {  	s0 =	rddreg [dreg:$0x5]  }
0x21: {  	[tilespmem:s9], [sflag:$0x5] =	stream.linear.gather [hbm4b:s0+s5], $0x80, $0x38;
	[tilespmem:$0x1C600] =	vst v63  }
0x22: {  	s30 =	rddreg [dreg:$0x6];
	s2 =	simm.s32 $0x1C200  }
0x23: {  	[tilespmem:s2], [sflag:$0x5] =	stream.linear.gather [hbm4b:s30+s5], $0x80, $0x38;
	[tilespmem:$0x1C600] =	vst v63  }
0x24: {  	s2 =	rddreg [dreg:$0x7]  }
0x25: {  	[tilespmem:s31], [sflag:$0x5] =	stream.linear.gather [hbm4b:s2+s5], $0x80, $0x38;
	[tilespmem:$0x1C600] =	vst v63  }
0x26: {  	s22 =	rddreg [dreg:$0x8];
	s30 =	simm.s32 $0x1C080  }
0x27: {  	[tilespmem:s30], [sflag:$0x6] =	stream.linear.gather [hbm4b:s22+s5], $0x80, $0x38;
	[tilespmem:$0x1C600] =	vst v63  }
0x28: {  	s22 =	rddreg [dreg:$0x9];
	s30 =	simm.s32 $0x1C280  }
0x29: {  	[tilespmem:s30], [sflag:$0x6] =	stream.linear.gather [hbm4b:s22+s5], $0x80, $0x38;
	[tilespmem:$0x1C600] =	vst v63  }
0x2a: {  	s2 =	rddreg [dreg:$0xa]  }
0x2b: {  	[tilespmem:s29], [sflag:$0x6] =	stream.linear.gather [hbm4b:s2+s5], $0x80, $0x38;
	[tilespmem:$0x1C600] =	vst v63  }
0x2c: {  	s22 =	rddreg [dreg:$0xb];
	s30 =	simm.s32 $0x1C100  }
0x2d: {  	[tilespmem:s30], [sflag:$0x7] =	stream.linear.gather [hbm4b:s22+s5], $0x80, $0x38;
	[tilespmem:$0x1C600] =	vst v63  }
0x2e: {  	s2 =	rddreg [dreg:$0xc];
	s22 =	simm.s32 $0x1C300  }
0x2f: {  	[tilespmem:s22], [sflag:$0x7] =	stream.linear.gather [hbm4b:s2+s5], $0x80, $0x38;
	[tilespmem:$0x1C600] =	vst v63  }
0x30: {  	s0 =	simm.s32 $0x0;
	s30 =	rddreg [dreg:$0xd];
	s2 =	simm.s32 $0x200  }
0x31: {  	[tilespmem:s10], [sflag:$0x7] =	stream.linear.gather [hbm4b:s30+s5], $0x80, $0x38;
	[tilespmem:$0x1C600] =	vst v63  }
.LBB2_2:
0x32: {  	p0 =	sne.s32 s2, $0xFE00;
	[tilespmem:s0+$0x14070] =	vst v0  }
0x33: {  	[tilespmem:s0+$0x14000] =	vst v0  }
0x34: {  	[tilespmem:s0+$0x14010] =	vst v0  }
.Ltmp0:
0x35: {  	[tilespmem:s0+$0x14020] =	vst v0;
	(pc) =	sbr.rel @p0 .LBB2_2-.Ltmp0, $4  }
0x36: {  	[tilespmem:s0+$0x14030] =	vst v0  }
0x37: {  	[tilespmem:s0+$0x14040] =	vst v0  }
0x38: {  	[tilespmem:s0+$0x14050] =	vst v0  }
0x39: {  	[tilespmem:s0+$0x14060] =	vst v0;
	s0 =	sshra.s32 s2, $0x2;
	s2 =	sadd.s32 $0x200, s2  }
0x3a: {  	[tilespmem:s0+$0x14070] =	vst v0  }
0x3b: {  	[tilespmem:s0+$0x14000] =	vst v0  }
0x3c: {  	[tilespmem:s0+$0x14010] =	vst v0  }
0x3d: {  	[tilespmem:s0+$0x14020] =	vst v0  }
0x3e: {  	[tilespmem:s0+$0x14030] =	vst v0  }
0x3f: {  	[tilespmem:s0+$0x14040] =	vst v0  }
0x40: {  	[tilespmem:s0+$0x14050] =	vst v0  }
0x41: {  	[tilespmem:s0+$0x14060] =	vst v0  }
0x42: {  	[spmem:s8] =	stream.linear.scatter [tilespmem:s11], [sflag:$0x3], $0x4000, $0x38;
	[tilespmem:$0x1C600] =	vst v63  }
0x43: {  	s8 =	rddreg [dreg:$0xf]  }
0x44: {  	[spmem:s8] =	stream.linear.scatter [tilespmem:s11], [sflag:$0x3], $0x4000, $0x38;
	[tilespmem:$0x1C600] =	vst v63  }
0x45: {  	s22 =	rddreg [dreg:$0x10]  }
0x46: {  	[spmem:s22] =	stream.linear.scatter [tilespmem:s11], [sflag:$0x3], $0x4000, $0x38;
	[tilespmem:$0x1C600] =	vst v63  }
0x47: {  	s2 =	rddreg [dreg:$0x11]  }
0x48: {  	[spmem:s2] =	stream.linear.scatter [tilespmem:s11], [sflag:$0x3], $0x4000, $0x38;
	[tilespmem:$0x1C600] =	vst v63  }
0x49: {  	s8 =	rddreg [dreg:$0x12]  }
0x4a: {  	[spmem:s8] =	stream.linear.scatter [tilespmem:s11], [sflag:$0x3], $0x4000, $0x38;
	[tilespmem:$0x1C600] =	vst v63  }
0x4b: {  	_ =	swait.ge [sflag:s12], $0x4000  }
0x4c: {  	[sflag:s12] =	ssyncset.done $0x0  }
0x4d: {  	[sflag:s12] =	ssyncadd.s32 $0xFFFFC000  }
0x4e: {  	_ =	swait.ge [sflag:s12], $0x4000  }
0x4f: {  	[sflag:s12] =	ssyncset.done $0x0  }
0x50: {  	[sflag:s12] =	ssyncadd.s32 $0xFFFFC000  }
0x51: {  	_ =	swait.ge [sflag:s12], $0x4000  }
0x52: {  	[sflag:s12] =	ssyncset.done $0x0  }
0x53: {  	[sflag:s12] =	ssyncadd.s32 $0xFFFFC000  }
0x54: {  	_ =	swait.ge [sflag:s12], $0x4000  }
0x55: {  	[sflag:s12] =	ssyncset.done $0x0  }
0x56: {  	[sflag:s12] =	ssyncadd.s32 $0xFFFFC000  }
0x57: {  	_ =	swait.ge [sflag:s12], $0x4000  }
0x58: {  	[sflag:s12] =	ssyncset.done $0x0  }
0x59: {  	[sflag:s12] =	ssyncadd.s32 $0xFFFFC000  }
0x5a: {  	s22 =	simm.s32 $0x5;
	[bflag:$0x0] =	sbarrier.arrive $0xFFFF  }
0x5b: {  	_ =	swait.ge [sflag:s22], $0x80  }
0x5c: {  	[sflag:s22] =	ssyncset.done $0x0  }
0x5d: {  	[sflag:s22] =	ssyncadd.s32 $0xFFFFFF80  }
0x5e: {  	_ =	swait.ge [sflag:s22], $0x80  }
0x5f: {  	[sflag:s22] =	ssyncset.done $0x0  }
0x60: {  	[sflag:s22] =	ssyncadd.s32 $0xFFFFFF80  }
0x61: {  	_ =	swait.ge [sflag:s22], $0x80  }
0x62: {  	[sflag:s22] =	ssyncset.done $0x0  }
0x63: {  	s30 =	simm.s32 $0x0;
	[sflag:s22] =	ssyncadd.s32 $0xFFFFFF80  }
0x64: {  	[tilespmem:s11], [sflag:$0x1] =	stream.indirect.gather [hbm4b:s1+s14], $0x80, s9, s14, $0xb8;
	[tilespmem:$0x1C600] =	vst v63  }
.LBB2_4:
0x65: {  	p0 =	seq.s32 s30, $0x0  }
0x66: {  	s0 =	simm.s32 @!p0 $0x4  }
0x67: {  	_ =	swait.ge @!p0 [sflag:s0], $0x4000  }
0x68: {  	s2 =	sshll.u32 s30, $0x9;
	s8 =	rddreg [dreg:$0x13]  }
0x69: {  	s8 =	sadd.s32 s2, s8  }
0x6a: {  	[sflag:s0] =	ssyncset.done @!p0 $0x0;
	s8 =	sshrl.u32 s8, $0x3  }
0x6b: {  	[sflag:s0] =	ssyncadd.s32 @!p0 $0xFFFFC000;
	s9 =	sadd.s32 s6, s8  }
0x6c: {  	[tilespmem:s15], [sflag:$0x8] =	stream.linear.gather [hbm4b:s9+s5], $0x80, $0x38;
	[tilespmem:$0x1C600] =	vst v63  }
0x6d: {  	s22 =	sadd.s32 s3, s8  }
0x6e: {  	[tilespmem:s16], [sflag:$0x8] =	stream.linear.gather [hbm4b:s22+s5], $0x80, $0x38;
	[tilespmem:$0x1C600] =	vst v63  }
0x6f: {  	s9 =	sadd.s32 s7, s8  }
0x70: {  	[tilespmem:s18], [sflag:$0x8] =	stream.linear.gather [hbm4b:s9+s5], $0x80, $0x38;
	[tilespmem:$0x1C600] =	vst v63  }
0x71: {  	_ =	swait.ge [sflag:s19], $0x80  }
0x72: {  	[sflag:s19] =	ssyncset.done $0x0  }
0x73: {  	[sflag:s19] =	ssyncadd.s32 $0xFFFFFF80  }
0x74: {  	_ =	swait.ge [sflag:s19], $0x80  }
0x75: {  	[sflag:s19] =	ssyncset.done $0x0  }
0x76: {  	[sflag:s19] =	ssyncadd.s32 $0xFFFFFF80  }
0x77: {  	_ =	swait.ge [sflag:s19], $0x80  }
0x78: {  	[sflag:s19] =	ssyncset.done $0x0  }
0x79: {  	v3 =	vimm.s32 $0x0;
	s22 =	simm.s32 $0x1C080;
	[sflag:s19] =	ssyncadd.s32 $0xFFFFFF80  }
0x7a: {  	v1 =	vor.u32 $0x7, v3;
	[tilespmem:s20], [sflag:$0x2] =	stream.indirect.gather [hbm4b:s1+s14], $0x80, s22, s14, $0xb8;
	[tilespmem:$0x1C600] =	vst v63  }
0x7b: {  	_ =	swait.ge [sflag:s21], $0x4000  }
0x7c: {  	[sflag:s21] =	ssyncset.done $0x0  }
0x7d: {  	[sflag:s21] =	ssyncadd.s32 $0xFFFFC000  }
0x7e: {  	v2 =	vld.idx.msk [tilespmem:v3+s31+$0x0], $0xffff  }
0x7f: {  	s0 =	simm.s32 $0x14200;
	v1 =	vld.idx.msk [tilespmem:v1+s31+$0x0], $0xffff  }
0x80: {  	v4 =	vld [tilespmem:s0+$0x1F0]  }
0x81: {  	v5 =	vld [tilespmem:s0+$0xFFFFFE00]  }
0x82: {  	v6 =	vld [tilespmem:s0+$0xFFFFFE10]  }
0x83: {  	v7 =	vor.u32 $0x1, v3;
	v8 =	vld [tilespmem:s0+$0xFFFFFE20]  }
0x84: {  	v9 =	vld [tilespmem:s0+$0xFFFFFE30]  }
0x85: {  	v10 =	vld [tilespmem:s0+$0xFFFFFE40]  }
0x86: {  	v11 =	vld [tilespmem:s0+$0xFFFFFE50]  }
0x87: {  	v12 =	vld [tilespmem:s0+$0xFFFFFE60]  }
0x88: {  	v7 =	vld.idx.msk [tilespmem:v7+s31+$0x0], $0xffff  }
0x89: {  	v13 =	vld [tilespmem:s0+$0xFFFFFE80]  }
0x8a: {  	v14 =	vld [tilespmem:s0+$0xFFFFFE90]  }
0x8b: {  	v17 =	vld [tilespmem:s0+$0xFFFFFEB0];
	v5 =	vmul.f32 v2, v5  }
0x8c: {  	v16 =	vld [tilespmem:s0+$0xFFFFFEA0];
	v4 =	vmul.f32 v1, v4  }
0x8d: {  	v18 =	vld [tilespmem:s0+$0xFFFFFEC0];
	v6 =	vmul.f32 v2, v6;
	[tilespmem:s0+$0xFFFFFE00] =	vst v5  }
0x8e: {  	v48 =	vld [tilespmem:s0+$0xFFFFFED0];
	v8 =	vmul.f32 v2, v8;
	[tilespmem:s0+$0x1F0] =	vst v4  }
0x8f: {  	v49 =	vld [tilespmem:s0+$0xFFFFFF10];
	v9 =	vmul.f32 v2, v9;
	[tilespmem:s0+$0xFFFFFE10] =	vst v6  }
0x90: {  	v15 =	vor.u32 $0x2, v3;
	v50 =	vld [tilespmem:s0+$0xFFFFFF30];
	v52 =	vmul.f32 v7, v17;
	[tilespmem:s0+$0xFFFFFE20] =	vst v8  }
0x91: {  	v51 =	vld [tilespmem:s0+$0xFFFFFF40];
	v4 =	vmul.f32 v7, v13;
	[tilespmem:s0+$0xFFFFFE30] =	vst v9  }
0x92: {  	v5 =	vld [tilespmem:s0+$0xFFFFFE70];
	v8 =	vmul.f32 v2, v10;
	[tilespmem:s0+$0xFFFFFEB0] =	vst v52  }
0x93: {  	v6 =	vld [tilespmem:s0+$0xFFFFFEE0];
	v9 =	vmul.f32 v2, v11;
	[tilespmem:s0+$0xFFFFFE80] =	vst v4  }
0x94: {  	v11 =	vld [tilespmem:s0+$0xFFFFFF00];
	[tilespmem:s0+$0xFFFFFE40] =	vst v8;
	v8 =	vmul.f32 v2, v12  }
0x95: {  	v13 =	vmul.f32 v7, v48;
	v4 =	vld.idx.msk [tilespmem:v15+s31+$0x0], $0xffff;
	[tilespmem:s0+$0xFFFFFE50] =	vst v9  }
0x96: {  	v53 =	vld [tilespmem:s0+$0xFFFFFF70];
	[tilespmem:s0+$0xFFFFFE60] =	vst v8;
	v8 =	vmul.f32 v7, v14  }
0x97: {  	v55 =	vld [tilespmem:s0+$0xFFFFFFA0];
	[tilespmem:s0+$0xFFFFFED0] =	vst v13;
	v2 =	vmul.f32 v2, v5  }
0x98: {  	v56 =	vld [tilespmem:s0+$0xFFFFFFC0];
	v9 =	vor.u32 $0x3, v3;
	v6 =	vmul.f32 v7, v6;
	[tilespmem:s0+$0xFFFFFE90] =	vst v8  }
0x99: {  	v10 =	vld [tilespmem:s0+$0xFFFFFEF0];
	[tilespmem:s0+$0xFFFFFE70] =	vst v2;
	v2 =	vmul.f32 v7, v16  }
0x9a: {  	v5 =	vld [tilespmem:s0+$0xFFFFFF20];
	v8 =	vmul.f32 v4, v11;
	[tilespmem:s0+$0xFFFFFEE0] =	vst v6  }
0x9b: {  	v11 =	vld [tilespmem:s0+$0xFFFFFF50];
	v6 =	vmul.f32 v4, v49;
	[tilespmem:s0+$0xFFFFFEA0] =	vst v2  }
0x9c: {  	v15 =	vmul.f32 v4, v51;
	v2 =	vld [tilespmem:s0+$0xFFFFFF60];
	[tilespmem:s0+$0xFFFFFF00] =	vst v8  }
0x9d: {  	v8 =	vld.idx.msk [tilespmem:v9+s31+$0x0], $0xffff;
	v9 =	vmul.f32 v7, v18;
	[tilespmem:s0+$0xFFFFFF10] =	vst v6  }
0x9e: {  	v58 =	vld [tilespmem:s0+$0x20];
	v7 =	vmul.f32 v7, v10;
	[tilespmem:s0+$0xFFFFFF40] =	vst v15  }
0x9f: {  	v54 =	vor.u32 $0x4, v3;
	v6 =	vmul.f32 v4, v50;
	[tilespmem:s0+$0xFFFFFEC0] =	vst v9;
	v9 =	vld [tilespmem:s0+$0xFFFFFF80]  }
0xa0: {  	v10 =	vld [tilespmem:s0+$0xFFFFFF90];
	v5 =	vmul.f32 v4, v5;
	[tilespmem:s0+$0xFFFFFEF0] =	vst v7  }
0xa1: {  	v59 =	vld [tilespmem:s0+$0x40];
	[tilespmem:s0+$0xFFFFFF30] =	vst v6;
	v11 =	vmul.f32 v4, v11  }
0xa2: {  	v6 =	vld [tilespmem:s0+$0xFFFFFFE0];
	[tilespmem:s0+$0xFFFFFF20] =	vst v5;
	v2 =	vmul.f32 v4, v2  }
0xa3: {  	v7 =	vld [tilespmem:s0+$0xFFFFFFB0];
	[tilespmem:s0+$0xFFFFFF50] =	vst v11;
	v4 =	vmul.f32 v4, v53  }
0xa4: {  	v13 =	vld.idx.msk [tilespmem:v54+s31+$0x0], $0xffff;
	v5 =	vmul.f32 v8, v9;
	[tilespmem:s0+$0xFFFFFF60] =	vst v2  }
0xa5: {  	v11 =	vld [tilespmem:s0+$0x0];
	v2 =	vmul.f32 v8, v10;
	[tilespmem:s0+$0xFFFFFF70] =	vst v4  }
0xa6: {  	v9 =	vld [tilespmem:s0+$0xFFFFFFD0];
	v4 =	vmul.f32 v8, v55;
	[tilespmem:s0+$0xFFFFFF80] =	vst v5  }
0xa7: {  	v10 =	vld [tilespmem:s0+$0x10];
	v6 =	vmul.f32 v8, v6;
	[tilespmem:s0+$0xFFFFFF90] =	vst v2  }
0xa8: {  	v57 =	vor.u32 $0x5, v3;
	v5 =	vld [tilespmem:s0+$0xFFFFFFF0];
	v2 =	vmul.f32 v8, v7;
	[tilespmem:s0+$0xFFFFFFA0] =	vst v4  }
0xa9: {  	v7 =	vld [tilespmem:s0+$0x30];
	v4 =	vmul.f32 v8, v56;
	[tilespmem:s0+$0xFFFFFFE0] =	vst v6  }
0xaa: {  	v60 =	vld [tilespmem:s0+$0xB0];
	[tilespmem:s0+$0xFFFFFFB0] =	vst v2;
	v2 =	vmul.f32 v13, v11  }
0xab: {  	v11 =	vld [tilespmem:s0+$0x50];
	[tilespmem:s0+$0xFFFFFFC0] =	vst v4;
	v9 =	vmul.f32 v8, v9  }
0xac: {  	v4 =	vld [tilespmem:s0+$0x60];
	v6 =	vmul.f32 v13, v10;
	[tilespmem:s0+$0x0] =	vst v2  }
0xad: {  	v15 =	vld.idx.msk [tilespmem:v57+s31+$0x0], $0xffff;
	[tilespmem:s0+$0xFFFFFFD0] =	vst v9;
	v2 =	vmul.f32 v8, v5  }
0xae: {  	v8 =	vld [tilespmem:s0+$0x80];
	[tilespmem:s0+$0x10] =	vst v6;
	v6 =	vmul.f32 v13, v7  }
0xaf: {  	v5 =	vld [tilespmem:s0+$0x70];
	[tilespmem:s0+$0xFFFFFFF0] =	vst v2;
	v2 =	vmul.f32 v13, v58  }
0xb0: {  	v10 =	vor.u32 $0x6, v3;
	v9 =	vld [tilespmem:s0+$0x90];
	[tilespmem:s0+$0x30] =	vst v6;
	v6 =	vmul.f32 v13, v11  }
0xb1: {  	v7 =	vld [tilespmem:s0+$0xA0];
	v4 =	vmul.f32 v13, v4;
	[tilespmem:s0+$0x20] =	vst v2  }
0xb2: {  	v61 =	vld [tilespmem:s0+$0xD0];
	v2 =	vmul.f32 v13, v59;
	[tilespmem:s0+$0x50] =	vst v6  }
0xb3: {  	v11 =	vld [tilespmem:s0+$0xC0];
	[tilespmem:s0+$0x60] =	vst v4;
	v8 =	vmul.f32 v15, v8  }
0xb4: {  	v6 =	vld [tilespmem:s0+$0xE0];
	v5 =	vmul.f32 v13, v5;
	[tilespmem:s0+$0x40] =	vst v2  }
0xb5: {  	v4 =	vmul.f32 v15, v9;
	v2 =	vld.idx.msk [tilespmem:v10+s31+$0x0], $0xffff;
	[tilespmem:s0+$0x80] =	vst v8  }
0xb6: {  	[tilespmem:s0+$0x70] =	vst v5;
	v5 =	vmul.f32 v15, v7;
	v7 =	vld [tilespmem:s0+$0x100]  }
0xb7: {  	v8 =	vld [tilespmem:s0+$0xF0];
	[tilespmem:s0+$0x90] =	vst v4;
	v4 =	vmul.f32 v15, v60  }
0xb8: {  	v9 =	vld [tilespmem:s0+$0x110];
	[tilespmem:s0+$0xA0] =	vst v5;
	v5 =	vmul.f32 v15, v11  }
0xb9: {  	v10 =	vld [tilespmem:s0+$0x120];
	[tilespmem:s0+$0xB0] =	vst v4;
	v4 =	vmul.f32 v15, v61  }
0xba: {  	v11 =	vld [tilespmem:s0+$0x130];
	[tilespmem:s0+$0xC0] =	vst v5;
	v5 =	vmul.f32 v15, v6  }
0xbb: {  	v62 =	vld [tilespmem:s0+$0x140];
	[tilespmem:s0+$0xD0] =	vst v4;
	v6 =	vmul.f32 v2, v7  }
0xbc: {  	v63 =	vld [tilespmem:s0+$0x150];
	v7 =	vmul.f32 v15, v8;
	[tilespmem:s0+$0xE0] =	vst v5  }
0xbd: {  	v4 =	vld [tilespmem:s0+$0x160];
	v8 =	vmul.f32 v2, v9;
	[tilespmem:s0+$0x100] =	vst v6  }
0xbe: {  	v5 =	vld [tilespmem:s0+$0x170];
	[tilespmem:s0+$0xF0] =	vst v7;
	v7 =	vmul.f32 v2, v10  }
0xbf: {  	[tilespmem:s0+$0x110] =	vst v8;
	v8 =	vmul.f32 v2, v11;
	v6 =	vld [tilespmem:s0+$0x180]  }
0xc0: {  	v10 =	vmul.f32 v2, v62;
	[tilespmem:s0+$0x120] =	vst v7;
	v7 =	vld [tilespmem:s0+$0x190]  }
0xc1: {  	s8 =	simm.s32 $0x14200;
	s9 =	simm.s32 $0x0;
	v3 =	vadd.s32 $0x8, v3;
	v9 =	vmul.f32 v2, v63;
	[tilespmem:s0+$0x130] =	vst v8;
	v8 =	vld [tilespmem:s0+$0x1A0]  }
.LBB2_5:
0xc2: {  	v11 =	vor.u32 $0x1, v3;
	v12 =	vor.u32 $0x2, v3;
	v13 =	vor.u32 $0x7, v3;
	s9 =	sadd.s32 $0x8, s9;
	[tilespmem:s0+$0x140] =	vst v10;
	v10 =	vld [tilespmem:s0+$0x1B0]  }
0xc3: {  	v14 =	vor.u32 $0x3, v3;
	v15 =	vor.u32 $0x4, v3;
	v16 =	vor.u32 $0x5, v3;
	p0 =	slt.u32 s9, $0x78;
	[tilespmem:s0+$0x150] =	vst v9;
	v9 =	vld [tilespmem:s0+$0x1C0]  }
0xc4: {  	v17 =	vor.u32 $0x6, v3;
	v4 =	vmul.f32 v2, v4;
	v2 =	vmul.f32 v2, v5;
	v5 =	vld [tilespmem:s0+$0x1D0]  }
0xc5: {  	v6 =	vmul.f32 v1, v6;
	v7 =	vmul.f32 v1, v7;
	v18 =	vld [tilespmem:s0+$0x1E0]  }
0xc6: {  	v19 =	vld.idx.msk [tilespmem:v3+s31+$0x0], $0xffff;
	[tilespmem:s0+$0x160] =	vst v4;
	v4 =	vmul.f32 v1, v8  }
0xc7: {  	s0 =	sadd.s32 $0x400, s0;
	v8 =	vld.idx.msk [tilespmem:v13+s31+$0x0], $0xffff;
	[tilespmem:s8+$0x170] =	vst v2;
	v2 =	vmul.f32 v1, v10  }
0xc8: {  	v10 =	vld [tilespmem:s0+$0x1F0];
	[tilespmem:s8+$0x180] =	vst v6;
	v9 =	vmul.f32 v1, v9  }
0xc9: {  	v11 =	vld.idx.msk [tilespmem:v11+s31+$0x0], $0xffff;
	[tilespmem:s8+$0x190] =	vst v7;
	v7 =	vmul.f32 v1, v5  }
0xca: {  	v12 =	vld.idx.msk [tilespmem:v12+s31+$0x0], $0xffff;
	[tilespmem:s8+$0x1A0] =	vst v4;
	v13 =	vmul.f32 v1, v18  }
0xcb: {  	v6 =	vld.idx.msk [tilespmem:v14+s31+$0x0], $0xffff;
	[tilespmem:s8+$0x1B0] =	vst v2  }
0xcc: {  	v5 =	vld.idx.msk [tilespmem:v15+s31+$0x0], $0xffff;
	[tilespmem:s8+$0x1C0] =	vst v9  }
0xcd: {  	v1 =	vmov v8;
	v4 =	vld.idx.msk [tilespmem:v16+s31+$0x0], $0xffff;
	v9 =	vmul.f32 v8, v10;
	[tilespmem:s8+$0x1D0] =	vst v7  }
0xce: {  	v2 =	vld.idx.msk [tilespmem:v17+s31+$0x0], $0xffff;
	[tilespmem:s8+$0x1E0] =	vst v13;
	s8 =	smov.u32 s0  }
0xcf: {  	v7 =	vld [tilespmem:s0+$0xFFFFFE00];
	[tilespmem:s0+$0x1F0] =	vst v9  }
0xd0: {  	v8 =	vld [tilespmem:s0+$0xFFFFFE10]  }
0xd1: {  	v9 =	vld [tilespmem:s0+$0xFFFFFE20]  }
0xd2: {  	v10 =	vld [tilespmem:s0+$0xFFFFFE30]  }
0xd3: {  	v13 =	vld [tilespmem:s0+$0xFFFFFE40]  }
0xd4: {  	v7 =	vmul.f32 v19, v7;
	v14 =	vld [tilespmem:s0+$0xFFFFFE50]  }
0xd5: {  	v8 =	vmul.f32 v19, v8;
	v15 =	vld [tilespmem:s0+$0xFFFFFE60]  }
0xd6: {  	[tilespmem:s0+$0xFFFFFE00] =	vst v7;
	v7 =	vmul.f32 v19, v9;
	v9 =	vld [tilespmem:s0+$0xFFFFFE70]  }
0xd7: {  	[tilespmem:s0+$0xFFFFFE10] =	vst v8;
	v8 =	vmul.f32 v19, v10;
	v10 =	vld [tilespmem:s0+$0xFFFFFE80]  }
0xd8: {  	[tilespmem:s0+$0xFFFFFE20] =	vst v7;
	v7 =	vmul.f32 v19, v13;
	v13 =	vld [tilespmem:s0+$0xFFFFFE90]  }
0xd9: {  	[tilespmem:s0+$0xFFFFFE30] =	vst v8;
	v8 =	vmul.f32 v19, v14;
	v14 =	vld [tilespmem:s0+$0xFFFFFEA0]  }
0xda: {  	[tilespmem:s0+$0xFFFFFE40] =	vst v7;
	v7 =	vmul.f32 v19, v15;
	v15 =	vld [tilespmem:s0+$0xFFFFFEB0]  }
0xdb: {  	[tilespmem:s0+$0xFFFFFE50] =	vst v8;
	v8 =	vmul.f32 v19, v9;
	v9 =	vld [tilespmem:s0+$0xFFFFFEC0]  }
0xdc: {  	[tilespmem:s0+$0xFFFFFE60] =	vst v7;
	v7 =	vmul.f32 v11, v10;
	v10 =	vld [tilespmem:s0+$0xFFFFFED0]  }
0xdd: {  	[tilespmem:s0+$0xFFFFFE70] =	vst v8;
	v8 =	vmul.f32 v11, v13;
	v13 =	vld [tilespmem:s0+$0xFFFFFEE0]  }
0xde: {  	[tilespmem:s0+$0xFFFFFE80] =	vst v7;
	v7 =	vmul.f32 v11, v14;
	v14 =	vld [tilespmem:s0+$0xFFFFFEF0]  }
0xdf: {  	[tilespmem:s0+$0xFFFFFE90] =	vst v8;
	v8 =	vmul.f32 v11, v15;
	v15 =	vld [tilespmem:s0+$0xFFFFFF00]  }
0xe0: {  	[tilespmem:s0+$0xFFFFFEA0] =	vst v7;
	v7 =	vmul.f32 v11, v9;
	v9 =	vld [tilespmem:s0+$0xFFFFFF10]  }
0xe1: {  	[tilespmem:s0+$0xFFFFFEB0] =	vst v8;
	v8 =	vmul.f32 v11, v10;
	v10 =	vld [tilespmem:s0+$0xFFFFFF20]  }
0xe2: {  	[tilespmem:s0+$0xFFFFFEC0] =	vst v7;
	v7 =	vmul.f32 v11, v13;
	v13 =	vld [tilespmem:s0+$0xFFFFFF30]  }
0xe3: {  	[tilespmem:s0+$0xFFFFFED0] =	vst v8;
	v8 =	vmul.f32 v11, v14;
	v11 =	vld [tilespmem:s0+$0xFFFFFF40]  }
0xe4: {  	[tilespmem:s0+$0xFFFFFEE0] =	vst v7;
	v7 =	vmul.f32 v12, v15;
	v14 =	vld [tilespmem:s0+$0xFFFFFF50]  }
0xe5: {  	[tilespmem:s0+$0xFFFFFEF0] =	vst v8;
	v8 =	vmul.f32 v12, v9;
	v9 =	vld [tilespmem:s0+$0xFFFFFF60]  }
0xe6: {  	[tilespmem:s0+$0xFFFFFF00] =	vst v7;
	v7 =	vmul.f32 v12, v10;
	v10 =	vld [tilespmem:s0+$0xFFFFFF70]  }
0xe7: {  	[tilespmem:s0+$0xFFFFFF10] =	vst v8;
	v8 =	vmul.f32 v12, v13;
	v13 =	vld [tilespmem:s0+$0xFFFFFF80]  }
0xe8: {  	[tilespmem:s0+$0xFFFFFF20] =	vst v7;
	v7 =	vmul.f32 v12, v11;
	v11 =	vld [tilespmem:s0+$0xFFFFFF90]  }
0xe9: {  	[tilespmem:s0+$0xFFFFFF30] =	vst v8;
	v8 =	vmul.f32 v12, v14;
	v14 =	vld [tilespmem:s0+$0xFFFFFFA0]  }
0xea: {  	[tilespmem:s0+$0xFFFFFF40] =	vst v7;
	v7 =	vmul.f32 v12, v9;
	v9 =	vld [tilespmem:s0+$0xFFFFFFB0]  }
0xeb: {  	[tilespmem:s0+$0xFFFFFF50] =	vst v8;
	v8 =	vmul.f32 v12, v10;
	v10 =	vld [tilespmem:s0+$0xFFFFFFC0]  }
0xec: {  	[tilespmem:s0+$0xFFFFFF60] =	vst v7;
	v7 =	vmul.f32 v6, v13;
	v12 =	vld [tilespmem:s0+$0xFFFFFFD0]  }
0xed: {  	[tilespmem:s0+$0xFFFFFF70] =	vst v8;
	v8 =	vmul.f32 v6, v11;
	v11 =	vld [tilespmem:s0+$0xFFFFFFE0]  }
0xee: {  	[tilespmem:s0+$0xFFFFFF80] =	vst v7;
	v7 =	vmul.f32 v6, v14;
	v13 =	vld [tilespmem:s0+$0xFFFFFFF0]  }
0xef: {  	[tilespmem:s0+$0xFFFFFF90] =	vst v8;
	v8 =	vmul.f32 v6, v9;
	v9 =	vld [tilespmem:s0+$0x0]  }
0xf0: {  	[tilespmem:s0+$0xFFFFFFA0] =	vst v7;
	v7 =	vmul.f32 v6, v10;
	v10 =	vld [tilespmem:s0+$0x10]  }
0xf1: {  	[tilespmem:s0+$0xFFFFFFB0] =	vst v8;
	v8 =	vmul.f32 v6, v12;
	v12 =	vld [tilespmem:s0+$0x20]  }
0xf2: {  	[tilespmem:s0+$0xFFFFFFC0] =	vst v7;
	v7 =	vmul.f32 v6, v11;
	v11 =	vld [tilespmem:s0+$0x30]  }
0xf3: {  	[tilespmem:s0+$0xFFFFFFD0] =	vst v8;
	v6 =	vmul.f32 v6, v13;
	v8 =	vld [tilespmem:s0+$0x40]  }
0xf4: {  	[tilespmem:s0+$0xFFFFFFE0] =	vst v7;
	v7 =	vmul.f32 v5, v9;
	v9 =	vld [tilespmem:s0+$0x50]  }
0xf5: {  	[tilespmem:s0+$0xFFFFFFF0] =	vst v6;
	v6 =	vmul.f32 v5, v10;
	v10 =	vld [tilespmem:s0+$0x60]  }
0xf6: {  	[tilespmem:s0+$0x0] =	vst v7;
	v7 =	vmul.f32 v5, v12;
	v12 =	vld [tilespmem:s0+$0x70]  }
0xf7: {  	[tilespmem:s0+$0x10] =	vst v6;
	v6 =	vmul.f32 v5, v11;
	v11 =	vld [tilespmem:s0+$0x80]  }
0xf8: {  	[tilespmem:s0+$0x20] =	vst v7;
	v7 =	vmul.f32 v5, v8;
	v8 =	vld [tilespmem:s0+$0x90]  }
0xf9: {  	[tilespmem:s0+$0x30] =	vst v6;
	v6 =	vmul.f32 v5, v9;
	v9 =	vld [tilespmem:s0+$0xA0]  }
0xfa: {  	[tilespmem:s0+$0x40] =	vst v7;
	v7 =	vmul.f32 v5, v10;
	v10 =	vld [tilespmem:s0+$0xB0]  }
0xfb: {  	[tilespmem:s0+$0x50] =	vst v6;
	v5 =	vmul.f32 v5, v12;
	v6 =	vld [tilespmem:s0+$0xC0]  }
0xfc: {  	[tilespmem:s0+$0x60] =	vst v7;
	v7 =	vmul.f32 v4, v11;
	v11 =	vld [tilespmem:s0+$0xD0]  }
0xfd: {  	[tilespmem:s0+$0x70] =	vst v5;
	v5 =	vmul.f32 v4, v8;
	v8 =	vld [tilespmem:s0+$0xE0]  }
0xfe: {  	[tilespmem:s0+$0x80] =	vst v7;
	v7 =	vmul.f32 v4, v9;
	v9 =	vld [tilespmem:s0+$0xF0]  }
0xff: {  	[tilespmem:s0+$0x90] =	vst v5;
	v5 =	vmul.f32 v4, v10;
	v10 =	vld [tilespmem:s0+$0x100]  }
0x100: {  	[tilespmem:s0+$0xA0] =	vst v7;
	v6 =	vmul.f32 v4, v6;
	v7 =	vld [tilespmem:s0+$0x110]  }
0x101: {  	[tilespmem:s0+$0xB0] =	vst v5;
	v5 =	vmul.f32 v4, v11;
	v11 =	vld [tilespmem:s0+$0x120]  }
0x102: {  	[tilespmem:s0+$0xC0] =	vst v6;
	v6 =	vmul.f32 v4, v8;
	v8 =	vld [tilespmem:s0+$0x130]  }
0x103: {  	[tilespmem:s0+$0xD0] =	vst v5;
	v4 =	vmul.f32 v4, v9;
	v9 =	vld [tilespmem:s0+$0x140]  }
0x104: {  	[tilespmem:s0+$0xE0] =	vst v6;
	v5 =	vmul.f32 v2, v10;
	v12 =	vld [tilespmem:s0+$0x150]  }
.Ltmp1:
0x105: {  	[tilespmem:s0+$0xF0] =	vst v4;
	v6 =	vmul.f32 v2, v7;
	v4 =	vld [tilespmem:s0+$0x160];
	(pc) =	sbr.rel @p0 .LBB2_5-.Ltmp1, $4  }
0x106: {  	[tilespmem:s0+$0x100] =	vst v5;
	v7 =	vmul.f32 v2, v11;
	v5 =	vld [tilespmem:s0+$0x170]  }
0x107: {  	[tilespmem:s0+$0x110] =	vst v6;
	v8 =	vmul.f32 v2, v8;
	v6 =	vld [tilespmem:s0+$0x180]  }
0x108: {  	[tilespmem:s0+$0x120] =	vst v7;
	v10 =	vmul.f32 v2, v9;
	v7 =	vld [tilespmem:s0+$0x190]  }
0x109: {  	v3 =	vadd.s32 $0x8, v3;
	[tilespmem:s0+$0x130] =	vst v8;
	v9 =	vmul.f32 v2, v12;
	v8 =	vld [tilespmem:s0+$0x1A0]  }
0x10a: {  	[tilespmem:s0+$0x140] =	vst v10;
	v3 =	vld [tilespmem:s0+$0x1B0];
	v4 =	vmul.f32 v2, v4  }
0x10b: {  	[tilespmem:s0+$0x150] =	vst v9;
	v9 =	vld [tilespmem:s0+$0x1C0];
	v2 =	vmul.f32 v2, v5  }
0x10c: {  	v5 =	vld [tilespmem:s0+$0x1D0];
	v6 =	vmul.f32 v1, v6;
	[tilespmem:s0+$0x160] =	vst v4  }
0x10d: {  	v4 =	vmul.f32 v1, v7;
	v7 =	vld [tilespmem:s0+$0x1E0];
	[tilespmem:s8+$0x170] =	vst v2  }
0x10e: {  	v2 =	vmul.f32 v1, v8;
	[tilespmem:s8+$0x180] =	vst v6  }
0x10f: {  	v3 =	vmul.f32 v1, v3;
	[tilespmem:s8+$0x190] =	vst v4  }
0x110: {  	v4 =	vmul.f32 v1, v9;
	[tilespmem:s8+$0x1A0] =	vst v2  }
0x111: {  	v2 =	vmul.f32 v1, v5;
	[tilespmem:s8+$0x1B0] =	vst v3  }
0x112: {  	v1 =	vmul.f32 v1, v7;
	[tilespmem:s8+$0x1C0] =	vst v4  }
0x113: {  	[tilespmem:s8+$0x1D0] =	vst v2  }
0x114: {  	s9 =	simm.s32 $0x1C200;
	p0 =	seq.s32 s30, $0x13;
	[tilespmem:s8+$0x1E0] =	vst v1  }
0x115: {  	[spmem:s4] =	stream.indirect.scatter.add.f32 [tilespmem:s11], [sflag:$0x3], $0x80, s9, s14, $0xb8;
	[tilespmem:$0x1C600] =	vst v63  }
0x116: {  	s0 =	sadd.s32 @!p0 s2, s23;
	_ =	swait.ge [sflag:s12], $0x4000  }
0x117: {  	s22 =	simm.s32 @!p0 $0x1C000;
	s0 =	sshrl.u32 @!p0 s0, $0x3;
	[sflag:s12] =	ssyncset.done $0x0  }
0x118: {  	s8 =	sadd.s32 @!p0 s6, s0;
	s9 =	simm.s32 @!p0 $0x0;
	[sflag:s12] =	ssyncadd.s32 $0xFFFFC000  }
0x119: {  	[tilespmem:s22], [sflag:$0x5] =	stream.linear.gather @!p0 [hbm4b:s8+s9], $0x80, $0x38;
	[tilespmem:$0x1C600] =	vst v63  }
0x11a: {  	s8 =	sadd.s32 @!p0 s3, s0;
	s22 =	simm.s32 @!p0 $0x1C200  }
0x11b: {  	[tilespmem:s22], [sflag:$0x5] =	stream.linear.gather @!p0 [hbm4b:s8+s9], $0x80, $0x38;
	[tilespmem:$0x1C600] =	vst v63  }
0x11c: {  	s0 =	sadd.s32 @!p0 s7, s0;
	s8 =	simm.s32 @!p0 $0x1C400  }
0x11d: {  	[tilespmem:s8], [sflag:$0x5] =	stream.linear.gather @!p0 [hbm4b:s0+s9], $0x80, $0x38;
	[tilespmem:$0x1C600] =	vst v63  }
0x11e: {  	_ =	swait.ge [sflag:s26], $0x80  }
0x11f: {  	[sflag:s26] =	ssyncset.done $0x0  }
0x120: {  	[sflag:s26] =	ssyncadd.s32 $0xFFFFFF80  }
0x121: {  	_ =	swait.ge [sflag:s26], $0x80  }
0x122: {  	[sflag:s26] =	ssyncset.done $0x0  }
0x123: {  	[sflag:s26] =	ssyncadd.s32 $0xFFFFFF80  }
0x124: {  	_ =	swait.ge [sflag:s26], $0x80  }
0x125: {  	[sflag:s26] =	ssyncset.done $0x0  }
0x126: {  	v3 =	vimm.s32 $0x0;
	s22 =	simm.s32 $0x1C100;
	[sflag:s26] =	ssyncadd.s32 $0xFFFFFF80  }
0x127: {  	v1 =	vor.u32 $0x7, v3;
	[tilespmem:s11], [sflag:$0x1] =	stream.indirect.gather [hbm4b:s1+s14], $0x80, s22, s14, $0xb8;
	[tilespmem:$0x1C600] =	vst v63  }
0x128: {  	_ =	swait.ge [sflag:s28], $0x4000  }
0x129: {  	[sflag:s28] =	ssyncset.done $0x0  }
0x12a: {  	[sflag:s28] =	ssyncadd.s32 $0xFFFFC000  }
0x12b: {  	v2 =	vld.idx.msk [tilespmem:v3+s29+$0x0], $0xffff  }
0x12c: {  	s0 =	simm.s32 $0x18200;
	v1 =	vld.idx.msk [tilespmem:v1+s29+$0x0], $0xffff  }
0x12d: {  	v4 =	vld [tilespmem:s0+$0x1F0]  }
0x12e: {  	v5 =	vld [tilespmem:s0+$0xFFFFFE00]  }
0x12f: {  	v6 =	vld [tilespmem:s0+$0xFFFFFE10]  }
0x130: {  	v7 =	vor.u32 $0x1, v3;
	v8 =	vld [tilespmem:s0+$0xFFFFFE20]  }
0x131: {  	v9 =	vld [tilespmem:s0+$0xFFFFFE30]  }
0x132: {  	v10 =	vld [tilespmem:s0+$0xFFFFFE40]  }
0x133: {  	v11 =	vld [tilespmem:s0+$0xFFFFFE50]  }
0x134: {  	v12 =	vld [tilespmem:s0+$0xFFFFFE60]  }
0x135: {  	v7 =	vld.idx.msk [tilespmem:v7+s29+$0x0], $0xffff  }
0x136: {  	v13 =	vld [tilespmem:s0+$0xFFFFFE80]  }
0x137: {  	v14 =	vld [tilespmem:s0+$0xFFFFFE90]  }
0x138: {  	v17 =	vld [tilespmem:s0+$0xFFFFFEB0];
	v5 =	vmul.f32 v2, v5  }
0x139: {  	v16 =	vld [tilespmem:s0+$0xFFFFFEA0];
	v4 =	vmul.f32 v1, v4  }
0x13a: {  	v18 =	vld [tilespmem:s0+$0xFFFFFEC0];
	v6 =	vmul.f32 v2, v6;
	[tilespmem:s0+$0xFFFFFE00] =	vst v5  }
0x13b: {  	v48 =	vld [tilespmem:s0+$0xFFFFFED0];
	v8 =	vmul.f32 v2, v8;
	[tilespmem:s0+$0x1F0] =	vst v4  }
0x13c: {  	v49 =	vld [tilespmem:s0+$0xFFFFFF10];
	v9 =	vmul.f32 v2, v9;
	[tilespmem:s0+$0xFFFFFE10] =	vst v6  }
0x13d: {  	v15 =	vor.u32 $0x2, v3;
	v50 =	vld [tilespmem:s0+$0xFFFFFF30];
	v52 =	vmul.f32 v7, v17;
	[tilespmem:s0+$0xFFFFFE20] =	vst v8  }
0x13e: {  	v51 =	vld [tilespmem:s0+$0xFFFFFF40];
	v4 =	vmul.f32 v7, v13;
	[tilespmem:s0+$0xFFFFFE30] =	vst v9  }
0x13f: {  	v5 =	vld [tilespmem:s0+$0xFFFFFE70];
	v8 =	vmul.f32 v2, v10;
	[tilespmem:s0+$0xFFFFFEB0] =	vst v52  }
0x140: {  	v6 =	vld [tilespmem:s0+$0xFFFFFEE0];
	v9 =	vmul.f32 v2, v11;
	[tilespmem:s0+$0xFFFFFE80] =	vst v4  }
0x141: {  	v11 =	vld [tilespmem:s0+$0xFFFFFF00];
	[tilespmem:s0+$0xFFFFFE40] =	vst v8;
	v8 =	vmul.f32 v2, v12  }
0x142: {  	v13 =	vmul.f32 v7, v48;
	v4 =	vld.idx.msk [tilespmem:v15+s29+$0x0], $0xffff;
	[tilespmem:s0+$0xFFFFFE50] =	vst v9  }
0x143: {  	v53 =	vld [tilespmem:s0+$0xFFFFFF70];
	[tilespmem:s0+$0xFFFFFE60] =	vst v8;
	v8 =	vmul.f32 v7, v14  }
0x144: {  	v55 =	vld [tilespmem:s0+$0xFFFFFFA0];
	[tilespmem:s0+$0xFFFFFED0] =	vst v13;
	v2 =	vmul.f32 v2, v5  }
0x145: {  	v56 =	vld [tilespmem:s0+$0xFFFFFFC0];
	v9 =	vor.u32 $0x3, v3;
	v6 =	vmul.f32 v7, v6;
	[tilespmem:s0+$0xFFFFFE90] =	vst v8  }
0x146: {  	v10 =	vld [tilespmem:s0+$0xFFFFFEF0];
	[tilespmem:s0+$0xFFFFFE70] =	vst v2;
	v2 =	vmul.f32 v7, v16  }
0x147: {  	v5 =	vld [tilespmem:s0+$0xFFFFFF20];
	v8 =	vmul.f32 v4, v11;
	[tilespmem:s0+$0xFFFFFEE0] =	vst v6  }
0x148: {  	v11 =	vld [tilespmem:s0+$0xFFFFFF50];
	v6 =	vmul.f32 v4, v49;
	[tilespmem:s0+$0xFFFFFEA0] =	vst v2  }
0x149: {  	v15 =	vmul.f32 v4, v51;
	v2 =	vld [tilespmem:s0+$0xFFFFFF60];
	[tilespmem:s0+$0xFFFFFF00] =	vst v8  }
0x14a: {  	v8 =	vld.idx.msk [tilespmem:v9+s29+$0x0], $0xffff;
	v9 =	vmul.f32 v7, v18;
	[tilespmem:s0+$0xFFFFFF10] =	vst v6  }
0x14b: {  	v58 =	vld [tilespmem:s0+$0x20];
	v7 =	vmul.f32 v7, v10;
	[tilespmem:s0+$0xFFFFFF40] =	vst v15  }
0x14c: {  	v54 =	vor.u32 $0x4, v3;
	v6 =	vmul.f32 v4, v50;
	[tilespmem:s0+$0xFFFFFEC0] =	vst v9;
	v9 =	vld [tilespmem:s0+$0xFFFFFF80]  }
0x14d: {  	v10 =	vld [tilespmem:s0+$0xFFFFFF90];
	v5 =	vmul.f32 v4, v5;
	[tilespmem:s0+$0xFFFFFEF0] =	vst v7  }
0x14e: {  	v59 =	vld [tilespmem:s0+$0x40];
	[tilespmem:s0+$0xFFFFFF30] =	vst v6;
	v11 =	vmul.f32 v4, v11  }
0x14f: {  	v6 =	vld [tilespmem:s0+$0xFFFFFFE0];
	[tilespmem:s0+$0xFFFFFF20] =	vst v5;
	v2 =	vmul.f32 v4, v2  }
0x150: {  	v7 =	vld [tilespmem:s0+$0xFFFFFFB0];
	[tilespmem:s0+$0xFFFFFF50] =	vst v11;
	v4 =	vmul.f32 v4, v53  }
0x151: {  	v13 =	vld.idx.msk [tilespmem:v54+s29+$0x0], $0xffff;
	v5 =	vmul.f32 v8, v9;
	[tilespmem:s0+$0xFFFFFF60] =	vst v2  }
0x152: {  	v11 =	vld [tilespmem:s0+$0x0];
	v2 =	vmul.f32 v8, v10;
	[tilespmem:s0+$0xFFFFFF70] =	vst v4  }
0x153: {  	v9 =	vld [tilespmem:s0+$0xFFFFFFD0];
	v4 =	vmul.f32 v8, v55;
	[tilespmem:s0+$0xFFFFFF80] =	vst v5  }
0x154: {  	v10 =	vld [tilespmem:s0+$0x10];
	v6 =	vmul.f32 v8, v6;
	[tilespmem:s0+$0xFFFFFF90] =	vst v2  }
0x155: {  	v57 =	vor.u32 $0x5, v3;
	v5 =	vld [tilespmem:s0+$0xFFFFFFF0];
	v2 =	vmul.f32 v8, v7;
	[tilespmem:s0+$0xFFFFFFA0] =	vst v4  }
0x156: {  	v7 =	vld [tilespmem:s0+$0x30];
	v4 =	vmul.f32 v8, v56;
	[tilespmem:s0+$0xFFFFFFE0] =	vst v6  }
0x157: {  	v60 =	vld [tilespmem:s0+$0xB0];
	[tilespmem:s0+$0xFFFFFFB0] =	vst v2;
	v2 =	vmul.f32 v13, v11  }
0x158: {  	v11 =	vld [tilespmem:s0+$0x50];
	[tilespmem:s0+$0xFFFFFFC0] =	vst v4;
	v9 =	vmul.f32 v8, v9  }
0x159: {  	v4 =	vld [tilespmem:s0+$0x60];
	v6 =	vmul.f32 v13, v10;
	[tilespmem:s0+$0x0] =	vst v2  }
0x15a: {  	v15 =	vld.idx.msk [tilespmem:v57+s29+$0x0], $0xffff;
	[tilespmem:s0+$0xFFFFFFD0] =	vst v9;
	v2 =	vmul.f32 v8, v5  }
0x15b: {  	v8 =	vld [tilespmem:s0+$0x80];
	[tilespmem:s0+$0x10] =	vst v6;
	v6 =	vmul.f32 v13, v7  }
0x15c: {  	v5 =	vld [tilespmem:s0+$0x70];
	[tilespmem:s0+$0xFFFFFFF0] =	vst v2;
	v2 =	vmul.f32 v13, v58  }
0x15d: {  	v10 =	vor.u32 $0x6, v3;
	v9 =	vld [tilespmem:s0+$0x90];
	[tilespmem:s0+$0x30] =	vst v6;
	v6 =	vmul.f32 v13, v11  }
0x15e: {  	v7 =	vld [tilespmem:s0+$0xA0];
	v4 =	vmul.f32 v13, v4;
	[tilespmem:s0+$0x20] =	vst v2  }
0x15f: {  	v61 =	vld [tilespmem:s0+$0xD0];
	v2 =	vmul.f32 v13, v59;
	[tilespmem:s0+$0x50] =	vst v6  }
0x160: {  	v11 =	vld [tilespmem:s0+$0xC0];
	[tilespmem:s0+$0x60] =	vst v4;
	v8 =	vmul.f32 v15, v8  }
0x161: {  	v6 =	vld [tilespmem:s0+$0xE0];
	v5 =	vmul.f32 v13, v5;
	[tilespmem:s0+$0x40] =	vst v2  }
0x162: {  	v4 =	vmul.f32 v15, v9;
	v2 =	vld.idx.msk [tilespmem:v10+s29+$0x0], $0xffff;
	[tilespmem:s0+$0x80] =	vst v8  }
0x163: {  	[tilespmem:s0+$0x70] =	vst v5;
	v5 =	vmul.f32 v15, v7;
	v7 =	vld [tilespmem:s0+$0x100]  }
0x164: {  	v8 =	vld [tilespmem:s0+$0xF0];
	[tilespmem:s0+$0x90] =	vst v4;
	v4 =	vmul.f32 v15, v60  }
0x165: {  	v9 =	vld [tilespmem:s0+$0x110];
	[tilespmem:s0+$0xA0] =	vst v5;
	v5 =	vmul.f32 v15, v11  }
0x166: {  	v10 =	vld [tilespmem:s0+$0x120];
	[tilespmem:s0+$0xB0] =	vst v4;
	v4 =	vmul.f32 v15, v61  }
0x167: {  	v11 =	vld [tilespmem:s0+$0x130];
	[tilespmem:s0+$0xC0] =	vst v5;
	v5 =	vmul.f32 v15, v6  }
0x168: {  	v62 =	vld [tilespmem:s0+$0x140];
	[tilespmem:s0+$0xD0] =	vst v4;
	v6 =	vmul.f32 v2, v7  }
0x169: {  	v63 =	vld [tilespmem:s0+$0x150];
	v7 =	vmul.f32 v15, v8;
	[tilespmem:s0+$0xE0] =	vst v5  }
0x16a: {  	v4 =	vld [tilespmem:s0+$0x160];
	v8 =	vmul.f32 v2, v9;
	[tilespmem:s0+$0x100] =	vst v6  }
0x16b: {  	v5 =	vld [tilespmem:s0+$0x170];
	[tilespmem:s0+$0xF0] =	vst v7;
	v7 =	vmul.f32 v2, v10  }
0x16c: {  	[tilespmem:s0+$0x110] =	vst v8;
	v8 =	vmul.f32 v2, v11;
	v6 =	vld [tilespmem:s0+$0x180]  }
0x16d: {  	v10 =	vmul.f32 v2, v62;
	[tilespmem:s0+$0x120] =	vst v7;
	v7 =	vld [tilespmem:s0+$0x190]  }
0x16e: {  	s9 =	simm.s32 $0x0;
	s8 =	simm.s32 $0x18200;
	v3 =	vadd.s32 $0x8, v3;
	v9 =	vmul.f32 v2, v63;
	[tilespmem:s0+$0x130] =	vst v8;
	v8 =	vld [tilespmem:s0+$0x1A0]  }
.LBB2_7:
0x16f: {  	v11 =	vor.u32 $0x1, v3;
	v12 =	vor.u32 $0x2, v3;
	v13 =	vor.u32 $0x7, v3;
	s9 =	sadd.s32 $0x8, s9;
	[tilespmem:s0+$0x140] =	vst v10;
	v10 =	vld [tilespmem:s0+$0x1B0]  }
0x170: {  	v14 =	vor.u32 $0x3, v3;
	v15 =	vor.u32 $0x4, v3;
	v16 =	vor.u32 $0x5, v3;
	p1 =	slt.u32 s9, $0x78;
	[tilespmem:s0+$0x150] =	vst v9;
	v9 =	vld [tilespmem:s0+$0x1C0]  }
0x171: {  	v17 =	vor.u32 $0x6, v3;
	v4 =	vmul.f32 v2, v4;
	v2 =	vmul.f32 v2, v5;
	v5 =	vld [tilespmem:s0+$0x1D0]  }
0x172: {  	v6 =	vmul.f32 v1, v6;
	v7 =	vmul.f32 v1, v7;
	v18 =	vld [tilespmem:s0+$0x1E0]  }
0x173: {  	v19 =	vld.idx.msk [tilespmem:v3+s29+$0x0], $0xffff;
	[tilespmem:s0+$0x160] =	vst v4;
	v4 =	vmul.f32 v1, v8  }
0x174: {  	s0 =	sadd.s32 $0x400, s0;
	v8 =	vld.idx.msk [tilespmem:v13+s29+$0x0], $0xffff;
	[tilespmem:s8+$0x170] =	vst v2;
	v2 =	vmul.f32 v1, v10  }
0x175: {  	v10 =	vld [tilespmem:s0+$0x1F0];
	[tilespmem:s8+$0x180] =	vst v6;
	v9 =	vmul.f32 v1, v9  }
0x176: {  	v11 =	vld.idx.msk [tilespmem:v11+s29+$0x0], $0xffff;
	[tilespmem:s8+$0x190] =	vst v7;
	v7 =	vmul.f32 v1, v5  }
0x177: {  	v12 =	vld.idx.msk [tilespmem:v12+s29+$0x0], $0xffff;
	[tilespmem:s8+$0x1A0] =	vst v4;
	v13 =	vmul.f32 v1, v18  }
0x178: {  	v6 =	vld.idx.msk [tilespmem:v14+s29+$0x0], $0xffff;
	[tilespmem:s8+$0x1B0] =	vst v2  }
0x179: {  	v5 =	vld.idx.msk [tilespmem:v15+s29+$0x0], $0xffff;
	[tilespmem:s8+$0x1C0] =	vst v9  }
0x17a: {  	v1 =	vmov v8;
	v4 =	vld.idx.msk [tilespmem:v16+s29+$0x0], $0xffff;
	v9 =	vmul.f32 v8, v10;
	[tilespmem:s8+$0x1D0] =	vst v7  }
0x17b: {  	v2 =	vld.idx.msk [tilespmem:v17+s29+$0x0], $0xffff;
	[tilespmem:s8+$0x1E0] =	vst v13;
	s8 =	smov.u32 s0  }
0x17c: {  	v7 =	vld [tilespmem:s0+$0xFFFFFE00];
	[tilespmem:s0+$0x1F0] =	vst v9  }
0x17d: {  	v8 =	vld [tilespmem:s0+$0xFFFFFE10]  }
0x17e: {  	v9 =	vld [tilespmem:s0+$0xFFFFFE20]  }
0x17f: {  	v10 =	vld [tilespmem:s0+$0xFFFFFE30]  }
0x180: {  	v13 =	vld [tilespmem:s0+$0xFFFFFE40]  }
0x181: {  	v7 =	vmul.f32 v19, v7;
	v14 =	vld [tilespmem:s0+$0xFFFFFE50]  }
0x182: {  	v8 =	vmul.f32 v19, v8;
	v15 =	vld [tilespmem:s0+$0xFFFFFE60]  }
0x183: {  	[tilespmem:s0+$0xFFFFFE00] =	vst v7;
	v7 =	vmul.f32 v19, v9;
	v9 =	vld [tilespmem:s0+$0xFFFFFE70]  }
0x184: {  	[tilespmem:s0+$0xFFFFFE10] =	vst v8;
	v8 =	vmul.f32 v19, v10;
	v10 =	vld [tilespmem:s0+$0xFFFFFE80]  }
0x185: {  	[tilespmem:s0+$0xFFFFFE20] =	vst v7;
	v7 =	vmul.f32 v19, v13;
	v13 =	vld [tilespmem:s0+$0xFFFFFE90]  }
0x186: {  	[tilespmem:s0+$0xFFFFFE30] =	vst v8;
	v8 =	vmul.f32 v19, v14;
	v14 =	vld [tilespmem:s0+$0xFFFFFEA0]  }
0x187: {  	[tilespmem:s0+$0xFFFFFE40] =	vst v7;
	v7 =	vmul.f32 v19, v15;
	v15 =	vld [tilespmem:s0+$0xFFFFFEB0]  }
0x188: {  	[tilespmem:s0+$0xFFFFFE50] =	vst v8;
	v8 =	vmul.f32 v19, v9;
	v9 =	vld [tilespmem:s0+$0xFFFFFEC0]  }
0x189: {  	[tilespmem:s0+$0xFFFFFE60] =	vst v7;
	v7 =	vmul.f32 v11, v10;
	v10 =	vld [tilespmem:s0+$0xFFFFFED0]  }
0x18a: {  	[tilespmem:s0+$0xFFFFFE70] =	vst v8;
	v8 =	vmul.f32 v11, v13;
	v13 =	vld [tilespmem:s0+$0xFFFFFEE0]  }
0x18b: {  	[tilespmem:s0+$0xFFFFFE80] =	vst v7;
	v7 =	vmul.f32 v11, v14;
	v14 =	vld [tilespmem:s0+$0xFFFFFEF0]  }
0x18c: {  	[tilespmem:s0+$0xFFFFFE90] =	vst v8;
	v8 =	vmul.f32 v11, v15;
	v15 =	vld [tilespmem:s0+$0xFFFFFF00]  }
0x18d: {  	[tilespmem:s0+$0xFFFFFEA0] =	vst v7;
	v7 =	vmul.f32 v11, v9;
	v9 =	vld [tilespmem:s0+$0xFFFFFF10]  }
0x18e: {  	[tilespmem:s0+$0xFFFFFEB0] =	vst v8;
	v8 =	vmul.f32 v11, v10;
	v10 =	vld [tilespmem:s0+$0xFFFFFF20]  }
0x18f: {  	[tilespmem:s0+$0xFFFFFEC0] =	vst v7;
	v7 =	vmul.f32 v11, v13;
	v13 =	vld [tilespmem:s0+$0xFFFFFF30]  }
0x190: {  	[tilespmem:s0+$0xFFFFFED0] =	vst v8;
	v8 =	vmul.f32 v11, v14;
	v11 =	vld [tilespmem:s0+$0xFFFFFF40]  }
0x191: {  	[tilespmem:s0+$0xFFFFFEE0] =	vst v7;
	v7 =	vmul.f32 v12, v15;
	v14 =	vld [tilespmem:s0+$0xFFFFFF50]  }
0x192: {  	[tilespmem:s0+$0xFFFFFEF0] =	vst v8;
	v8 =	vmul.f32 v12, v9;
	v9 =	vld [tilespmem:s0+$0xFFFFFF60]  }
0x193: {  	[tilespmem:s0+$0xFFFFFF00] =	vst v7;
	v7 =	vmul.f32 v12, v10;
	v10 =	vld [tilespmem:s0+$0xFFFFFF70]  }
0x194: {  	[tilespmem:s0+$0xFFFFFF10] =	vst v8;
	v8 =	vmul.f32 v12, v13;
	v13 =	vld [tilespmem:s0+$0xFFFFFF80]  }
0x195: {  	[tilespmem:s0+$0xFFFFFF20] =	vst v7;
	v7 =	vmul.f32 v12, v11;
	v11 =	vld [tilespmem:s0+$0xFFFFFF90]  }
0x196: {  	[tilespmem:s0+$0xFFFFFF30] =	vst v8;
	v8 =	vmul.f32 v12, v14;
	v14 =	vld [tilespmem:s0+$0xFFFFFFA0]  }
0x197: {  	[tilespmem:s0+$0xFFFFFF40] =	vst v7;
	v7 =	vmul.f32 v12, v9;
	v9 =	vld [tilespmem:s0+$0xFFFFFFB0]  }
0x198: {  	[tilespmem:s0+$0xFFFFFF50] =	vst v8;
	v8 =	vmul.f32 v12, v10;
	v10 =	vld [tilespmem:s0+$0xFFFFFFC0]  }
0x199: {  	[tilespmem:s0+$0xFFFFFF60] =	vst v7;
	v7 =	vmul.f32 v6, v13;
	v12 =	vld [tilespmem:s0+$0xFFFFFFD0]  }
0x19a: {  	[tilespmem:s0+$0xFFFFFF70] =	vst v8;
	v8 =	vmul.f32 v6, v11;
	v11 =	vld [tilespmem:s0+$0xFFFFFFE0]  }
0x19b: {  	[tilespmem:s0+$0xFFFFFF80] =	vst v7;
	v7 =	vmul.f32 v6, v14;
	v13 =	vld [tilespmem:s0+$0xFFFFFFF0]  }
0x19c: {  	[tilespmem:s0+$0xFFFFFF90] =	vst v8;
	v8 =	vmul.f32 v6, v9;
	v9 =	vld [tilespmem:s0+$0x0]  }
0x19d: {  	[tilespmem:s0+$0xFFFFFFA0] =	vst v7;
	v7 =	vmul.f32 v6, v10;
	v10 =	vld [tilespmem:s0+$0x10]  }
0x19e: {  	[tilespmem:s0+$0xFFFFFFB0] =	vst v8;
	v8 =	vmul.f32 v6, v12;
	v12 =	vld [tilespmem:s0+$0x20]  }
0x19f: {  	[tilespmem:s0+$0xFFFFFFC0] =	vst v7;
	v7 =	vmul.f32 v6, v11;
	v11 =	vld [tilespmem:s0+$0x30]  }
0x1a0: {  	[tilespmem:s0+$0xFFFFFFD0] =	vst v8;
	v6 =	vmul.f32 v6, v13;
	v8 =	vld [tilespmem:s0+$0x40]  }
0x1a1: {  	[tilespmem:s0+$0xFFFFFFE0] =	vst v7;
	v7 =	vmul.f32 v5, v9;
	v9 =	vld [tilespmem:s0+$0x50]  }
0x1a2: {  	[tilespmem:s0+$0xFFFFFFF0] =	vst v6;
	v6 =	vmul.f32 v5, v10;
	v10 =	vld [tilespmem:s0+$0x60]  }
0x1a3: {  	[tilespmem:s0+$0x0] =	vst v7;
	v7 =	vmul.f32 v5, v12;
	v12 =	vld [tilespmem:s0+$0x70]  }
0x1a4: {  	[tilespmem:s0+$0x10] =	vst v6;
	v6 =	vmul.f32 v5, v11;
	v11 =	vld [tilespmem:s0+$0x80]  }
0x1a5: {  	[tilespmem:s0+$0x20] =	vst v7;
	v7 =	vmul.f32 v5, v8;
	v8 =	vld [tilespmem:s0+$0x90]  }
0x1a6: {  	[tilespmem:s0+$0x30] =	vst v6;
	v6 =	vmul.f32 v5, v9;
	v9 =	vld [tilespmem:s0+$0xA0]  }
0x1a7: {  	[tilespmem:s0+$0x40] =	vst v7;
	v7 =	vmul.f32 v5, v10;
	v10 =	vld [tilespmem:s0+$0xB0]  }
0x1a8: {  	[tilespmem:s0+$0x50] =	vst v6;
	v5 =	vmul.f32 v5, v12;
	v6 =	vld [tilespmem:s0+$0xC0]  }
0x1a9: {  	[tilespmem:s0+$0x60] =	vst v7;
	v7 =	vmul.f32 v4, v11;
	v11 =	vld [tilespmem:s0+$0xD0]  }
0x1aa: {  	[tilespmem:s0+$0x70] =	vst v5;
	v5 =	vmul.f32 v4, v8;
	v8 =	vld [tilespmem:s0+$0xE0]  }
0x1ab: {  	[tilespmem:s0+$0x80] =	vst v7;
	v7 =	vmul.f32 v4, v9;
	v9 =	vld [tilespmem:s0+$0xF0]  }
0x1ac: {  	[tilespmem:s0+$0x90] =	vst v5;
	v5 =	vmul.f32 v4, v10;
	v10 =	vld [tilespmem:s0+$0x100]  }
0x1ad: {  	[tilespmem:s0+$0xA0] =	vst v7;
	v6 =	vmul.f32 v4, v6;
	v7 =	vld [tilespmem:s0+$0x110]  }
0x1ae: {  	[tilespmem:s0+$0xB0] =	vst v5;
	v5 =	vmul.f32 v4, v11;
	v11 =	vld [tilespmem:s0+$0x120]  }
0x1af: {  	[tilespmem:s0+$0xC0] =	vst v6;
	v6 =	vmul.f32 v4, v8;
	v8 =	vld [tilespmem:s0+$0x130]  }
0x1b0: {  	[tilespmem:s0+$0xD0] =	vst v5;
	v4 =	vmul.f32 v4, v9;
	v9 =	vld [tilespmem:s0+$0x140]  }
0x1b1: {  	[tilespmem:s0+$0xE0] =	vst v6;
	v5 =	vmul.f32 v2, v10;
	v12 =	vld [tilespmem:s0+$0x150]  }
.Ltmp2:
0x1b2: {  	[tilespmem:s0+$0xF0] =	vst v4;
	v6 =	vmul.f32 v2, v7;
	v4 =	vld [tilespmem:s0+$0x160];
	(pc) =	sbr.rel @p1 .LBB2_7-.Ltmp2, $4  }
0x1b3: {  	[tilespmem:s0+$0x100] =	vst v5;
	v7 =	vmul.f32 v2, v11;
	v5 =	vld [tilespmem:s0+$0x170]  }
0x1b4: {  	[tilespmem:s0+$0x110] =	vst v6;
	v8 =	vmul.f32 v2, v8;
	v6 =	vld [tilespmem:s0+$0x180]  }
0x1b5: {  	[tilespmem:s0+$0x120] =	vst v7;
	v10 =	vmul.f32 v2, v9;
	v7 =	vld [tilespmem:s0+$0x190]  }
0x1b6: {  	v3 =	vadd.s32 $0x8, v3;
	[tilespmem:s0+$0x130] =	vst v8;
	v9 =	vmul.f32 v2, v12;
	v8 =	vld [tilespmem:s0+$0x1A0]  }
0x1b7: {  	[tilespmem:s0+$0x140] =	vst v10;
	v3 =	vld [tilespmem:s0+$0x1B0];
	v4 =	vmul.f32 v2, v4  }
0x1b8: {  	[tilespmem:s0+$0x150] =	vst v9;
	v9 =	vld [tilespmem:s0+$0x1C0];
	v2 =	vmul.f32 v2, v5  }
0x1b9: {  	v5 =	vld [tilespmem:s0+$0x1D0];
	v6 =	vmul.f32 v1, v6;
	[tilespmem:s0+$0x160] =	vst v4  }
0x1ba: {  	v4 =	vmul.f32 v1, v7;
	v7 =	vld [tilespmem:s0+$0x1E0];
	[tilespmem:s8+$0x170] =	vst v2  }
0x1bb: {  	v2 =	vmul.f32 v1, v8;
	[tilespmem:s8+$0x180] =	vst v6  }
0x1bc: {  	v3 =	vmul.f32 v1, v3;
	[tilespmem:s8+$0x190] =	vst v4  }
0x1bd: {  	v4 =	vmul.f32 v1, v9;
	[tilespmem:s8+$0x1A0] =	vst v2  }
0x1be: {  	v2 =	vmul.f32 v1, v5;
	[tilespmem:s8+$0x1B0] =	vst v3  }
0x1bf: {  	v1 =	vmul.f32 v1, v7;
	[tilespmem:s8+$0x1C0] =	vst v4  }
0x1c0: {  	[tilespmem:s8+$0x1D0] =	vst v2  }
0x1c1: {  	s22 =	simm.s32 $0x1C280;
	[tilespmem:s8+$0x1E0] =	vst v1  }
0x1c2: {  	[spmem:s4] =	stream.indirect.scatter.add.f32 [tilespmem:s20], [sflag:$0x4], $0x80, s22, s14, $0xb8;
	[tilespmem:$0x1C600] =	vst v63  }
0x1c3: {  	s0 =	sadd.s32 @!p0 s2, s24;
	_ =	swait.ge [sflag:s17], $0x4000  }
0x1c4: {  	s9 =	simm.s32 @!p0 $0x0;
	s0 =	sshrl.u32 @!p0 s0, $0x3;
	[sflag:s17] =	ssyncset.done $0x0  }
0x1c5: {  	s8 =	sadd.s32 @!p0 s6, s0;
	s22 =	simm.s32 @!p0 $0x1C080;
	[sflag:s17] =	ssyncadd.s32 $0xFFFFC000  }
0x1c6: {  	[tilespmem:s22], [sflag:$0x6] =	stream.linear.gather @!p0 [hbm4b:s8+s9], $0x80, $0x38;
	[tilespmem:$0x1C600] =	vst v63  }
0x1c7: {  	s8 =	sadd.s32 @!p0 s3, s0;
	s22 =	simm.s32 @!p0 $0x1C280  }
0x1c8: {  	[tilespmem:s22], [sflag:$0x6] =	stream.linear.gather @!p0 [hbm4b:s8+s9], $0x80, $0x38;
	[tilespmem:$0x1C600] =	vst v63  }
0x1c9: {  	s0 =	sadd.s32 @!p0 s7, s0;
	s8 =	simm.s32 @!p0 $0x1C480  }
0x1ca: {  	[tilespmem:s8], [sflag:$0x6] =	stream.linear.gather @!p0 [hbm4b:s0+s9], $0x80, $0x38;
	[tilespmem:$0x1C600] =	vst v63  }
0x1cb: {  	_ =	swait.ge [sflag:s13], $0x80  }
0x1cc: {  	[sflag:s13] =	ssyncset.done $0x0  }
0x1cd: {  	[sflag:s13] =	ssyncadd.s32 $0xFFFFFF80  }
0x1ce: {  	_ =	swait.ge [sflag:s13], $0x80  }
0x1cf: {  	[sflag:s13] =	ssyncset.done $0x0  }
0x1d0: {  	[sflag:s13] =	ssyncadd.s32 $0xFFFFFF80  }
0x1d1: {  	_ =	swait.ge [sflag:s13], $0x80  }
0x1d2: {  	[sflag:s13] =	ssyncset.done $0x0  }
0x1d3: {  	v3 =	vimm.s32 $0x0;
	[sflag:s13] =	ssyncadd.s32 $0xFFFFFF80  }
0x1d4: {  	v1 =	vor.u32 $0x7, v3;
	[tilespmem:s20], [sflag:$0x2] =	stream.indirect.gather [hbm4b:s1+s14], $0x80, s15, s14, $0xb8;
	[tilespmem:$0x1C600] =	vst v63  }
0x1d5: {  	_ =	swait.ge [sflag:s21], $0x4000  }
0x1d6: {  	[sflag:s21] =	ssyncset.done $0x0  }
0x1d7: {  	[sflag:s21] =	ssyncadd.s32 $0xFFFFC000  }
0x1d8: {  	v2 =	vld.idx.msk [tilespmem:v3+s10+$0x0], $0xffff  }
0x1d9: {  	s0 =	simm.s32 $0x14200;
	v1 =	vld.idx.msk [tilespmem:v1+s10+$0x0], $0xffff  }
0x1da: {  	v4 =	vld [tilespmem:s0+$0x1F0]  }
0x1db: {  	v5 =	vld [tilespmem:s0+$0xFFFFFE00]  }
0x1dc: {  	v6 =	vld [tilespmem:s0+$0xFFFFFE10]  }
0x1dd: {  	v7 =	vor.u32 $0x1, v3;
	v8 =	vld [tilespmem:s0+$0xFFFFFE20]  }
0x1de: {  	v9 =	vld [tilespmem:s0+$0xFFFFFE30]  }
0x1df: {  	v10 =	vld [tilespmem:s0+$0xFFFFFE40]  }
0x1e0: {  	v11 =	vld [tilespmem:s0+$0xFFFFFE50]  }
0x1e1: {  	v12 =	vld [tilespmem:s0+$0xFFFFFE60]  }
0x1e2: {  	v7 =	vld.idx.msk [tilespmem:v7+s10+$0x0], $0xffff  }
0x1e3: {  	v13 =	vld [tilespmem:s0+$0xFFFFFE80]  }
0x1e4: {  	v14 =	vld [tilespmem:s0+$0xFFFFFE90]  }
0x1e5: {  	v17 =	vld [tilespmem:s0+$0xFFFFFEB0];
	v5 =	vmul.f32 v2, v5  }
0x1e6: {  	v16 =	vld [tilespmem:s0+$0xFFFFFEA0];
	v4 =	vmul.f32 v1, v4  }
0x1e7: {  	v18 =	vld [tilespmem:s0+$0xFFFFFEC0];
	v6 =	vmul.f32 v2, v6;
	[tilespmem:s0+$0xFFFFFE00] =	vst v5  }
0x1e8: {  	v48 =	vld [tilespmem:s0+$0xFFFFFED0];
	v8 =	vmul.f32 v2, v8;
	[tilespmem:s0+$0x1F0] =	vst v4  }
0x1e9: {  	v49 =	vld [tilespmem:s0+$0xFFFFFF10];
	v9 =	vmul.f32 v2, v9;
	[tilespmem:s0+$0xFFFFFE10] =	vst v6  }
0x1ea: {  	v15 =	vor.u32 $0x2, v3;
	v50 =	vld [tilespmem:s0+$0xFFFFFF30];
	v52 =	vmul.f32 v7, v17;
	[tilespmem:s0+$0xFFFFFE20] =	vst v8  }
0x1eb: {  	v51 =	vld [tilespmem:s0+$0xFFFFFF40];
	v4 =	vmul.f32 v7, v13;
	[tilespmem:s0+$0xFFFFFE30] =	vst v9  }
0x1ec: {  	v5 =	vld [tilespmem:s0+$0xFFFFFE70];
	v8 =	vmul.f32 v2, v10;
	[tilespmem:s0+$0xFFFFFEB0] =	vst v52  }
0x1ed: {  	v6 =	vld [tilespmem:s0+$0xFFFFFEE0];
	v9 =	vmul.f32 v2, v11;
	[tilespmem:s0+$0xFFFFFE80] =	vst v4  }
0x1ee: {  	v11 =	vld [tilespmem:s0+$0xFFFFFF00];
	[tilespmem:s0+$0xFFFFFE40] =	vst v8;
	v8 =	vmul.f32 v2, v12  }
0x1ef: {  	v13 =	vmul.f32 v7, v48;
	v4 =	vld.idx.msk [tilespmem:v15+s10+$0x0], $0xffff;
	[tilespmem:s0+$0xFFFFFE50] =	vst v9  }
0x1f0: {  	v53 =	vld [tilespmem:s0+$0xFFFFFF70];
	[tilespmem:s0+$0xFFFFFE60] =	vst v8;
	v8 =	vmul.f32 v7, v14  }
0x1f1: {  	v55 =	vld [tilespmem:s0+$0xFFFFFFA0];
	[tilespmem:s0+$0xFFFFFED0] =	vst v13;
	v2 =	vmul.f32 v2, v5  }
0x1f2: {  	v56 =	vld [tilespmem:s0+$0xFFFFFFC0];
	v9 =	vor.u32 $0x3, v3;
	v6 =	vmul.f32 v7, v6;
	[tilespmem:s0+$0xFFFFFE90] =	vst v8  }
0x1f3: {  	v10 =	vld [tilespmem:s0+$0xFFFFFEF0];
	[tilespmem:s0+$0xFFFFFE70] =	vst v2;
	v2 =	vmul.f32 v7, v16  }
0x1f4: {  	v5 =	vld [tilespmem:s0+$0xFFFFFF20];
	v8 =	vmul.f32 v4, v11;
	[tilespmem:s0+$0xFFFFFEE0] =	vst v6  }
0x1f5: {  	v11 =	vld [tilespmem:s0+$0xFFFFFF50];
	v6 =	vmul.f32 v4, v49;
	[tilespmem:s0+$0xFFFFFEA0] =	vst v2  }
0x1f6: {  	v15 =	vmul.f32 v4, v51;
	v2 =	vld [tilespmem:s0+$0xFFFFFF60];
	[tilespmem:s0+$0xFFFFFF00] =	vst v8  }
0x1f7: {  	v8 =	vld.idx.msk [tilespmem:v9+s10+$0x0], $0xffff;
	v9 =	vmul.f32 v7, v18;
	[tilespmem:s0+$0xFFFFFF10] =	vst v6  }
0x1f8: {  	v58 =	vld [tilespmem:s0+$0x20];
	v7 =	vmul.f32 v7, v10;
	[tilespmem:s0+$0xFFFFFF40] =	vst v15  }
0x1f9: {  	v54 =	vor.u32 $0x4, v3;
	v6 =	vmul.f32 v4, v50;
	[tilespmem:s0+$0xFFFFFEC0] =	vst v9;
	v9 =	vld [tilespmem:s0+$0xFFFFFF80]  }
0x1fa: {  	v10 =	vld [tilespmem:s0+$0xFFFFFF90];
	v5 =	vmul.f32 v4, v5;
	[tilespmem:s0+$0xFFFFFEF0] =	vst v7  }
0x1fb: {  	v59 =	vld [tilespmem:s0+$0x40];
	[tilespmem:s0+$0xFFFFFF30] =	vst v6;
	v11 =	vmul.f32 v4, v11  }
0x1fc: {  	v6 =	vld [tilespmem:s0+$0xFFFFFFE0];
	[tilespmem:s0+$0xFFFFFF20] =	vst v5;
	v2 =	vmul.f32 v4, v2  }
0x1fd: {  	v7 =	vld [tilespmem:s0+$0xFFFFFFB0];
	[tilespmem:s0+$0xFFFFFF50] =	vst v11;
	v4 =	vmul.f32 v4, v53  }
0x1fe: {  	v13 =	vld.idx.msk [tilespmem:v54+s10+$0x0], $0xffff;
	v5 =	vmul.f32 v8, v9;
	[tilespmem:s0+$0xFFFFFF60] =	vst v2  }
0x1ff: {  	v11 =	vld [tilespmem:s0+$0x0];
	v2 =	vmul.f32 v8, v10;
	[tilespmem:s0+$0xFFFFFF70] =	vst v4  }
0x200: {  	v9 =	vld [tilespmem:s0+$0xFFFFFFD0];
	v4 =	vmul.f32 v8, v55;
	[tilespmem:s0+$0xFFFFFF80] =	vst v5  }
0x201: {  	v10 =	vld [tilespmem:s0+$0x10];
	v6 =	vmul.f32 v8, v6;
	[tilespmem:s0+$0xFFFFFF90] =	vst v2  }
0x202: {  	v57 =	vor.u32 $0x5, v3;
	v5 =	vld [tilespmem:s0+$0xFFFFFFF0];
	v2 =	vmul.f32 v8, v7;
	[tilespmem:s0+$0xFFFFFFA0] =	vst v4  }
0x203: {  	v7 =	vld [tilespmem:s0+$0x30];
	v4 =	vmul.f32 v8, v56;
	[tilespmem:s0+$0xFFFFFFE0] =	vst v6  }
0x204: {  	v60 =	vld [tilespmem:s0+$0xB0];
	[tilespmem:s0+$0xFFFFFFB0] =	vst v2;
	v2 =	vmul.f32 v13, v11  }
0x205: {  	v11 =	vld [tilespmem:s0+$0x50];
	[tilespmem:s0+$0xFFFFFFC0] =	vst v4;
	v9 =	vmul.f32 v8, v9  }
0x206: {  	v4 =	vld [tilespmem:s0+$0x60];
	v6 =	vmul.f32 v13, v10;
	[tilespmem:s0+$0x0] =	vst v2  }
0x207: {  	v15 =	vld.idx.msk [tilespmem:v57+s10+$0x0], $0xffff;
	[tilespmem:s0+$0xFFFFFFD0] =	vst v9;
	v2 =	vmul.f32 v8, v5  }
0x208: {  	v8 =	vld [tilespmem:s0+$0x80];
	[tilespmem:s0+$0x10] =	vst v6;
	v6 =	vmul.f32 v13, v7  }
0x209: {  	v5 =	vld [tilespmem:s0+$0x70];
	[tilespmem:s0+$0xFFFFFFF0] =	vst v2;
	v2 =	vmul.f32 v13, v58  }
0x20a: {  	v10 =	vor.u32 $0x6, v3;
	v9 =	vld [tilespmem:s0+$0x90];
	[tilespmem:s0+$0x30] =	vst v6;
	v6 =	vmul.f32 v13, v11  }
0x20b: {  	v7 =	vld [tilespmem:s0+$0xA0];
	v4 =	vmul.f32 v13, v4;
	[tilespmem:s0+$0x20] =	vst v2  }
0x20c: {  	v61 =	vld [tilespmem:s0+$0xD0];
	v2 =	vmul.f32 v13, v59;
	[tilespmem:s0+$0x50] =	vst v6  }
0x20d: {  	v11 =	vld [tilespmem:s0+$0xC0];
	[tilespmem:s0+$0x60] =	vst v4;
	v8 =	vmul.f32 v15, v8  }
0x20e: {  	v6 =	vld [tilespmem:s0+$0xE0];
	v5 =	vmul.f32 v13, v5;
	[tilespmem:s0+$0x40] =	vst v2  }
0x20f: {  	v4 =	vmul.f32 v15, v9;
	v2 =	vld.idx.msk [tilespmem:v10+s10+$0x0], $0xffff;
	[tilespmem:s0+$0x80] =	vst v8  }
0x210: {  	[tilespmem:s0+$0x70] =	vst v5;
	v5 =	vmul.f32 v15, v7;
	v7 =	vld [tilespmem:s0+$0x100]  }
0x211: {  	v8 =	vld [tilespmem:s0+$0xF0];
	[tilespmem:s0+$0x90] =	vst v4;
	v4 =	vmul.f32 v15, v60  }
0x212: {  	v9 =	vld [tilespmem:s0+$0x110];
	[tilespmem:s0+$0xA0] =	vst v5;
	v5 =	vmul.f32 v15, v11  }
0x213: {  	v10 =	vld [tilespmem:s0+$0x120];
	[tilespmem:s0+$0xB0] =	vst v4;
	v4 =	vmul.f32 v15, v61  }
0x214: {  	v11 =	vld [tilespmem:s0+$0x130];
	[tilespmem:s0+$0xC0] =	vst v5;
	v5 =	vmul.f32 v15, v6  }
0x215: {  	v62 =	vld [tilespmem:s0+$0x140];
	[tilespmem:s0+$0xD0] =	vst v4;
	v6 =	vmul.f32 v2, v7  }
0x216: {  	v63 =	vld [tilespmem:s0+$0x150];
	v7 =	vmul.f32 v15, v8;
	[tilespmem:s0+$0xE0] =	vst v5  }
0x217: {  	v4 =	vld [tilespmem:s0+$0x160];
	v8 =	vmul.f32 v2, v9;
	[tilespmem:s0+$0x100] =	vst v6  }
0x218: {  	v5 =	vld [tilespmem:s0+$0x170];
	[tilespmem:s0+$0xF0] =	vst v7;
	v7 =	vmul.f32 v2, v10  }
0x219: {  	[tilespmem:s0+$0x110] =	vst v8;
	v8 =	vmul.f32 v2, v11;
	v6 =	vld [tilespmem:s0+$0x180]  }
0x21a: {  	v10 =	vmul.f32 v2, v62;
	[tilespmem:s0+$0x120] =	vst v7;
	v7 =	vld [tilespmem:s0+$0x190]  }
0x21b: {  	s9 =	simm.s32 $0x0;
	s8 =	simm.s32 $0x14200;
	v3 =	vadd.s32 $0x8, v3;
	v9 =	vmul.f32 v2, v63;
	[tilespmem:s0+$0x130] =	vst v8;
	v8 =	vld [tilespmem:s0+$0x1A0]  }
.LBB2_9:
0x21c: {  	v11 =	vor.u32 $0x1, v3;
	v12 =	vor.u32 $0x2, v3;
	v13 =	vor.u32 $0x7, v3;
	s9 =	sadd.s32 $0x8, s9;
	[tilespmem:s0+$0x140] =	vst v10;
	v10 =	vld [tilespmem:s0+$0x1B0]  }
0x21d: {  	v14 =	vor.u32 $0x3, v3;
	v15 =	vor.u32 $0x4, v3;
	v16 =	vor.u32 $0x5, v3;
	p1 =	slt.u32 s9, $0x78;
	[tilespmem:s0+$0x150] =	vst v9;
	v9 =	vld [tilespmem:s0+$0x1C0]  }
0x21e: {  	v17 =	vor.u32 $0x6, v3;
	v4 =	vmul.f32 v2, v4;
	v2 =	vmul.f32 v2, v5;
	v5 =	vld [tilespmem:s0+$0x1D0]  }
0x21f: {  	v6 =	vmul.f32 v1, v6;
	v7 =	vmul.f32 v1, v7;
	v18 =	vld [tilespmem:s0+$0x1E0]  }
0x220: {  	v19 =	vld.idx.msk [tilespmem:v3+s10+$0x0], $0xffff;
	[tilespmem:s0+$0x160] =	vst v4;
	v4 =	vmul.f32 v1, v8  }
0x221: {  	s0 =	sadd.s32 $0x400, s0;
	v8 =	vld.idx.msk [tilespmem:v13+s10+$0x0], $0xffff;
	[tilespmem:s8+$0x170] =	vst v2;
	v2 =	vmul.f32 v1, v10  }
0x222: {  	v10 =	vld [tilespmem:s0+$0x1F0];
	[tilespmem:s8+$0x180] =	vst v6;
	v9 =	vmul.f32 v1, v9  }
0x223: {  	v11 =	vld.idx.msk [tilespmem:v11+s10+$0x0], $0xffff;
	[tilespmem:s8+$0x190] =	vst v7;
	v7 =	vmul.f32 v1, v5  }
0x224: {  	v12 =	vld.idx.msk [tilespmem:v12+s10+$0x0], $0xffff;
	[tilespmem:s8+$0x1A0] =	vst v4;
	v13 =	vmul.f32 v1, v18  }
0x225: {  	v6 =	vld.idx.msk [tilespmem:v14+s10+$0x0], $0xffff;
	[tilespmem:s8+$0x1B0] =	vst v2  }
0x226: {  	v5 =	vld.idx.msk [tilespmem:v15+s10+$0x0], $0xffff;
	[tilespmem:s8+$0x1C0] =	vst v9  }
0x227: {  	v1 =	vmov v8;
	v4 =	vld.idx.msk [tilespmem:v16+s10+$0x0], $0xffff;
	v9 =	vmul.f32 v8, v10;
	[tilespmem:s8+$0x1D0] =	vst v7  }
0x228: {  	v2 =	vld.idx.msk [tilespmem:v17+s10+$0x0], $0xffff;
	[tilespmem:s8+$0x1E0] =	vst v13;
	s8 =	smov.u32 s0  }
0x229: {  	v7 =	vld [tilespmem:s0+$0xFFFFFE00];
	[tilespmem:s0+$0x1F0] =	vst v9  }
0x22a: {  	v8 =	vld [tilespmem:s0+$0xFFFFFE10]  }
0x22b: {  	v9 =	vld [tilespmem:s0+$0xFFFFFE20]  }
0x22c: {  	v10 =	vld [tilespmem:s0+$0xFFFFFE30]  }
0x22d: {  	v13 =	vld [tilespmem:s0+$0xFFFFFE40]  }
0x22e: {  	v7 =	vmul.f32 v19, v7;
	v14 =	vld [tilespmem:s0+$0xFFFFFE50]  }
0x22f: {  	v8 =	vmul.f32 v19, v8;
	v15 =	vld [tilespmem:s0+$0xFFFFFE60]  }
0x230: {  	[tilespmem:s0+$0xFFFFFE00] =	vst v7;
	v7 =	vmul.f32 v19, v9;
	v9 =	vld [tilespmem:s0+$0xFFFFFE70]  }
0x231: {  	[tilespmem:s0+$0xFFFFFE10] =	vst v8;
	v8 =	vmul.f32 v19, v10;
	v10 =	vld [tilespmem:s0+$0xFFFFFE80]  }
0x232: {  	[tilespmem:s0+$0xFFFFFE20] =	vst v7;
	v7 =	vmul.f32 v19, v13;
	v13 =	vld [tilespmem:s0+$0xFFFFFE90]  }
0x233: {  	[tilespmem:s0+$0xFFFFFE30] =	vst v8;
	v8 =	vmul.f32 v19, v14;
	v14 =	vld [tilespmem:s0+$0xFFFFFEA0]  }
0x234: {  	[tilespmem:s0+$0xFFFFFE40] =	vst v7;
	v7 =	vmul.f32 v19, v15;
	v15 =	vld [tilespmem:s0+$0xFFFFFEB0]  }
0x235: {  	[tilespmem:s0+$0xFFFFFE50] =	vst v8;
	v8 =	vmul.f32 v19, v9;
	v9 =	vld [tilespmem:s0+$0xFFFFFEC0]  }
0x236: {  	[tilespmem:s0+$0xFFFFFE60] =	vst v7;
	v7 =	vmul.f32 v11, v10;
	v10 =	vld [tilespmem:s0+$0xFFFFFED0]  }
0x237: {  	[tilespmem:s0+$0xFFFFFE70] =	vst v8;
	v8 =	vmul.f32 v11, v13;
	v13 =	vld [tilespmem:s0+$0xFFFFFEE0]  }
0x238: {  	[tilespmem:s0+$0xFFFFFE80] =	vst v7;
	v7 =	vmul.f32 v11, v14;
	v14 =	vld [tilespmem:s0+$0xFFFFFEF0]  }
0x239: {  	[tilespmem:s0+$0xFFFFFE90] =	vst v8;
	v8 =	vmul.f32 v11, v15;
	v15 =	vld [tilespmem:s0+$0xFFFFFF00]  }
0x23a: {  	[tilespmem:s0+$0xFFFFFEA0] =	vst v7;
	v7 =	vmul.f32 v11, v9;
	v9 =	vld [tilespmem:s0+$0xFFFFFF10]  }
0x23b: {  	[tilespmem:s0+$0xFFFFFEB0] =	vst v8;
	v8 =	vmul.f32 v11, v10;
	v10 =	vld [tilespmem:s0+$0xFFFFFF20]  }
0x23c: {  	[tilespmem:s0+$0xFFFFFEC0] =	vst v7;
	v7 =	vmul.f32 v11, v13;
	v13 =	vld [tilespmem:s0+$0xFFFFFF30]  }
0x23d: {  	[tilespmem:s0+$0xFFFFFED0] =	vst v8;
	v8 =	vmul.f32 v11, v14;
	v11 =	vld [tilespmem:s0+$0xFFFFFF40]  }
0x23e: {  	[tilespmem:s0+$0xFFFFFEE0] =	vst v7;
	v7 =	vmul.f32 v12, v15;
	v14 =	vld [tilespmem:s0+$0xFFFFFF50]  }
0x23f: {  	[tilespmem:s0+$0xFFFFFEF0] =	vst v8;
	v8 =	vmul.f32 v12, v9;
	v9 =	vld [tilespmem:s0+$0xFFFFFF60]  }
0x240: {  	[tilespmem:s0+$0xFFFFFF00] =	vst v7;
	v7 =	vmul.f32 v12, v10;
	v10 =	vld [tilespmem:s0+$0xFFFFFF70]  }
0x241: {  	[tilespmem:s0+$0xFFFFFF10] =	vst v8;
	v8 =	vmul.f32 v12, v13;
	v13 =	vld [tilespmem:s0+$0xFFFFFF80]  }
0x242: {  	[tilespmem:s0+$0xFFFFFF20] =	vst v7;
	v7 =	vmul.f32 v12, v11;
	v11 =	vld [tilespmem:s0+$0xFFFFFF90]  }
0x243: {  	[tilespmem:s0+$0xFFFFFF30] =	vst v8;
	v8 =	vmul.f32 v12, v14;
	v14 =	vld [tilespmem:s0+$0xFFFFFFA0]  }
0x244: {  	[tilespmem:s0+$0xFFFFFF40] =	vst v7;
	v7 =	vmul.f32 v12, v9;
	v9 =	vld [tilespmem:s0+$0xFFFFFFB0]  }
0x245: {  	[tilespmem:s0+$0xFFFFFF50] =	vst v8;
	v8 =	vmul.f32 v12, v10;
	v10 =	vld [tilespmem:s0+$0xFFFFFFC0]  }
0x246: {  	[tilespmem:s0+$0xFFFFFF60] =	vst v7;
	v7 =	vmul.f32 v6, v13;
	v12 =	vld [tilespmem:s0+$0xFFFFFFD0]  }
0x247: {  	[tilespmem:s0+$0xFFFFFF70] =	vst v8;
	v8 =	vmul.f32 v6, v11;
	v11 =	vld [tilespmem:s0+$0xFFFFFFE0]  }
0x248: {  	[tilespmem:s0+$0xFFFFFF80] =	vst v7;
	v7 =	vmul.f32 v6, v14;
	v13 =	vld [tilespmem:s0+$0xFFFFFFF0]  }
0x249: {  	[tilespmem:s0+$0xFFFFFF90] =	vst v8;
	v8 =	vmul.f32 v6, v9;
	v9 =	vld [tilespmem:s0+$0x0]  }
0x24a: {  	[tilespmem:s0+$0xFFFFFFA0] =	vst v7;
	v7 =	vmul.f32 v6, v10;
	v10 =	vld [tilespmem:s0+$0x10]  }
0x24b: {  	[tilespmem:s0+$0xFFFFFFB0] =	vst v8;
	v8 =	vmul.f32 v6, v12;
	v12 =	vld [tilespmem:s0+$0x20]  }
0x24c: {  	[tilespmem:s0+$0xFFFFFFC0] =	vst v7;
	v7 =	vmul.f32 v6, v11;
	v11 =	vld [tilespmem:s0+$0x30]  }
0x24d: {  	[tilespmem:s0+$0xFFFFFFD0] =	vst v8;
	v6 =	vmul.f32 v6, v13;
	v8 =	vld [tilespmem:s0+$0x40]  }
0x24e: {  	[tilespmem:s0+$0xFFFFFFE0] =	vst v7;
	v7 =	vmul.f32 v5, v9;
	v9 =	vld [tilespmem:s0+$0x50]  }
0x24f: {  	[tilespmem:s0+$0xFFFFFFF0] =	vst v6;
	v6 =	vmul.f32 v5, v10;
	v10 =	vld [tilespmem:s0+$0x60]  }
0x250: {  	[tilespmem:s0+$0x0] =	vst v7;
	v7 =	vmul.f32 v5, v12;
	v12 =	vld [tilespmem:s0+$0x70]  }
0x251: {  	[tilespmem:s0+$0x10] =	vst v6;
	v6 =	vmul.f32 v5, v11;
	v11 =	vld [tilespmem:s0+$0x80]  }
0x252: {  	[tilespmem:s0+$0x20] =	vst v7;
	v7 =	vmul.f32 v5, v8;
	v8 =	vld [tilespmem:s0+$0x90]  }
0x253: {  	[tilespmem:s0+$0x30] =	vst v6;
	v6 =	vmul.f32 v5, v9;
	v9 =	vld [tilespmem:s0+$0xA0]  }
0x254: {  	[tilespmem:s0+$0x40] =	vst v7;
	v7 =	vmul.f32 v5, v10;
	v10 =	vld [tilespmem:s0+$0xB0]  }
0x255: {  	[tilespmem:s0+$0x50] =	vst v6;
	v5 =	vmul.f32 v5, v12;
	v6 =	vld [tilespmem:s0+$0xC0]  }
0x256: {  	[tilespmem:s0+$0x60] =	vst v7;
	v7 =	vmul.f32 v4, v11;
	v11 =	vld [tilespmem:s0+$0xD0]  }
0x257: {  	[tilespmem:s0+$0x70] =	vst v5;
	v5 =	vmul.f32 v4, v8;
	v8 =	vld [tilespmem:s0+$0xE0]  }
0x258: {  	[tilespmem:s0+$0x80] =	vst v7;
	v7 =	vmul.f32 v4, v9;
	v9 =	vld [tilespmem:s0+$0xF0]  }
0x259: {  	[tilespmem:s0+$0x90] =	vst v5;
	v5 =	vmul.f32 v4, v10;
	v10 =	vld [tilespmem:s0+$0x100]  }
0x25a: {  	[tilespmem:s0+$0xA0] =	vst v7;
	v6 =	vmul.f32 v4, v6;
	v7 =	vld [tilespmem:s0+$0x110]  }
0x25b: {  	[tilespmem:s0+$0xB0] =	vst v5;
	v5 =	vmul.f32 v4, v11;
	v11 =	vld [tilespmem:s0+$0x120]  }
0x25c: {  	[tilespmem:s0+$0xC0] =	vst v6;
	v6 =	vmul.f32 v4, v8;
	v8 =	vld [tilespmem:s0+$0x130]  }
0x25d: {  	[tilespmem:s0+$0xD0] =	vst v5;
	v4 =	vmul.f32 v4, v9;
	v9 =	vld [tilespmem:s0+$0x140]  }
0x25e: {  	[tilespmem:s0+$0xE0] =	vst v6;
	v5 =	vmul.f32 v2, v10;
	v12 =	vld [tilespmem:s0+$0x150]  }
.Ltmp3:
0x25f: {  	[tilespmem:s0+$0xF0] =	vst v4;
	v6 =	vmul.f32 v2, v7;
	v4 =	vld [tilespmem:s0+$0x160];
	(pc) =	sbr.rel @p1 .LBB2_9-.Ltmp3, $4  }
0x260: {  	[tilespmem:s0+$0x100] =	vst v5;
	v7 =	vmul.f32 v2, v11;
	v5 =	vld [tilespmem:s0+$0x170]  }
0x261: {  	[tilespmem:s0+$0x110] =	vst v6;
	v8 =	vmul.f32 v2, v8;
	v6 =	vld [tilespmem:s0+$0x180]  }
0x262: {  	[tilespmem:s0+$0x120] =	vst v7;
	v10 =	vmul.f32 v2, v9;
	v7 =	vld [tilespmem:s0+$0x190]  }
0x263: {  	v3 =	vadd.s32 $0x8, v3;
	[tilespmem:s0+$0x130] =	vst v8;
	v9 =	vmul.f32 v2, v12;
	v8 =	vld [tilespmem:s0+$0x1A0]  }
0x264: {  	[tilespmem:s0+$0x140] =	vst v10;
	v3 =	vld [tilespmem:s0+$0x1B0];
	v4 =	vmul.f32 v2, v4  }
0x265: {  	[tilespmem:s0+$0x150] =	vst v9;
	v9 =	vld [tilespmem:s0+$0x1C0];
	v2 =	vmul.f32 v2, v5  }
0x266: {  	v5 =	vld [tilespmem:s0+$0x1D0];
	v6 =	vmul.f32 v1, v6;
	[tilespmem:s0+$0x160] =	vst v4  }
0x267: {  	v4 =	vmul.f32 v1, v7;
	v7 =	vld [tilespmem:s0+$0x1E0];
	[tilespmem:s8+$0x170] =	vst v2  }
0x268: {  	v2 =	vmul.f32 v1, v8;
	[tilespmem:s8+$0x180] =	vst v6  }
0x269: {  	v3 =	vmul.f32 v1, v3;
	[tilespmem:s8+$0x190] =	vst v4  }
0x26a: {  	v4 =	vmul.f32 v1, v9;
	[tilespmem:s8+$0x1A0] =	vst v2  }
0x26b: {  	v2 =	vmul.f32 v1, v5;
	[tilespmem:s8+$0x1B0] =	vst v3  }
0x26c: {  	v1 =	vmul.f32 v1, v7;
	[tilespmem:s8+$0x1C0] =	vst v4  }
0x26d: {  	[tilespmem:s8+$0x1D0] =	vst v2  }
0x26e: {  	s22 =	simm.s32 $0x1C300;
	[tilespmem:s8+$0x1E0] =	vst v1  }
0x26f: {  	[spmem:s4] =	stream.indirect.scatter.add.f32 [tilespmem:s11], [sflag:$0x3], $0x80, s22, s14, $0xb8;
	[tilespmem:$0x1C600] =	vst v63  }
0x270: {  	s0 =	sadd.s32 @!p0 s2, s25;
	_ =	swait.ge [sflag:s12], $0x4000  }
0x271: {  	s9 =	simm.s32 @!p0 $0x1C100;
	s0 =	sshrl.u32 @!p0 s0, $0x3;
	[sflag:s12] =	ssyncset.done $0x0  }
0x272: {  	s2 =	sadd.s32 @!p0 s6, s0;
	s8 =	simm.s32 @!p0 $0x0;
	[sflag:s12] =	ssyncadd.s32 $0xFFFFC000  }
0x273: {  	[tilespmem:s9], [sflag:$0x7] =	stream.linear.gather @!p0 [hbm4b:s2+s8], $0x80, $0x38;
	[tilespmem:$0x1C600] =	vst v63  }
0x274: {  	s2 =	sadd.s32 @!p0 s3, s0;
	s9 =	simm.s32 @!p0 $0x1C300  }
0x275: {  	[tilespmem:s9], [sflag:$0x7] =	stream.linear.gather @!p0 [hbm4b:s2+s8], $0x80, $0x38;
	[tilespmem:$0x1C600] =	vst v63  }
0x276: {  	s0 =	sadd.s32 @!p0 s7, s0;
	s2 =	simm.s32 @!p0 $0x1C500  }
0x277: {  	[tilespmem:s2], [sflag:$0x7] =	stream.linear.gather @!p0 [hbm4b:s0+s8], $0x80, $0x38;
	[tilespmem:$0x1C600] =	vst v63  }
0x278: {  	s0 =	simm.s32 @!p0 $0x5  }
0x279: {  	_ =	swait.ge @!p0 [sflag:s0], $0x80  }
0x27a: {  	[sflag:s0] =	ssyncset.done @!p0 $0x0  }
0x27b: {  	[sflag:s0] =	ssyncadd.s32 @!p0 $0xFFFFFF80  }
0x27c: {  	_ =	swait.ge @!p0 [sflag:s0], $0x80  }
0x27d: {  	[sflag:s0] =	ssyncset.done @!p0 $0x0  }
0x27e: {  	[sflag:s0] =	ssyncadd.s32 @!p0 $0xFFFFFF80  }
0x27f: {  	_ =	swait.ge @!p0 [sflag:s0], $0x80  }
0x280: {  	s2 =	simm.s32 @!p0 $0x1C000;
	[sflag:s0] =	ssyncset.done @!p0 $0x0  }
0x281: {  	v3 =	vimm.s32 $0x0;
	s8 =	simm.s32 @!p0 $0x14000;
	[sflag:s0] =	ssyncadd.s32 @!p0 $0xFFFFFF80;
	s0 =	simm.s32 @!p0 $0x80  }
0x282: {  	v1 =	vor.u32 $0x7, v3;
	[tilespmem:s8], [sflag:$0x1] =	stream.indirect.gather @!p0 [hbm4b:s1+s0], $0x80, s2, s0, $0xb8;
	[tilespmem:$0x1C600] =	vst v63  }
0x283: {  	_ =	swait.ge [sflag:s28], $0x4000  }
0x284: {  	[sflag:s28] =	ssyncset.done $0x0  }
0x285: {  	[sflag:s28] =	ssyncadd.s32 $0xFFFFC000  }
0x286: {  	v2 =	vld.idx.msk [tilespmem:v3+s18+$0x0], $0xffff  }
0x287: {  	s0 =	simm.s32 $0x18200;
	v1 =	vld.idx.msk [tilespmem:v1+s18+$0x0], $0xffff  }
0x288: {  	v4 =	vld [tilespmem:s0+$0x1F0]  }
0x289: {  	v5 =	vld [tilespmem:s0+$0xFFFFFE00]  }
0x28a: {  	v6 =	vld [tilespmem:s0+$0xFFFFFE10]  }
0x28b: {  	v7 =	vor.u32 $0x1, v3;
	v8 =	vld [tilespmem:s0+$0xFFFFFE20]  }
0x28c: {  	v9 =	vld [tilespmem:s0+$0xFFFFFE30]  }
0x28d: {  	v10 =	vld [tilespmem:s0+$0xFFFFFE40]  }
0x28e: {  	v11 =	vld [tilespmem:s0+$0xFFFFFE50]  }
0x28f: {  	v12 =	vld [tilespmem:s0+$0xFFFFFE60]  }
0x290: {  	v7 =	vld.idx.msk [tilespmem:v7+s18+$0x0], $0xffff  }
0x291: {  	v13 =	vld [tilespmem:s0+$0xFFFFFE80]  }
0x292: {  	v14 =	vld [tilespmem:s0+$0xFFFFFE90]  }
0x293: {  	v17 =	vld [tilespmem:s0+$0xFFFFFEB0];
	v5 =	vmul.f32 v2, v5  }
0x294: {  	v16 =	vld [tilespmem:s0+$0xFFFFFEA0];
	v4 =	vmul.f32 v1, v4  }
0x295: {  	v18 =	vld [tilespmem:s0+$0xFFFFFEC0];
	v6 =	vmul.f32 v2, v6;
	[tilespmem:s0+$0xFFFFFE00] =	vst v5  }
0x296: {  	v48 =	vld [tilespmem:s0+$0xFFFFFED0];
	v8 =	vmul.f32 v2, v8;
	[tilespmem:s0+$0x1F0] =	vst v4  }
0x297: {  	v49 =	vld [tilespmem:s0+$0xFFFFFF10];
	v9 =	vmul.f32 v2, v9;
	[tilespmem:s0+$0xFFFFFE10] =	vst v6  }
0x298: {  	v15 =	vor.u32 $0x2, v3;
	v50 =	vld [tilespmem:s0+$0xFFFFFF30];
	v52 =	vmul.f32 v7, v17;
	[tilespmem:s0+$0xFFFFFE20] =	vst v8  }
0x299: {  	v51 =	vld [tilespmem:s0+$0xFFFFFF40];
	v4 =	vmul.f32 v7, v13;
	[tilespmem:s0+$0xFFFFFE30] =	vst v9  }
0x29a: {  	v5 =	vld [tilespmem:s0+$0xFFFFFE70];
	v8 =	vmul.f32 v2, v10;
	[tilespmem:s0+$0xFFFFFEB0] =	vst v52  }
0x29b: {  	v6 =	vld [tilespmem:s0+$0xFFFFFEE0];
	v9 =	vmul.f32 v2, v11;
	[tilespmem:s0+$0xFFFFFE80] =	vst v4  }
0x29c: {  	v11 =	vld [tilespmem:s0+$0xFFFFFF00];
	[tilespmem:s0+$0xFFFFFE40] =	vst v8;
	v8 =	vmul.f32 v2, v12  }
0x29d: {  	v13 =	vmul.f32 v7, v48;
	v4 =	vld.idx.msk [tilespmem:v15+s18+$0x0], $0xffff;
	[tilespmem:s0+$0xFFFFFE50] =	vst v9  }
0x29e: {  	v53 =	vld [tilespmem:s0+$0xFFFFFF70];
	[tilespmem:s0+$0xFFFFFE60] =	vst v8;
	v8 =	vmul.f32 v7, v14  }
0x29f: {  	v55 =	vld [tilespmem:s0+$0xFFFFFFA0];
	[tilespmem:s0+$0xFFFFFED0] =	vst v13;
	v2 =	vmul.f32 v2, v5  }
0x2a0: {  	v56 =	vld [tilespmem:s0+$0xFFFFFFC0];
	v9 =	vor.u32 $0x3, v3;
	v6 =	vmul.f32 v7, v6;
	[tilespmem:s0+$0xFFFFFE90] =	vst v8  }
0x2a1: {  	v10 =	vld [tilespmem:s0+$0xFFFFFEF0];
	[tilespmem:s0+$0xFFFFFE70] =	vst v2;
	v2 =	vmul.f32 v7, v16  }
0x2a2: {  	v5 =	vld [tilespmem:s0+$0xFFFFFF20];
	v8 =	vmul.f32 v4, v11;
	[tilespmem:s0+$0xFFFFFEE0] =	vst v6  }
0x2a3: {  	v11 =	vld [tilespmem:s0+$0xFFFFFF50];
	v6 =	vmul.f32 v4, v49;
	[tilespmem:s0+$0xFFFFFEA0] =	vst v2  }
0x2a4: {  	v15 =	vmul.f32 v4, v51;
	v2 =	vld [tilespmem:s0+$0xFFFFFF60];
	[tilespmem:s0+$0xFFFFFF00] =	vst v8  }
0x2a5: {  	v8 =	vld.idx.msk [tilespmem:v9+s18+$0x0], $0xffff;
	v9 =	vmul.f32 v7, v18;
	[tilespmem:s0+$0xFFFFFF10] =	vst v6  }
0x2a6: {  	v58 =	vld [tilespmem:s0+$0x20];
	v7 =	vmul.f32 v7, v10;
	[tilespmem:s0+$0xFFFFFF40] =	vst v15  }
0x2a7: {  	v54 =	vor.u32 $0x4, v3;
	v6 =	vmul.f32 v4, v50;
	[tilespmem:s0+$0xFFFFFEC0] =	vst v9;
	v9 =	vld [tilespmem:s0+$0xFFFFFF80]  }
0x2a8: {  	v10 =	vld [tilespmem:s0+$0xFFFFFF90];
	v5 =	vmul.f32 v4, v5;
	[tilespmem:s0+$0xFFFFFEF0] =	vst v7  }
0x2a9: {  	v59 =	vld [tilespmem:s0+$0x40];
	[tilespmem:s0+$0xFFFFFF30] =	vst v6;
	v11 =	vmul.f32 v4, v11  }
0x2aa: {  	v6 =	vld [tilespmem:s0+$0xFFFFFFE0];
	[tilespmem:s0+$0xFFFFFF20] =	vst v5;
	v2 =	vmul.f32 v4, v2  }
0x2ab: {  	v7 =	vld [tilespmem:s0+$0xFFFFFFB0];
	[tilespmem:s0+$0xFFFFFF50] =	vst v11;
	v4 =	vmul.f32 v4, v53  }
0x2ac: {  	v13 =	vld.idx.msk [tilespmem:v54+s18+$0x0], $0xffff;
	v5 =	vmul.f32 v8, v9;
	[tilespmem:s0+$0xFFFFFF60] =	vst v2  }
0x2ad: {  	v11 =	vld [tilespmem:s0+$0x0];
	v2 =	vmul.f32 v8, v10;
	[tilespmem:s0+$0xFFFFFF70] =	vst v4  }
0x2ae: {  	v9 =	vld [tilespmem:s0+$0xFFFFFFD0];
	v4 =	vmul.f32 v8, v55;
	[tilespmem:s0+$0xFFFFFF80] =	vst v5  }
0x2af: {  	v10 =	vld [tilespmem:s0+$0x10];
	v6 =	vmul.f32 v8, v6;
	[tilespmem:s0+$0xFFFFFF90] =	vst v2  }
0x2b0: {  	v57 =	vor.u32 $0x5, v3;
	v5 =	vld [tilespmem:s0+$0xFFFFFFF0];
	v2 =	vmul.f32 v8, v7;
	[tilespmem:s0+$0xFFFFFFA0] =	vst v4  }
0x2b1: {  	v7 =	vld [tilespmem:s0+$0x30];
	v4 =	vmul.f32 v8, v56;
	[tilespmem:s0+$0xFFFFFFE0] =	vst v6  }
0x2b2: {  	v60 =	vld [tilespmem:s0+$0xB0];
	[tilespmem:s0+$0xFFFFFFB0] =	vst v2;
	v2 =	vmul.f32 v13, v11  }
0x2b3: {  	v11 =	vld [tilespmem:s0+$0x50];
	[tilespmem:s0+$0xFFFFFFC0] =	vst v4;
	v9 =	vmul.f32 v8, v9  }
0x2b4: {  	v4 =	vld [tilespmem:s0+$0x60];
	v6 =	vmul.f32 v13, v10;
	[tilespmem:s0+$0x0] =	vst v2  }
0x2b5: {  	v15 =	vld.idx.msk [tilespmem:v57+s18+$0x0], $0xffff;
	[tilespmem:s0+$0xFFFFFFD0] =	vst v9;
	v2 =	vmul.f32 v8, v5  }
0x2b6: {  	v8 =	vld [tilespmem:s0+$0x80];
	[tilespmem:s0+$0x10] =	vst v6;
	v6 =	vmul.f32 v13, v7  }
0x2b7: {  	v5 =	vld [tilespmem:s0+$0x70];
	[tilespmem:s0+$0xFFFFFFF0] =	vst v2;
	v2 =	vmul.f32 v13, v58  }
0x2b8: {  	v10 =	vor.u32 $0x6, v3;
	v9 =	vld [tilespmem:s0+$0x90];
	[tilespmem:s0+$0x30] =	vst v6;
	v6 =	vmul.f32 v13, v11  }
0x2b9: {  	v7 =	vld [tilespmem:s0+$0xA0];
	v4 =	vmul.f32 v13, v4;
	[tilespmem:s0+$0x20] =	vst v2  }
0x2ba: {  	v61 =	vld [tilespmem:s0+$0xD0];
	v2 =	vmul.f32 v13, v59;
	[tilespmem:s0+$0x50] =	vst v6  }
0x2bb: {  	v11 =	vld [tilespmem:s0+$0xC0];
	[tilespmem:s0+$0x60] =	vst v4;
	v8 =	vmul.f32 v15, v8  }
0x2bc: {  	v6 =	vld [tilespmem:s0+$0xE0];
	v5 =	vmul.f32 v13, v5;
	[tilespmem:s0+$0x40] =	vst v2  }
0x2bd: {  	v4 =	vmul.f32 v15, v9;
	v2 =	vld.idx.msk [tilespmem:v10+s18+$0x0], $0xffff;
	[tilespmem:s0+$0x80] =	vst v8  }
0x2be: {  	[tilespmem:s0+$0x70] =	vst v5;
	v5 =	vmul.f32 v15, v7;
	v7 =	vld [tilespmem:s0+$0x100]  }
0x2bf: {  	v8 =	vld [tilespmem:s0+$0xF0];
	[tilespmem:s0+$0x90] =	vst v4;
	v4 =	vmul.f32 v15, v60  }
0x2c0: {  	v9 =	vld [tilespmem:s0+$0x110];
	[tilespmem:s0+$0xA0] =	vst v5;
	v5 =	vmul.f32 v15, v11  }
0x2c1: {  	v10 =	vld [tilespmem:s0+$0x120];
	[tilespmem:s0+$0xB0] =	vst v4;
	v4 =	vmul.f32 v15, v61  }
0x2c2: {  	v11 =	vld [tilespmem:s0+$0x130];
	[tilespmem:s0+$0xC0] =	vst v5;
	v5 =	vmul.f32 v15, v6  }
0x2c3: {  	v62 =	vld [tilespmem:s0+$0x140];
	[tilespmem:s0+$0xD0] =	vst v4;
	v6 =	vmul.f32 v2, v7  }
0x2c4: {  	v63 =	vld [tilespmem:s0+$0x150];
	v7 =	vmul.f32 v15, v8;
	[tilespmem:s0+$0xE0] =	vst v5  }
0x2c5: {  	v4 =	vld [tilespmem:s0+$0x160];
	v8 =	vmul.f32 v2, v9;
	[tilespmem:s0+$0x100] =	vst v6  }
0x2c6: {  	v5 =	vld [tilespmem:s0+$0x170];
	[tilespmem:s0+$0xF0] =	vst v7;
	v7 =	vmul.f32 v2, v10  }
0x2c7: {  	[tilespmem:s0+$0x110] =	vst v8;
	v8 =	vmul.f32 v2, v11;
	v6 =	vld [tilespmem:s0+$0x180]  }
0x2c8: {  	v10 =	vmul.f32 v2, v62;
	[tilespmem:s0+$0x120] =	vst v7;
	v7 =	vld [tilespmem:s0+$0x190]  }
0x2c9: {  	s8 =	simm.s32 $0x0;
	s2 =	simm.s32 $0x18200;
	v3 =	vadd.s32 $0x8, v3;
	v9 =	vmul.f32 v2, v63;
	[tilespmem:s0+$0x130] =	vst v8;
	v8 =	vld [tilespmem:s0+$0x1A0]  }
.LBB2_11:
0x2ca: {  	v11 =	vor.u32 $0x1, v3;
	v12 =	vor.u32 $0x2, v3;
	v13 =	vor.u32 $0x7, v3;
	s8 =	sadd.s32 $0x8, s8;
	[tilespmem:s0+$0x140] =	vst v10;
	v10 =	vld [tilespmem:s0+$0x1B0]  }
0x2cb: {  	v14 =	vor.u32 $0x3, v3;
	v15 =	vor.u32 $0x4, v3;
	v16 =	vor.u32 $0x5, v3;
	p0 =	slt.u32 s8, $0x78;
	[tilespmem:s0+$0x150] =	vst v9;
	v9 =	vld [tilespmem:s0+$0x1C0]  }
0x2cc: {  	v17 =	vor.u32 $0x6, v3;
	v4 =	vmul.f32 v2, v4;
	v2 =	vmul.f32 v2, v5;
	v5 =	vld [tilespmem:s0+$0x1D0]  }
0x2cd: {  	v6 =	vmul.f32 v1, v6;
	v7 =	vmul.f32 v1, v7;
	v18 =	vld [tilespmem:s0+$0x1E0]  }
0x2ce: {  	v19 =	vld.idx.msk [tilespmem:v3+s18+$0x0], $0xffff;
	[tilespmem:s0+$0x160] =	vst v4;
	v4 =	vmul.f32 v1, v8  }
0x2cf: {  	s0 =	sadd.s32 $0x400, s0;
	v8 =	vld.idx.msk [tilespmem:v13+s18+$0x0], $0xffff;
	[tilespmem:s2+$0x170] =	vst v2;
	v2 =	vmul.f32 v1, v10  }
0x2d0: {  	v10 =	vld [tilespmem:s0+$0x1F0];
	[tilespmem:s2+$0x180] =	vst v6;
	v9 =	vmul.f32 v1, v9  }
0x2d1: {  	v11 =	vld.idx.msk [tilespmem:v11+s18+$0x0], $0xffff;
	[tilespmem:s2+$0x190] =	vst v7;
	v7 =	vmul.f32 v1, v5  }
0x2d2: {  	v12 =	vld.idx.msk [tilespmem:v12+s18+$0x0], $0xffff;
	[tilespmem:s2+$0x1A0] =	vst v4;
	v13 =	vmul.f32 v1, v18  }
0x2d3: {  	v6 =	vld.idx.msk [tilespmem:v14+s18+$0x0], $0xffff;
	[tilespmem:s2+$0x1B0] =	vst v2  }
0x2d4: {  	v5 =	vld.idx.msk [tilespmem:v15+s18+$0x0], $0xffff;
	[tilespmem:s2+$0x1C0] =	vst v9  }
0x2d5: {  	v1 =	vmov v8;
	v4 =	vld.idx.msk [tilespmem:v16+s18+$0x0], $0xffff;
	v9 =	vmul.f32 v8, v10;
	[tilespmem:s2+$0x1D0] =	vst v7  }
0x2d6: {  	v2 =	vld.idx.msk [tilespmem:v17+s18+$0x0], $0xffff;
	[tilespmem:s2+$0x1E0] =	vst v13;
	s2 =	smov.u32 s0  }
0x2d7: {  	v7 =	vld [tilespmem:s0+$0xFFFFFE00];
	[tilespmem:s0+$0x1F0] =	vst v9  }
0x2d8: {  	v8 =	vld [tilespmem:s0+$0xFFFFFE10]  }
0x2d9: {  	v9 =	vld [tilespmem:s0+$0xFFFFFE20]  }
0x2da: {  	v10 =	vld [tilespmem:s0+$0xFFFFFE30]  }
0x2db: {  	v13 =	vld [tilespmem:s0+$0xFFFFFE40]  }
0x2dc: {  	v7 =	vmul.f32 v19, v7;
	v14 =	vld [tilespmem:s0+$0xFFFFFE50]  }
0x2dd: {  	v8 =	vmul.f32 v19, v8;
	v15 =	vld [tilespmem:s0+$0xFFFFFE60]  }
0x2de: {  	[tilespmem:s0+$0xFFFFFE00] =	vst v7;
	v7 =	vmul.f32 v19, v9;
	v9 =	vld [tilespmem:s0+$0xFFFFFE70]  }
0x2df: {  	[tilespmem:s0+$0xFFFFFE10] =	vst v8;
	v8 =	vmul.f32 v19, v10;
	v10 =	vld [tilespmem:s0+$0xFFFFFE80]  }
0x2e0: {  	[tilespmem:s0+$0xFFFFFE20] =	vst v7;
	v7 =	vmul.f32 v19, v13;
	v13 =	vld [tilespmem:s0+$0xFFFFFE90]  }
0x2e1: {  	[tilespmem:s0+$0xFFFFFE30] =	vst v8;
	v8 =	vmul.f32 v19, v14;
	v14 =	vld [tilespmem:s0+$0xFFFFFEA0]  }
0x2e2: {  	[tilespmem:s0+$0xFFFFFE40] =	vst v7;
	v7 =	vmul.f32 v19, v15;
	v15 =	vld [tilespmem:s0+$0xFFFFFEB0]  }
0x2e3: {  	[tilespmem:s0+$0xFFFFFE50] =	vst v8;
	v8 =	vmul.f32 v19, v9;
	v9 =	vld [tilespmem:s0+$0xFFFFFEC0]  }
0x2e4: {  	[tilespmem:s0+$0xFFFFFE60] =	vst v7;
	v7 =	vmul.f32 v11, v10;
	v10 =	vld [tilespmem:s0+$0xFFFFFED0]  }
0x2e5: {  	[tilespmem:s0+$0xFFFFFE70] =	vst v8;
	v8 =	vmul.f32 v11, v13;
	v13 =	vld [tilespmem:s0+$0xFFFFFEE0]  }
0x2e6: {  	[tilespmem:s0+$0xFFFFFE80] =	vst v7;
	v7 =	vmul.f32 v11, v14;
	v14 =	vld [tilespmem:s0+$0xFFFFFEF0]  }
0x2e7: {  	[tilespmem:s0+$0xFFFFFE90] =	vst v8;
	v8 =	vmul.f32 v11, v15;
	v15 =	vld [tilespmem:s0+$0xFFFFFF00]  }
0x2e8: {  	[tilespmem:s0+$0xFFFFFEA0] =	vst v7;
	v7 =	vmul.f32 v11, v9;
	v9 =	vld [tilespmem:s0+$0xFFFFFF10]  }
0x2e9: {  	[tilespmem:s0+$0xFFFFFEB0] =	vst v8;
	v8 =	vmul.f32 v11, v10;
	v10 =	vld [tilespmem:s0+$0xFFFFFF20]  }
0x2ea: {  	[tilespmem:s0+$0xFFFFFEC0] =	vst v7;
	v7 =	vmul.f32 v11, v13;
	v13 =	vld [tilespmem:s0+$0xFFFFFF30]  }
0x2eb: {  	[tilespmem:s0+$0xFFFFFED0] =	vst v8;
	v8 =	vmul.f32 v11, v14;
	v11 =	vld [tilespmem:s0+$0xFFFFFF40]  }
0x2ec: {  	[tilespmem:s0+$0xFFFFFEE0] =	vst v7;
	v7 =	vmul.f32 v12, v15;
	v14 =	vld [tilespmem:s0+$0xFFFFFF50]  }
0x2ed: {  	[tilespmem:s0+$0xFFFFFEF0] =	vst v8;
	v8 =	vmul.f32 v12, v9;
	v9 =	vld [tilespmem:s0+$0xFFFFFF60]  }
0x2ee: {  	[tilespmem:s0+$0xFFFFFF00] =	vst v7;
	v7 =	vmul.f32 v12, v10;
	v10 =	vld [tilespmem:s0+$0xFFFFFF70]  }
0x2ef: {  	[tilespmem:s0+$0xFFFFFF10] =	vst v8;
	v8 =	vmul.f32 v12, v13;
	v13 =	vld [tilespmem:s0+$0xFFFFFF80]  }
0x2f0: {  	[tilespmem:s0+$0xFFFFFF20] =	vst v7;
	v7 =	vmul.f32 v12, v11;
	v11 =	vld [tilespmem:s0+$0xFFFFFF90]  }
0x2f1: {  	[tilespmem:s0+$0xFFFFFF30] =	vst v8;
	v8 =	vmul.f32 v12, v14;
	v14 =	vld [tilespmem:s0+$0xFFFFFFA0]  }
0x2f2: {  	[tilespmem:s0+$0xFFFFFF40] =	vst v7;
	v7 =	vmul.f32 v12, v9;
	v9 =	vld [tilespmem:s0+$0xFFFFFFB0]  }
0x2f3: {  	[tilespmem:s0+$0xFFFFFF50] =	vst v8;
	v8 =	vmul.f32 v12, v10;
	v10 =	vld [tilespmem:s0+$0xFFFFFFC0]  }
0x2f4: {  	[tilespmem:s0+$0xFFFFFF60] =	vst v7;
	v7 =	vmul.f32 v6, v13;
	v12 =	vld [tilespmem:s0+$0xFFFFFFD0]  }
0x2f5: {  	[tilespmem:s0+$0xFFFFFF70] =	vst v8;
	v8 =	vmul.f32 v6, v11;
	v11 =	vld [tilespmem:s0+$0xFFFFFFE0]  }
0x2f6: {  	[tilespmem:s0+$0xFFFFFF80] =	vst v7;
	v7 =	vmul.f32 v6, v14;
	v13 =	vld [tilespmem:s0+$0xFFFFFFF0]  }
0x2f7: {  	[tilespmem:s0+$0xFFFFFF90] =	vst v8;
	v8 =	vmul.f32 v6, v9;
	v9 =	vld [tilespmem:s0+$0x0]  }
0x2f8: {  	[tilespmem:s0+$0xFFFFFFA0] =	vst v7;
	v7 =	vmul.f32 v6, v10;
	v10 =	vld [tilespmem:s0+$0x10]  }
0x2f9: {  	[tilespmem:s0+$0xFFFFFFB0] =	vst v8;
	v8 =	vmul.f32 v6, v12;
	v12 =	vld [tilespmem:s0+$0x20]  }
0x2fa: {  	[tilespmem:s0+$0xFFFFFFC0] =	vst v7;
	v7 =	vmul.f32 v6, v11;
	v11 =	vld [tilespmem:s0+$0x30]  }
0x2fb: {  	[tilespmem:s0+$0xFFFFFFD0] =	vst v8;
	v6 =	vmul.f32 v6, v13;
	v8 =	vld [tilespmem:s0+$0x40]  }
0x2fc: {  	[tilespmem:s0+$0xFFFFFFE0] =	vst v7;
	v7 =	vmul.f32 v5, v9;
	v9 =	vld [tilespmem:s0+$0x50]  }
0x2fd: {  	[tilespmem:s0+$0xFFFFFFF0] =	vst v6;
	v6 =	vmul.f32 v5, v10;
	v10 =	vld [tilespmem:s0+$0x60]  }
0x2fe: {  	[tilespmem:s0+$0x0] =	vst v7;
	v7 =	vmul.f32 v5, v12;
	v12 =	vld [tilespmem:s0+$0x70]  }
0x2ff: {  	[tilespmem:s0+$0x10] =	vst v6;
	v6 =	vmul.f32 v5, v11;
	v11 =	vld [tilespmem:s0+$0x80]  }
0x300: {  	[tilespmem:s0+$0x20] =	vst v7;
	v7 =	vmul.f32 v5, v8;
	v8 =	vld [tilespmem:s0+$0x90]  }
0x301: {  	[tilespmem:s0+$0x30] =	vst v6;
	v6 =	vmul.f32 v5, v9;
	v9 =	vld [tilespmem:s0+$0xA0]  }
0x302: {  	[tilespmem:s0+$0x40] =	vst v7;
	v7 =	vmul.f32 v5, v10;
	v10 =	vld [tilespmem:s0+$0xB0]  }
0x303: {  	[tilespmem:s0+$0x50] =	vst v6;
	v5 =	vmul.f32 v5, v12;
	v6 =	vld [tilespmem:s0+$0xC0]  }
0x304: {  	[tilespmem:s0+$0x60] =	vst v7;
	v7 =	vmul.f32 v4, v11;
	v11 =	vld [tilespmem:s0+$0xD0]  }
0x305: {  	[tilespmem:s0+$0x70] =	vst v5;
	v5 =	vmul.f32 v4, v8;
	v8 =	vld [tilespmem:s0+$0xE0]  }
0x306: {  	[tilespmem:s0+$0x80] =	vst v7;
	v7 =	vmul.f32 v4, v9;
	v9 =	vld [tilespmem:s0+$0xF0]  }
0x307: {  	[tilespmem:s0+$0x90] =	vst v5;
	v5 =	vmul.f32 v4, v10;
	v10 =	vld [tilespmem:s0+$0x100]  }
0x308: {  	[tilespmem:s0+$0xA0] =	vst v7;
	v6 =	vmul.f32 v4, v6;
	v7 =	vld [tilespmem:s0+$0x110]  }
0x309: {  	[tilespmem:s0+$0xB0] =	vst v5;
	v5 =	vmul.f32 v4, v11;
	v11 =	vld [tilespmem:s0+$0x120]  }
0x30a: {  	[tilespmem:s0+$0xC0] =	vst v6;
	v6 =	vmul.f32 v4, v8;
	v8 =	vld [tilespmem:s0+$0x130]  }
0x30b: {  	[tilespmem:s0+$0xD0] =	vst v5;
	v4 =	vmul.f32 v4, v9;
	v9 =	vld [tilespmem:s0+$0x140]  }
0x30c: {  	[tilespmem:s0+$0xE0] =	vst v6;
	v5 =	vmul.f32 v2, v10;
	v12 =	vld [tilespmem:s0+$0x150]  }
.Ltmp4:
0x30d: {  	[tilespmem:s0+$0xF0] =	vst v4;
	v6 =	vmul.f32 v2, v7;
	v4 =	vld [tilespmem:s0+$0x160];
	(pc) =	sbr.rel @p0 .LBB2_11-.Ltmp4, $4  }
0x30e: {  	[tilespmem:s0+$0x100] =	vst v5;
	v7 =	vmul.f32 v2, v11;
	v5 =	vld [tilespmem:s0+$0x170]  }
0x30f: {  	[tilespmem:s0+$0x110] =	vst v6;
	v8 =	vmul.f32 v2, v8;
	v6 =	vld [tilespmem:s0+$0x180]  }
0x310: {  	[tilespmem:s0+$0x120] =	vst v7;
	v10 =	vmul.f32 v2, v9;
	v7 =	vld [tilespmem:s0+$0x190]  }
0x311: {  	v3 =	vadd.s32 $0x8, v3;
	[tilespmem:s0+$0x130] =	vst v8;
	v9 =	vmul.f32 v2, v12;
	v8 =	vld [tilespmem:s0+$0x1A0]  }
0x312: {  	[tilespmem:s0+$0x140] =	vst v10;
	v3 =	vld [tilespmem:s0+$0x1B0];
	v4 =	vmul.f32 v2, v4  }
0x313: {  	v59 =	vld [tilespmem:s0+$0x1C0];
	[tilespmem:s0+$0x150] =	vst v9;
	v2 =	vmul.f32 v2, v5  }
0x314: {  	v60 =	vld [tilespmem:s0+$0x1D0];
	v6 =	vmul.f32 v1, v6;
	[tilespmem:s0+$0x160] =	vst v4  }
0x315: {  	v62 =	vld [tilespmem:s0+$0x1E0];
	v61 =	vmul.f32 v1, v7;
	[tilespmem:s2+$0x170] =	vst v2  }
0x316: {  	v2 =	vmul.f32 v1, v8;
	[tilespmem:s2+$0x180] =	vst v6  }
0x317: {  	s30 =	sadd.s32 $0x1, s30;
	v3 =	vmul.f32 v1, v3;
	[tilespmem:s2+$0x190] =	vst v61  }
0x318: {  	p0 =	sne.s32 s30, $0x14;
	v63 =	vmul.f32 v1, v59;
	[tilespmem:s2+$0x1A0] =	vst v2  }
.Ltmp5:
0x319: {  	v2 =	vmul.f32 v1, v60;
	[tilespmem:s2+$0x1B0] =	vst v3;
	(pc) =	sbr.rel @p0 .LBB2_4-.Ltmp5, $4  }
0x31a: {  	v1 =	vmul.f32 v1, v62;
	[tilespmem:s2+$0x1C0] =	vst v63  }
0x31b: {  	[tilespmem:s2+$0x1D0] =	vst v2  }
0x31c: {  	[tilespmem:s2+$0x1E0] =	vst v1  }
0x31d: {  	[spmem:s4] =	stream.indirect.scatter.add.f32 [tilespmem:s20], [sflag:$0x4], $0x80, s16, s14, $0xb8;
	[tilespmem:$0x1C600] =	vst v63  }
0x31e: {  	_ =	swait.ge [sflag:s17], $0x4000  }
0x31f: {  	[sflag:s17] =	ssyncset.done $0x0  }
0x320: {  	[sflag:s17] =	ssyncadd.s32 $0xFFFFC000  }
0x321: {  	s0 =	stileid.u32;
	[bflag:$0x0] =	sbarrier.arrive $0xFFFF  }
0x322: {  	s0 =	sshll.u32 s0, $0x6;
	s8 =	rddreg [dreg:$0xe]  }
0x323: {  	s0 =	sor.u32 $0x1C09, s0;
	s9 =	rddreg [dreg:$0x14];
	s2 =	sshrl.u32 s8, $0x3  }
0x324: {  	[hbm:s9], [sflag:s0] =	dma.local [spmem:s2], $0x2800  }
0x325: {  	s9 =	simm.s32 $0x9  }
0x326: {  	_ =	swait.ge [sflag:s9], $0x2800  }
0x327: {  	s22 =	rddreg [dreg:$0x16]  }
0x328: {  	s30 =	rddreg [dreg:$0x15];
	s22 =	sadd.s32 $0x1, s22  }
0x329: {  	p0 =	sne.s32 s22, s30  }
.Ltmp6:
0x32a: {  	_ = 	snop;
	(pc) =	sbr.rel @p0 .LBB2_1-.Ltmp6, $3  }
0x32b: {  	_ =	sdelay $0x1  }
0x32c: {  	[sflag:s9] =	ssyncset.done $0x0  }
0x32d: {  	[sflag:s9] =	ssyncadd.s32 $0xFFFFD800;
	s9 =	simm.s32 $0x1C000  }
0x32e: {  	_ =	sfence.sel $0x180000  }
0x32f: {  	[bflag:$0x0] =	sbarrier.arrive $0xFFFF  }
0x330: {  	_ =	strace $0x90000047  }
0x331: {  	s0 =	stileid.u32;
	[bflag:$0x2] =	sbarrier.arrive $0xFFFF  }
0x332: {  	p0 =	sne.s32 s0, $0x0;
	s0 =	rddreg [dreg:$0x4]  }
0x333: {  	s0 =	sadd.s32 @!p0 $0x100000, s0  }
0x334: {  	[sflag:s0] =	ssyncadd.tile.s32 @!p0 $0x1;
	_ =	shalt  }
.Lfunc_end2:
_tile_overlayer_lowered:
.L_overlay_start_2:
0x335: {  	(tag) =	ssettag $0x2  }
0x336: {  	s0 =	rddreg [dreg:$0x0];
	s2 =	stileid.u32  }
0x337: {  	s1 =	rddreg [dreg:$0x1];
	p0 =	sne.s32 s2, $0x0  }
0x338: {  	s3 =	rddreg [dreg:$0x2];
	[bflag:$0x3] =	sbarrier.arrive $0xFFFF;
	s2 =	simm.s32 @!p0 $0x1C09  }
0x339: {  	[timem:s3], [sflag:s2] =	dma.local @!p0 [hbm:s0], s1  }
0x33a: {  	s0 =	simm.s32 @!p0 $0x9  }
0x33b: {  	_ =	swait.ge @!p0 [sflag:s0], s1  }
0x33c: {  	s1 =	ssub.s32 @!p0 $0x0, s1;
	[sflag:s0] =	ssyncset.done @!p0 $0x0  }
0x33d: {  	[sflag:s0] =	ssyncadd.s32 @!p0 s1  }
0x33e: {  	[bflag:$0x3] =	sbarrier.arrive $0xFFFF  }
0x33f: {  	_ =	shalt  }

</sc_bundles>
